<compile_context>
chip_gen: v7x
topology: tpu7x:2x2x1
jax: 0.10.2.dev20260603
libtpu: 0.0.44.dev20260713+nightly
codegen_flags: <defaults>
</compile_context>

<pallas_src>
import functools
import math

import jax
import jax.numpy as jnp
from jax import lax
from jax.experimental import pallas as pl
from jax.experimental.pallas import tpu as pltpu
from jax.experimental.pallas import tpu_sc as plsc

_NC, _NS = 2, 16
_NT = _NC * _NS
_CH = 128


def _pcall(body, out_shape):
    return pl.pallas_call(body, out_shape=out_shape)



@functools.lru_cache(maxsize=None)
def _sc_edge_kernel(npad, epad, w):
    ew = epad // _NT
    nch = ew // _CH
    rpt = npad // _NS
    mesh = plsc.VectorSubcoreMesh(
        core_axis_name="c", subcore_axis_name="s",
        num_cores=_NC, num_subcores=_NS)

    @functools.partial(
        pl.kernel,
        out_type=jax.ShapeDtypeStruct((_NC, npad, w), jnp.float32),
        mesh=mesh,
        compiler_params=pltpu.CompilerParams(needs_layout_passes=False),
        scratch_types=[
            pltpu.VMEM((nch, _CH), jnp.int32),
            pltpu.VMEM((nch, _CH), jnp.int32),
            pltpu.VMEM((_CH, w), jnp.float32),
            pltpu.VMEM((_CH, w), jnp.float32),
            pltpu.VMEM_SHARED((npad, w), jnp.float32),
            pltpu.SemaphoreType.DMA,
            pltpu.SemaphoreType.DMA,
        ],
    )
    def k(src2, dst2, table, zeros, out,
          idxs_v, idxd_v, rows0_v, rows1_v, acc, sem0, sem1):
        c = lax.axis_index("c")
        s = lax.axis_index("s")
        gtid = c * _NS + s
        row0 = gtid * nch
        pltpu.sync_copy(src2.at[pl.ds(row0, nch)], idxs_v)
        pltpu.sync_copy(dst2.at[pl.ds(row0, nch)], idxd_v)
        pltpu.sync_copy(zeros, acc.at[pl.ds(s * rpt, rpt)])
        pltpu.async_copy(table.at[idxs_v.at[0]], rows0_v, sem0)
        plsc.subcore_barrier()

        def body(i, carry):
            j = i * 2
            pltpu.make_async_copy(table.at[idxs_v.at[j]], rows0_v, sem0).wait()
            pltpu.async_copy(table.at[idxs_v.at[j + 1]], rows1_v, sem1)
            pltpu.sync_copy(rows0_v, acc.at[idxd_v.at[j]], add=True)
            pltpu.make_async_copy(table.at[idxs_v.at[j + 1]], rows1_v,
                                  sem1).wait()

            @pl.when(j + 2 < nch)
            def _():
                pltpu.async_copy(table.at[idxs_v.at[j + 2]], rows0_v, sem0)

            pltpu.sync_copy(rows1_v, acc.at[idxd_v.at[j + 1]], add=True)
            return carry

        lax.fori_loop(0, nch // 2, body, 0)
        plsc.subcore_barrier()
        pltpu.sync_copy(acc.at[pl.ds(s * rpt, rpt)],
                        out.at[c, pl.ds(s * rpt, rpt)])

    return k


def _sc_pass_wide(src2, dst2, table, zeros):
    npad = table.shape[0]
    epad = dst2.shape[0] * dst2.shape[1]
    return _sc_edge_kernel(npad, epad, 128)(src2, dst2, table, zeros)


@functools.lru_cache(maxsize=None)
def _sc_narrow_kernel(npad, epad, gather):
    ew = epad // _NT
    nv = ew // 16
    mesh = plsc.VectorSubcoreMesh(
        core_axis_name="c", subcore_axis_name="s",
        num_cores=_NC, num_subcores=_NS)
    scratch = [
        pltpu.VMEM((ew,), jnp.int32),
        pltpu.VMEM((ew,), jnp.int32),
        pltpu.VMEM((npad,), jnp.float32),
        pltpu.VMEM((npad,), jnp.float32),
    ]

    @functools.partial(
        pl.kernel,
        out_type=jax.ShapeDtypeStruct((_NT, npad), jnp.float32),
        mesh=mesh,
        compiler_params=pltpu.CompilerParams(needs_layout_passes=False),
        scratch_types=scratch,
    )
    def k(srcf, dstf, tablef, zerosf, out, idxs_v, idxd_v, tab_v, acc_v):
        c = lax.axis_index("c")
        s = lax.axis_index("s")
        gtid = c * _NS + s
        base = gtid * ew
        pltpu.sync_copy(zerosf, acc_v)
        pltpu.sync_copy(srcf.at[pl.ds(base, ew)], idxs_v)
        pltpu.sync_copy(dstf.at[pl.ds(base, ew)], idxd_v)
        if gather:
            pltpu.sync_copy(tablef, tab_v)
        ones = jnp.full((16,), 1.0, jnp.float32)

        def body(i, carry):
            o = i * 16
            idd = idxd_v[pl.ds(o, 16)]
            if gather:
                ids = idxs_v[pl.ds(o, 16)]
                vals = plsc.load_gather(tab_v, [ids])
            else:
                vals = ones
            plsc.addupdate_scatter(acc_v, [idd], vals)
            return carry

        lax.fori_loop(0, nv, body, 0)
        pltpu.sync_copy(acc_v, out.at[gtid])

    return k


def _sc_pass_nar(srcf, dstf, tablef, zerosf):
    return _sc_narrow_kernel(tablef.shape[0], srcf.shape[0], True)(
        srcf, dstf, tablef, zerosf)


def _sc_pass_deg(srcf, dstf, tablef, zerosf):
    return _sc_narrow_kernel(tablef.shape[0], srcf.shape[0], False)(
        srcf, dstf, tablef, zerosf)



def _t1(xp, w0, degp_t):
    npad = xp.shape[0]

    def body(x_r, w_r, d_r, dinv_r, y0_r):
        deg = jnp.sum(d_r[...], axis=1, keepdims=True) + 2.0
        dinv = lax.rsqrt(deg)
        h0 = jnp.dot(x_r[...], w_r[...], preferred_element_type=jnp.float32)
        dinv_r[...] = dinv
        y0_r[...] = dinv * h0

    return _pcall(body, (jax.ShapeDtypeStruct((npad, 1), jnp.float32),
                         jax.ShapeDtypeStruct((npad, 128), jnp.float32),
                         ))(xp, w0, degp_t)


def _t2a(zp0, zp1, y0, dinv, b0, pvec):
    npad = y0.shape[0]

    def body(z0_r, z1_r, y0_r, dinv_r, b0_r, p_r, x1_r, score_r):
        z = z0_r[...] + z1_r[...] + 2.0 * y0_r[...]
        x1 = jnp.maximum(dinv_r[...] * z + b0_r[...], 0.0)
        p = p_r[...]
        invn = lax.rsqrt(jnp.sum(p * p))
        x1_r[...] = x1
        score_r[...] = jnp.tanh(
            jnp.dot(x1, p, preferred_element_type=jnp.float32) * invn)

    return _pcall(body, (jax.ShapeDtypeStruct((npad, 128), jnp.float32),
                         jax.ShapeDtypeStruct((npad, 1), jnp.float32),
                         ))(zp0, zp1, y0, dinv, b0, pvec)


def _t2(score, x1, w1, n_real, k_sel):
    npad = x1.shape[0]

    def body(score_r, x1_r, w1_r, h2_r, maskf_r):
        score = score_r[...]
        ib = lax.bitcast_convert_type(score, jnp.int32)
        key = jnp.where(ib < 0, ib ^ jnp.int32(0x7FFFFFFF), ib)
        idxcol = lax.broadcasted_iota(jnp.int32, (npad, 1), 0)
        key = jnp.where(idxcol < n_real, key, jnp.int32(-2147483648))
        kk = jnp.int32(k_sel)

        def bs(_, lh):
            lo, hi = lh
            d = hi - lo
            mid = lo + (d >> 1) + (d & 1)
            cnt = jnp.sum((key >= mid).astype(jnp.int32))
            take = cnt >= kk
            return (jnp.where(take, mid, lo), jnp.where(take, hi, mid - 1))

        lo, _ = lax.fori_loop(0, 31, bs, (jnp.int32(-(2 ** 30)),
                                          jnp.int32(2 ** 30 - 1)))
        gt = key > lo
        cnt_gt = jnp.sum(gt.astype(jnp.int32))
        tie = key == lo

        def bs2(_, lh):
            lo2, hi2 = lh
            mid = (lo2 + hi2) >> 1
            c = cnt_gt + jnp.sum((tie & (idxcol <= mid)).astype(jnp.int32))
            take = c >= kk
            return (jnp.where(take, lo2, mid + 1), jnp.where(take, mid, hi2))

        jstar, _ = lax.fori_loop(0, 14, bs2,
                                 (jnp.int32(0), jnp.int32(npad - 1)))
        maskf = (gt | (tie & (idxcol <= jstar))).astype(jnp.float32)
        h2_r[...] = jnp.dot(maskf * score * x1_r[...], w1_r[...],
                            preferred_element_type=jnp.float32)
        maskf_r[...] = maskf

    return _pcall(body, (jax.ShapeDtypeStruct((npad, 128), jnp.float32),
                         jax.ShapeDtypeStruct((npad, 1), jnp.float32),
                         ))(score, x1, w1)


def _t2b(mp_t, maskf):
    npad = maskf.shape[0]

    def body(a_r, m_r, m1_r):
        m1_r[...] = jnp.sum(a_r[...], axis=1, keepdims=True) + m_r[...]

    return _pcall(body, jax.ShapeDtypeStruct((npad, 1), jnp.float32),
                  )(mp_t, maskf)


def _t3(qp_t, m1, maskf, h2):
    npad = h2.shape[0]

    def body(a_r, m1_r, mask_r, h2_r, v_r, dinv2_r):
        m2 = jnp.sum(a_r[...], axis=1, keepdims=True) + m1_r[...]
        deg2 = m2 + 1.0
        dinv2 = mask_r[...] * lax.rsqrt(deg2)
        dinv2_r[...] = dinv2
        v_r[...] = dinv2 * h2_r[...]

    return _pcall(body, (jax.ShapeDtypeStruct((npad, 128), jnp.float32),
                         jax.ShapeDtypeStruct((npad, 1), jnp.float32),
                         ))(qp_t, m1, maskf, h2)


def _t4(rp0, rp1, v):
    npad = v.shape[0]

    def body(a_r, b_r, v_r, o_r):
        o_r[...] = a_r[...] + b_r[...] + v_r[...]

    return _pcall(body, jax.ShapeDtypeStruct((npad, 128), jnp.float32),
                  )(rp0, rp1, v)


def _t5(sp0, sp1, w1v, v, dinv2, maskf, b1, x1, wu, dinv):
    npad = v.shape[0]

    def body(a_r, b_r, w1v_r, v_r, dinv2_r, mask_r, b1_r, x1_r, wu_r,
             dinv_r, y3_r):
        t = a_r[...] + b_r[...] + w1v_r[...]
        z2 = t + v_r[...]
        x2 = mask_r[...] * jnp.maximum(dinv2_r[...] * z2 + b1_r[...], 0.0)
        x3 = x1_r[...] + x2
        h3 = jnp.dot(x3, wu_r[...], preferred_element_type=jnp.float32)
        y3_r[...] = dinv_r[...] * h3

    return _pcall(body, jax.ShapeDtypeStruct((npad, 128), jnp.float32),
                  )(sp0, sp1, w1v, v, dinv2, maskf, b1, x1, wu, dinv)


def _t6(up0, up1, y3, dinv, bu):
    npad = y3.shape[0]

    def body(a_r, b_r, y3_r, dinv_r, bu_r, o_r):
        z = a_r[...] + b_r[...] + 2.0 * y3_r[...]
        o_r[...] = dinv_r[...] * z + bu_r[...]

    return _pcall(body, jax.ShapeDtypeStruct((npad, 128), jnp.float32),
                  )(up0, up1, y3, dinv, bu)



def kernel(x, edge_index, conv0_w, conv0_b, conv1_w, conv1_b, pool0_p,
           up0_w, up0_b):
    n, d_in = x.shape
    e = edge_index.shape[1]
    k_sel = int(math.ceil(0.5 * n))
    npad = ((n + 1 + 2047) // 2048) * 2048
    epad = ((e + _NT * _CH - 1) // (_NT * _CH)) * (_NT * _CH)
    dummy = n

    src = edge_index[0]
    dst = edge_index[1]
    padi = jnp.full((epad - e,), dummy, jnp.int32)
    srcf = jnp.concatenate([src, padi])
    dallf = jnp.concatenate([dst, padi])
    dnsf = jnp.concatenate([jnp.where(src == dst, dummy, dst), padi])
    src2 = srcf.reshape(epad // _CH, _CH)
    dall2 = dallf.reshape(epad // _CH, _CH)
    dns2 = dnsf.reshape(epad // _CH, _CH)

    xp = jnp.pad(x, ((0, npad - n), (0, 0)))
    zeros_w = jnp.zeros((npad // _NS, 128), jnp.float32)
    zeros_f = jnp.zeros((npad,), jnp.float32)
    b0r = conv0_b.reshape(1, 128)
    b1r = conv1_b.reshape(1, 128)
    bur = up0_b.reshape(1, 128)
    pr = pool0_p.reshape(128, 1)

    degp = _sc_pass_deg(srcf, dallf, zeros_f, zeros_f)
    dinv, y0 = _t1(xp, conv0_w, degp.T)
    zp = _sc_pass_wide(src2, dall2, y0, zeros_w)
    x1, score = _t2a(zp[0], zp[1], y0, dinv, b0r, pr)
    h2, maskf = _t2(score, x1, conv1_w, n, k_sel)

    mp = _sc_pass_nar(srcf, dnsf, maskf.reshape(npad), zeros_f)
    m1 = _t2b(mp.T, maskf)
    qp = _sc_pass_nar(srcf, dnsf, m1.reshape(npad), zeros_f)
    v, dinv2 = _t3(qp.T, m1, maskf, h2)
    rp = _sc_pass_wide(src2, dns2, v, zeros_w)
    w1v = _t4(rp[0], rp[1], v)
    sp = _sc_pass_wide(src2, dns2, w1v, zeros_w)
    y3 = _t5(sp[0], sp[1], w1v, v, dinv2, maskf, b1r, x1, up0_w, dinv)

    up = _sc_pass_wide(src2, dall2, y3, zeros_w)
    outf = _t6(up[0], up[1], y3, dinv, bur)
    return outf[:n]

# --- scband reference (transcript-rebuilt; emitter-appended) ---
"""Pipeline reference for scband-graph-unet-13099650253564 (READ-ONLY COPY).

The authoritative reference and input builder live on the scoring server;
editing this copy changes nothing except your own understanding.
"""

import math
import jax
import jax.numpy as jnp
import numpy as np

N = 10000          # nodes
E = 160000         # edges (avg degree 16)
D_IN = 128
D_HID = 128
D_OUT = 128
DEPTH = 1
POOL_RATIO = 0.5


def _glorot(key, fan_in, fan_out):
    limit = math.sqrt(6.0 / (fan_in + fan_out))
    return jax.random.uniform(key, (fan_in, fan_out), jnp.float32, -limit, limit)


def setup_inputs(seed: int = 0):
    key = jax.random.key(seed)
    ks = jax.random.split(key, 9)
    return {
        "x": jax.random.normal(ks[0], (N, D_IN), dtype=jnp.float32),
        "edge_index": jax.random.randint(ks[1], (2, E), 0, N, dtype=jnp.int32),
        "conv0_w": _glorot(ks[2], D_IN, D_HID),
        "conv0_b": jnp.zeros((D_HID,), jnp.float32),
        "conv1_w": _glorot(ks[3], D_HID, D_HID),
        "conv1_b": jnp.zeros((D_HID,), jnp.float32),
        "pool0_p": jax.random.uniform(ks[4], (D_HID,), jnp.float32, -1.0, 1.0) / math.sqrt(D_HID),
        "up0_w": _glorot(ks[5], D_HID, D_OUT),
        "up0_b": jnp.zeros((D_OUT,), jnp.float32),
    }


def _gcn_conv(A, x, w, b):
    # GCNConv(improved=True): A_hat = A + 2*I, symmetric D^-1/2 A_hat D^-1/2 norm.
    n = A.shape[0]
    idx = jnp.arange(n)
    A_hat = A.at[idx, idx].add(2.0)
    deg = A_hat.sum(axis=1)
    dinv = jnp.where(deg > 0, 1.0 / jnp.sqrt(deg), 0.0)
    norm_adj = dinv[:, None] * A_hat * dinv[None, :]
    return norm_adj @ (x @ w) + b


def _augment_pool_adj(A, perm):
    # augment_adj: remove self loops, add self loops (weight 1), spspmm(A, A),
    # remove self loops; TopKPooling's filter_adj then restricts to perm.
    # Since pooling scores do not depend on the adjacency, restricting the
    # matmul to the selected rows/cols gives the identical pooled adjacency.
    n = A.shape[0]
    idx = jnp.arange(n)
    A1 = A.at[idx, idx].set(1.0)
    A2 = A1[perm, :] @ A1[:, perm]
    kidx = jnp.arange(perm.shape[0])
    return A2.at[kidx, kidx].set(0.0)


def _forward(x, edge_index, down, pools, ups):
    n = x.shape[0]
    src = edge_index[0]
    dst = edge_index[1]
    # A[target, source] = summed edge weights (all ones); out = A @ x aggregates at target.
    A = jnp.zeros((n, n), jnp.float32).at[dst, src].add(1.0)
    w, b = down[0]
    x = jax.nn.relu(_gcn_conv(A, x, w, b))
    xs = [x]
    adjs = [A]
    perms = []
    for i in range(1, DEPTH + 1):
        p = pools[i - 1]
        score = jnp.tanh((x @ p) / jnp.linalg.norm(p))
        k = int(math.ceil(POOL_RATIO * x.shape[0]))
        vals, perm = jax.lax.top_k(score, k)
        A = _augment_pool_adj(A, perm)
        x = x[perm] * vals[:, None]
        w, b = down[i]
        x = jax.nn.relu(_gcn_conv(A, x, w, b))
        if i < DEPTH:
            xs.append(x)
            adjs.append(A)
        perms.append(perm)
    for i in range(DEPTH):
        j = DEPTH - 1 - i
        res, Aj, perm = xs[j], adjs[j], perms[j]
        up = jnp.zeros_like(res).at[perm].set(x)
        x = res + up
        w, b = ups[i]
        x = _gcn_conv(Aj, x, w, b)
        if i < DEPTH - 1:
            x = jax.nn.relu(x)
    return x


def reference(x, edge_index, conv0_w, conv0_b, conv1_w, conv1_b, pool0_p, up0_w, up0_b):
    down = [(conv0_w, conv0_b), (conv1_w, conv1_b)]
    pools = [pool0_p]
    ups = [(up0_w, up0_b)]
    return _forward(x, edge_index, down, pools, ups)

if __name__ == "__main__":
    import jax
    _d = setup_inputs()
    print(jax.jit(kernel)(*tuple(_d.values())))

</pallas_src>

<mosaic_0001>
#map = affine_map<(d0, d1) -> (0)>
#map1 = affine_map<(d0, d1) -> (0, 0)>
module attributes {stable_mosaic.version = 14 : i64} {
  func.func @k(%arg0: i32, %arg1: i32, %arg2: memref<163840xi32, #tpu.memory_space<hbm>>, %arg3: memref<163840xi32, #tpu.memory_space<hbm>>, %arg4: memref<10240xf32, #tpu.memory_space<hbm>>, %arg5: memref<10240xf32, #tpu.memory_space<hbm>>, %arg6: memref<32x10240xf32, #tpu.memory_space<hbm>>, %arg7: memref<5120xi32, #tpu.memory_space<vmem>>, %arg8: memref<5120xi32, #tpu.memory_space<vmem>>, %arg9: memref<10240xf32, #tpu.memory_space<vmem>>, %arg10: memref<10240xf32, #tpu.memory_space<vmem>>) attributes {dimension_semantics = [#tpu.dimension_semantics<core_parallel>, #tpu.dimension_semantics<subcore_parallel>], iteration_bounds = array<i64: 2, 16>, scalar_prefetch = 0 : i64, scratch_operands = 4 : i64, tpu.core_type = #tpu.core_type<sc_vector_subcore>, window_params = [{transform_indices = #map}, {transform_indices = #map}, {transform_indices = #map}, {transform_indices = #map}, {transform_indices = #map1}]} {
    %mul3A = arith.constant 16 : i32
    %mul3A_0 = arith.muli %arg0, %mul3A : i32
    %add3A = arith.addi %mul3A_0, %arg1 : i32
    %mul3A_1 = arith.constant 5120 : i32
    %mul3A_2 = arith.muli %add3A, %mul3A_1 : i32
    "tpu.region"() ({
      %run_scoped3A = tpu.sem_alloc : memref<!tpu.dma_semaphore, #tpu.memory_space<semaphore_mem>>
      tpu.enqueue_dma source(%arg5 : memref<10240xf32, #tpu.memory_space<hbm>>) target(%arg10 : memref<10240xf32, #tpu.memory_space<vmem>>) target_semaphore(%run_scoped3A : memref<!tpu.dma_semaphore, #tpu.memory_space<semaphore_mem>>)
      tpu.wait_dma2 semaphore(%run_scoped3A : memref<!tpu.dma_semaphore, #tpu.memory_space<semaphore_mem>>) src(%arg5 : memref<10240xf32, #tpu.memory_space<hbm>>) dst(%arg10 : memref<10240xf32, #tpu.memory_space<vmem>>)
      tpu.yield
    }) : () -> ()
    "tpu.region"() ({
      %run_scoped3A = tpu.sem_alloc : memref<!tpu.dma_semaphore, #tpu.memory_space<semaphore_mem>>
      %dma_start3A = tpu.memref_slice %arg2[%mul3A_2] : memref<163840xi32, #tpu.memory_space<hbm>> -> memref<5120xi32, #tpu.memory_space<hbm>>
      %dma_start3A_9 = tpu.memref_slice %arg2[%mul3A_2] : memref<163840xi32, #tpu.memory_space<hbm>> -> memref<5120xi32, #tpu.memory_space<hbm>>
      tpu.enqueue_dma source(%dma_start3A_9 : memref<5120xi32, #tpu.memory_space<hbm>>) target(%arg7 : memref<5120xi32, #tpu.memory_space<vmem>>) target_semaphore(%run_scoped3A : memref<!tpu.dma_semaphore, #tpu.memory_space<semaphore_mem>>)
      %dma_wait3A = tpu.memref_slice %arg2[%mul3A_2] : memref<163840xi32, #tpu.memory_space<hbm>> -> memref<5120xi32, #tpu.memory_space<hbm>>
      %dma_wait3A_10 = tpu.memref_slice %arg2[%mul3A_2] : memref<163840xi32, #tpu.memory_space<hbm>> -> memref<5120xi32, #tpu.memory_space<hbm>>
      tpu.wait_dma2 semaphore(%run_scoped3A : memref<!tpu.dma_semaphore, #tpu.memory_space<semaphore_mem>>) src(%dma_wait3A_10 : memref<5120xi32, #tpu.memory_space<hbm>>) dst(%arg7 : memref<5120xi32, #tpu.memory_space<vmem>>)
      tpu.yield
    }) : () -> ()
    "tpu.region"() ({
      %run_scoped3A = tpu.sem_alloc : memref<!tpu.dma_semaphore, #tpu.memory_space<semaphore_mem>>
      %dma_start3A = tpu.memref_slice %arg3[%mul3A_2] : memref<163840xi32, #tpu.memory_space<hbm>> -> memref<5120xi32, #tpu.memory_space<hbm>>
      %dma_start3A_9 = tpu.memref_slice %arg3[%mul3A_2] : memref<163840xi32, #tpu.memory_space<hbm>> -> memref<5120xi32, #tpu.memory_space<hbm>>
      tpu.enqueue_dma source(%dma_start3A_9 : memref<5120xi32, #tpu.memory_space<hbm>>) target(%arg8 : memref<5120xi32, #tpu.memory_space<vmem>>) target_semaphore(%run_scoped3A : memref<!tpu.dma_semaphore, #tpu.memory_space<semaphore_mem>>)
      %dma_wait3A = tpu.memref_slice %arg3[%mul3A_2] : memref<163840xi32, #tpu.memory_space<hbm>> -> memref<5120xi32, #tpu.memory_space<hbm>>
      %dma_wait3A_10 = tpu.memref_slice %arg3[%mul3A_2] : memref<163840xi32, #tpu.memory_space<hbm>> -> memref<5120xi32, #tpu.memory_space<hbm>>
      tpu.wait_dma2 semaphore(%run_scoped3A : memref<!tpu.dma_semaphore, #tpu.memory_space<semaphore_mem>>) src(%dma_wait3A_10 : memref<5120xi32, #tpu.memory_space<hbm>>) dst(%arg8 : memref<5120xi32, #tpu.memory_space<vmem>>)
      tpu.yield
    }) : () -> ()
    %broadcast_in_dim3A = arith.constant 1.000000e+00 : f32
    %broadcast_in_dim3A_3 = vector.broadcast %broadcast_in_dim3A : f32 to vector<16xf32>
    %scan3A = arith.constant 0 : i32
    %scan3A_4 = arith.constant 0 : i32
    %scan3A_5 = arith.constant 320 : i32
    %scan3A_6 = arith.addi %scan3A_4, %scan3A_5 : i32
    %scan3A_7 = arith.constant 1 : i32
    scf.for %scan3A_9 = %scan3A_4 to %scan3A_6 step %scan3A_7  : i32 {
      %mul3A_10 = arith.constant 16 : i32
      %mul3A_11 = arith.muli %scan3A_9, %mul3A_10 : i32
      %get3A = arith.index_cast %mul3A_11 : i32 to index
      %get3A_12 = tpu.vector_load %arg8[%get3A] {strides = array<i32>} : memref<5120xi32, #tpu.memory_space<vmem>>, vector<16xi32>,
      tpu.vector_store_idx %arg10[%get3A_12], %broadcast_in_dim3A_3 {add = true} : memref<10240xf32, #tpu.memory_space<vmem>>[vector<16xi32>], vector<16xf32>,
    }
    %scan3A_8 = arith.constant 320 : i32
    "tpu.region"() ({
      %run_scoped3A = tpu.sem_alloc : memref<!tpu.dma_semaphore, #tpu.memory_space<semaphore_mem>>
      %dma_start3A = arith.constant 0 : i32
      %dma_start3A_9 = tpu.memref_slice %arg6[%add3A, %dma_start3A] : memref<32x10240xf32, #tpu.memory_space<hbm>> -> memref<1x10240xf32, #tpu.memory_space<hbm>>
      %dma_start3A_10 = tpu.memref_squeeze %dma_start3A_9 : memref<1x10240xf32, #tpu.memory_space<hbm>> -> memref<10240xf32, #tpu.memory_space<hbm>>
      %dma_start3A_11 = arith.constant 0 : i32
      %dma_start3A_12 = tpu.memref_slice %arg6[%add3A, %dma_start3A_11] : memref<32x10240xf32, #tpu.memory_space<hbm>> -> memref<1x10240xf32, #tpu.memory_space<hbm>>
      %dma_start3A_13 = tpu.memref_squeeze %dma_start3A_12 : memref<1x10240xf32, #tpu.memory_space<hbm>> -> memref<10240xf32, #tpu.memory_space<hbm>>
      tpu.enqueue_dma source(%arg10 : memref<10240xf32, #tpu.memory_space<vmem>>) target(%dma_start3A_13 : memref<10240xf32, #tpu.memory_space<hbm>>) target_semaphore(%run_scoped3A : memref<!tpu.dma_semaphore, #tpu.memory_space<semaphore_mem>>)
      %dma_wait3A = arith.constant 0 : i32
      %dma_wait3A_14 = tpu.memref_slice %arg6[%add3A, %dma_wait3A] : memref<32x10240xf32, #tpu.memory_space<hbm>> -> memref<1x10240xf32, #tpu.memory_space<hbm>>
      %dma_wait3A_15 = tpu.memref_squeeze %dma_wait3A_14 : memref<1x10240xf32, #tpu.memory_space<hbm>> -> memref<10240xf32, #tpu.memory_space<hbm>>
      %dma_wait3A_16 = arith.constant 0 : i32
      %dma_wait3A_17 = tpu.memref_slice %arg6[%add3A, %dma_wait3A_16] : memref<32x10240xf32, #tpu.memory_space<hbm>> -> memref<1x10240xf32, #tpu.memory_space<hbm>>
      %dma_wait3A_18 = tpu.memref_squeeze %dma_wait3A_17 : memref<1x10240xf32, #tpu.memory_space<hbm>> -> memref<10240xf32, #tpu.memory_space<hbm>>
      tpu.wait_dma2 semaphore(%run_scoped3A : memref<!tpu.dma_semaphore, #tpu.memory_space<semaphore_mem>>) src(%arg10 : memref<10240xf32, #tpu.memory_space<vmem>>) dst(%dma_wait3A_18 : memref<10240xf32, #tpu.memory_space<hbm>>)
      tpu.yield
    }) : () -> ()
    return
  }
}

#map = affine_map<(d0, d1) -> (0, 0)>
#map1 = affine_map<(d0, d1) -> (0, 0, 0)>
module attributes {stable_mosaic.version = 14 : i64} {
  func.func @k(%arg0: i32, %arg1: i32, %arg2: memref<1280x128xi32, #tpu.memory_space<hbm>>, %arg3: memref<1280x128xi32, #tpu.memory_space<hbm>>, %arg4: memref<10240x128xf32, #tpu.memory_space<hbm>>, %arg5: memref<640x128xf32, #tpu.memory_space<hbm>>, %arg6: memref<2x10240x128xf32, #tpu.memory_space<hbm>>, %arg7: memref<40x128xi32, #tpu.memory_space<vmem>>, %arg8: memref<40x128xi32, #tpu.memory_space<vmem>>, %arg9: memref<128x128xf32, #tpu.memory_space<vmem>>, %arg10: memref<128x128xf32, #tpu.memory_space<vmem>>, %arg11: memref<10240x128xf32, #tpu.memory_space<vmem_shared>>, %arg12: memref<!tpu.dma_semaphore, #tpu.memory_space<semaphore_mem>>, %arg13: memref<!tpu.dma_semaphore, #tpu.memory_space<semaphore_mem>>) attributes {dimension_semantics = [#tpu.dimension_semantics<core_parallel>, #tpu.dimension_semantics<subcore_parallel>], iteration_bounds = array<i64: 2, 16>, scalar_prefetch = 0 : i64, scratch_operands = 7 : i64, tpu.core_type = #tpu.core_type<sc_vector_subcore>, window_params = [{transform_indices = #map}, {transform_indices = #map}, {transform_indices = #map}, {transform_indices = #map}, {transform_indices = #map1}]} {
    %mul3A = arith.constant 16 : i32
    %mul3A_0 = arith.muli %arg0, %mul3A : i32
    %add3A = arith.addi %mul3A_0, %arg1 : i32
    %mul3A_1 = arith.constant 40 : i32
    %mul3A_2 = arith.muli %add3A, %mul3A_1 : i32
    "tpu.region"() ({
      %run_scoped3A = tpu.sem_alloc : memref<!tpu.dma_semaphore, #tpu.memory_space<semaphore_mem>>
      %dma_start3A_21 = arith.constant 0 : i32
      %dma_start3A_22 = tpu.memref_slice %arg2[%mul3A_2, %dma_start3A_21] : memref<1280x128xi32, #tpu.memory_space<hbm>> -> memref<40x128xi32, #tpu.memory_space<hbm>>
      %dma_start3A_23 = arith.constant 0 : i32
      %dma_start3A_24 = tpu.memref_slice %arg2[%mul3A_2, %dma_start3A_23] : memref<1280x128xi32, #tpu.memory_space<hbm>> -> memref<40x128xi32, #tpu.memory_space<hbm>>
      tpu.enqueue_dma source(%dma_start3A_24 : memref<40x128xi32, #tpu.memory_space<hbm>>) target(%arg7 : memref<40x128xi32, #tpu.memory_space<vmem>>) target_semaphore(%run_scoped3A : memref<!tpu.dma_semaphore, #tpu.memory_space<semaphore_mem>>)
      %dma_wait3A = arith.constant 0 : i32
      %dma_wait3A_25 = tpu.memref_slice %arg2[%mul3A_2, %dma_wait3A] : memref<1280x128xi32, #tpu.memory_space<hbm>> -> memref<40x128xi32, #tpu.memory_space<hbm>>
      %dma_wait3A_26 = arith.constant 0 : i32
      %dma_wait3A_27 = tpu.memref_slice %arg2[%mul3A_2, %dma_wait3A_26] : memref<1280x128xi32, #tpu.memory_space<hbm>> -> memref<40x128xi32, #tpu.memory_space<hbm>>
      tpu.wait_dma2 semaphore(%run_scoped3A : memref<!tpu.dma_semaphore, #tpu.memory_space<semaphore_mem>>) src(%dma_wait3A_27 : memref<40x128xi32, #tpu.memory_space<hbm>>) dst(%arg7 : memref<40x128xi32, #tpu.memory_space<vmem>>)
      tpu.yield
    }) : () -> ()
    "tpu.region"() ({
      %run_scoped3A = tpu.sem_alloc : memref<!tpu.dma_semaphore, #tpu.memory_space<semaphore_mem>>
      %dma_start3A_21 = arith.constant 0 : i32
      %dma_start3A_22 = tpu.memref_slice %arg3[%mul3A_2, %dma_start3A_21] : memref<1280x128xi32, #tpu.memory_space<hbm>> -> memref<40x128xi32, #tpu.memory_space<hbm>>
      %dma_start3A_23 = arith.constant 0 : i32
      %dma_start3A_24 = tpu.memref_slice %arg3[%mul3A_2, %dma_start3A_23] : memref<1280x128xi32, #tpu.memory_space<hbm>> -> memref<40x128xi32, #tpu.memory_space<hbm>>
      tpu.enqueue_dma source(%dma_start3A_24 : memref<40x128xi32, #tpu.memory_space<hbm>>) target(%arg8 : memref<40x128xi32, #tpu.memory_space<vmem>>) target_semaphore(%run_scoped3A : memref<!tpu.dma_semaphore, #tpu.memory_space<semaphore_mem>>)
      %dma_wait3A = arith.constant 0 : i32
      %dma_wait3A_25 = tpu.memref_slice %arg3[%mul3A_2, %dma_wait3A] : memref<1280x128xi32, #tpu.memory_space<hbm>> -> memref<40x128xi32, #tpu.memory_space<hbm>>
      %dma_wait3A_26 = arith.constant 0 : i32
      %dma_wait3A_27 = tpu.memref_slice %arg3[%mul3A_2, %dma_wait3A_26] : memref<1280x128xi32, #tpu.memory_space<hbm>> -> memref<40x128xi32, #tpu.memory_space<hbm>>
      tpu.wait_dma2 semaphore(%run_scoped3A : memref<!tpu.dma_semaphore, #tpu.memory_space<semaphore_mem>>) src(%dma_wait3A_27 : memref<40x128xi32, #tpu.memory_space<hbm>>) dst(%arg8 : memref<40x128xi32, #tpu.memory_space<vmem>>)
      tpu.yield
    }) : () -> ()
    %mul3A_3 = arith.constant 640 : i32
    %mul3A_4 = arith.muli %arg1, %mul3A_3 : i32
    "tpu.region"() ({
      %run_scoped3A = tpu.sem_alloc : memref<!tpu.dma_semaphore, #tpu.memory_space<semaphore_mem>>
      %dma_start3A_21 = arith.constant 0 : i32
      %dma_start3A_22 = tpu.memref_slice %arg11[%mul3A_4, %dma_start3A_21] : memref<10240x128xf32, #tpu.memory_space<vmem_shared>> -> memref<640x128xf32, #tpu.memory_space<vmem_shared>>
      tpu.enqueue_dma source(%arg5 : memref<640x128xf32, #tpu.memory_space<hbm>>) target(%dma_start3A_22 : memref<640x128xf32, #tpu.memory_space<vmem_shared>>) target_semaphore(%run_scoped3A : memref<!tpu.dma_semaphore, #tpu.memory_space<semaphore_mem>>)
      %dma_wait3A = arith.constant 0 : i32
      %dma_wait3A_23 = tpu.memref_slice %arg11[%mul3A_4, %dma_wait3A] : memref<10240x128xf32, #tpu.memory_space<vmem_shared>> -> memref<640x128xf32, #tpu.memory_space<vmem_shared>>
      tpu.wait_dma2 semaphore(%run_scoped3A : memref<!tpu.dma_semaphore, #tpu.memory_space<semaphore_mem>>) src(%arg5 : memref<640x128xf32, #tpu.memory_space<hbm>>) dst(%dma_wait3A_23 : memref<640x128xf32, #tpu.memory_space<vmem_shared>>)
      tpu.yield
    }) : () -> ()
    %dma_start3A = arith.constant 0 : i32
    %dma_start3A_5 = arith.constant 0 : i32
    %dma_start3A_6 = tpu.memref_slice %arg7[%dma_start3A, %dma_start3A_5] : memref<40x128xi32, #tpu.memory_space<vmem>> -> memref<1x128xi32, #tpu.memory_space<vmem>>
    %dma_start3A_7 = tpu.memref_squeeze %dma_start3A_6 : memref<1x128xi32, #tpu.memory_space<vmem>> -> memref<128xi32, #tpu.memory_space<vmem>>
    %dma_start3A_8 = arith.constant 0 : i32
    %dma_start3A_9 = arith.constant 0 : i32
    %dma_start3A_10 = tpu.memref_slice %arg4[%dma_start3A_8, %dma_start3A_9] : memref<10240x128xf32, #tpu.memory_space<hbm>> -> memref<10240x128xf32, #tpu.memory_space<hbm>>
    tpu.enqueue_indirect_dma source(%dma_start3A_10 : memref<10240x128xf32, #tpu.memory_space<hbm>>) target(%arg9 : memref<128x128xf32, #tpu.memory_space<vmem>>) offsets(%dma_start3A_7 : memref<128xi32, #tpu.memory_space<vmem>>) semaphore(%arg12 : memref<!tpu.dma_semaphore, #tpu.memory_space<semaphore_mem>>)
    %barrier3A = arith.constant 0 : index
    tpu.barrier barrier_id(%barrier3A)
    %scan3A = arith.constant 0 : i32
    %scan3A_11 = arith.constant 0 : i32
    %scan3A_12 = arith.constant 20 : i32
    %scan3A_13 = arith.addi %scan3A_11, %scan3A_12 : i32
    %scan3A_14 = arith.constant 1 : i32
    scf.for %scan3A_21 = %scan3A_11 to %scan3A_13 step %scan3A_14  : i32 {
      %mul3A_22 = arith.constant 2 : i32
      %mul3A_23 = arith.muli %scan3A_21, %mul3A_22 : i32
      %dma_wait3A = arith.constant 0 : i32
      %dma_wait3A_24 = tpu.memref_slice %arg7[%mul3A_23, %dma_wait3A] : memref<40x128xi32, #tpu.memory_space<vmem>> -> memref<1x128xi32, #tpu.memory_space<vmem>>
      %dma_wait3A_25 = tpu.memref_squeeze %dma_wait3A_24 : memref<1x128xi32, #tpu.memory_space<vmem>> -> memref<128xi32, #tpu.memory_space<vmem>>
      %dma_wait3A_26 = arith.constant 0 : i32
      %dma_wait3A_27 = arith.constant 0 : i32
      %dma_wait3A_28 = tpu.memref_slice %arg4[%dma_wait3A_26, %dma_wait3A_27] : memref<10240x128xf32, #tpu.memory_space<hbm>> -> memref<10240x128xf32, #tpu.memory_space<hbm>>
      tpu.wait_indirect_dma semaphore(%arg12 : memref<!tpu.dma_semaphore, #tpu.memory_space<semaphore_mem>>) src(%dma_wait3A_28 : memref<10240x128xf32, #tpu.memory_space<hbm>>) dst(%arg9 : memref<128x128xf32, #tpu.memory_space<vmem>>)
      %add3A_29 = arith.constant 1 : i32
      %add3A_30 = arith.addi %mul3A_23, %add3A_29 : i32
      %dma_start3A_31 = arith.constant 0 : i32
      %dma_start3A_32 = tpu.memref_slice %arg7[%add3A_30, %dma_start3A_31] : memref<40x128xi32, #tpu.memory_space<vmem>> -> memref<1x128xi32, #tpu.memory_space<vmem>>
      %dma_start3A_33 = tpu.memref_squeeze %dma_start3A_32 : memref<1x128xi32, #tpu.memory_space<vmem>> -> memref<128xi32, #tpu.memory_space<vmem>>
      %dma_start3A_34 = arith.constant 0 : i32
      %dma_start3A_35 = arith.constant 0 : i32
      %dma_start3A_36 = tpu.memref_slice %arg4[%dma_start3A_34, %dma_start3A_35] : memref<10240x128xf32, #tpu.memory_space<hbm>> -> memref<10240x128xf32, #tpu.memory_space<hbm>>
      tpu.enqueue_indirect_dma source(%dma_start3A_36 : memref<10240x128xf32, #tpu.memory_space<hbm>>) target(%arg10 : memref<128x128xf32, #tpu.memory_space<vmem>>) offsets(%dma_start3A_33 : memref<128xi32, #tpu.memory_space<vmem>>) semaphore(%arg13 : memref<!tpu.dma_semaphore, #tpu.memory_space<semaphore_mem>>)
      "tpu.region"() ({
        %run_scoped3A = tpu.sem_alloc : memref<!tpu.dma_semaphore, #tpu.memory_space<semaphore_mem>>
        %dma_start3A_51 = arith.constant 0 : i32
        %dma_start3A_52 = tpu.memref_slice %arg8[%mul3A_23, %dma_start3A_51] : memref<40x128xi32, #tpu.memory_space<vmem>> -> memref<1x128xi32, #tpu.memory_space<vmem>>
        %dma_start3A_53 = tpu.memref_squeeze %dma_start3A_52 : memref<1x128xi32, #tpu.memory_space<vmem>> -> memref<128xi32, #tpu.memory_space<vmem>>
        %dma_start3A_54 = arith.constant 0 : i32
        %dma_start3A_55 = arith.constant 0 : i32
        %dma_start3A_56 = tpu.memref_slice %arg11[%dma_start3A_54, %dma_start3A_55] : memref<10240x128xf32, #tpu.memory_space<vmem_shared>> -> memref<10240x128xf32, #tpu.memory_space<vmem_shared>>
        tpu.enqueue_indirect_dma source(%arg9 : memref<128x128xf32, #tpu.memory_space<vmem>>) target(%dma_start3A_56 : memref<10240x128xf32, #tpu.memory_space<vmem_shared>>) offsets(%dma_start3A_53 : memref<128xi32, #tpu.memory_space<vmem>>) semaphore(%run_scoped3A : memref<!tpu.dma_semaphore, #tpu.memory_space<semaphore_mem>>) {add = true}
        %dma_wait3A_57 = arith.constant 0 : i32
        %dma_wait3A_58 = tpu.memref_slice %arg8[%mul3A_23, %dma_wait3A_57] : memref<40x128xi32, #tpu.memory_space<vmem>> -> memref<1x128xi32, #tpu.memory_space<vmem>>
        %dma_wait3A_59 = tpu.memref_squeeze %dma_wait3A_58 : memref<1x128xi32, #tpu.memory_space<vmem>> -> memref<128xi32, #tpu.memory_space<vmem>>
        %dma_wait3A_60 = arith.constant 0 : i32
        %dma_wait3A_61 = arith.constant 0 : i32
        %dma_wait3A_62 = tpu.memref_slice %arg11[%dma_wait3A_60, %dma_wait3A_61] : memref<10240x128xf32, #tpu.memory_space<vmem_shared>> -> memref<10240x128xf32, #tpu.memory_space<vmem_shared>>
        tpu.wait_indirect_dma semaphore(%run_scoped3A : memref<!tpu.dma_semaphore, #tpu.memory_space<semaphore_mem>>) src(%arg9 : memref<128x128xf32, #tpu.memory_space<vmem>>) dst(%dma_wait3A_62 : memref<10240x128xf32, #tpu.memory_space<vmem_shared>>)
        tpu.yield
      }) : () -> ()
      %add3A_37 = arith.constant 1 : i32
      %add3A_38 = arith.addi %mul3A_23, %add3A_37 : i32
      %dma_wait3A_39 = arith.constant 0 : i32
      %dma_wait3A_40 = tpu.memref_slice %arg7[%add3A_38, %dma_wait3A_39] : memref<40x128xi32, #tpu.memory_space<vmem>> -> memref<1x128xi32, #tpu.memory_space<vmem>>
      %dma_wait3A_41 = tpu.memref_squeeze %dma_wait3A_40 : memref<1x128xi32, #tpu.memory_space<vmem>> -> memref<128xi32, #tpu.memory_space<vmem>>
      %dma_wait3A_42 = arith.constant 0 : i32
      %dma_wait3A_43 = arith.constant 0 : i32
      %dma_wait3A_44 = tpu.memref_slice %arg4[%dma_wait3A_42, %dma_wait3A_43] : memref<10240x128xf32, #tpu.memory_space<hbm>> -> memref<10240x128xf32, #tpu.memory_space<hbm>>
      tpu.wait_indirect_dma semaphore(%arg13 : memref<!tpu.dma_semaphore, #tpu.memory_space<semaphore_mem>>) src(%dma_wait3A_44 : memref<10240x128xf32, #tpu.memory_space<hbm>>) dst(%arg10 : memref<128x128xf32, #tpu.memory_space<vmem>>)
      %add3A_45 = arith.constant 2 : i32
      %add3A_46 = arith.addi %mul3A_23, %add3A_45 : i32
      %lt3A = arith.constant 40 : i32
      %lt3A_47 = arith.cmpi slt, %add3A_46, %lt3A : i32
      %convert_element_type3A = arith.extui %lt3A_47 : i1 to i32
      %cond3A = arith.constant 0 : i32
      %cond3A_48 = arith.cmpi ne, %convert_element_type3A, %cond3A : i32
      scf.if %cond3A_48 {
        %add3A_51 = arith.constant 2 : i32
        %add3A_52 = arith.addi %mul3A_23, %add3A_51 : i32
        %dma_start3A_53 = arith.constant 0 : i32
        %dma_start3A_54 = tpu.memref_slice %arg7[%add3A_52, %dma_start3A_53] : memref<40x128xi32, #tpu.memory_space<vmem>> -> memref<1x128xi32, #tpu.memory_space<vmem>>
        %dma_start3A_55 = tpu.memref_squeeze %dma_start3A_54 : memref<1x128xi32, #tpu.memory_space<vmem>> -> memref<128xi32, #tpu.memory_space<vmem>>
        %dma_start3A_56 = arith.constant 0 : i32
        %dma_start3A_57 = arith.constant 0 : i32
        %dma_start3A_58 = tpu.memref_slice %arg4[%dma_start3A_56, %dma_start3A_57] : memref<10240x128xf32, #tpu.memory_space<hbm>> -> memref<10240x128xf32, #tpu.memory_space<hbm>>
        tpu.enqueue_indirect_dma source(%dma_start3A_58 : memref<10240x128xf32, #tpu.memory_space<hbm>>) target(%arg9 : memref<128x128xf32, #tpu.memory_space<vmem>>) offsets(%dma_start3A_55 : memref<128xi32, #tpu.memory_space<vmem>>) semaphore(%arg12 : memref<!tpu.dma_semaphore, #tpu.memory_space<semaphore_mem>>)
      } else {
      }
      %add3A_49 = arith.constant 1 : i32
      %add3A_50 = arith.addi %mul3A_23, %add3A_49 : i32
      "tpu.region"() ({
        %run_scoped3A = tpu.sem_alloc : memref<!tpu.dma_semaphore, #tpu.memory_space<semaphore_mem>>
        %dma_start3A_51 = arith.constant 0 : i32
        %dma_start3A_52 = tpu.memref_slice %arg8[%add3A_50, %dma_start3A_51] : memref<40x128xi32, #tpu.memory_space<vmem>> -> memref<1x128xi32, #tpu.memory_space<vmem>>
        %dma_start3A_53 = tpu.memref_squeeze %dma_start3A_52 : memref<1x128xi32, #tpu.memory_space<vmem>> -> memref<128xi32, #tpu.memory_space<vmem>>
        %dma_start3A_54 = arith.constant 0 : i32
        %dma_start3A_55 = arith.constant 0 : i32
        %dma_start3A_56 = tpu.memref_slice %arg11[%dma_start3A_54, %dma_start3A_55] : memref<10240x128xf32, #tpu.memory_space<vmem_shared>> -> memref<10240x128xf32, #tpu.memory_space<vmem_shared>>
        tpu.enqueue_indirect_dma source(%arg10 : memref<128x128xf32, #tpu.memory_space<vmem>>) target(%dma_start3A_56 : memref<10240x128xf32, #tpu.memory_space<vmem_shared>>) offsets(%dma_start3A_53 : memref<128xi32, #tpu.memory_space<vmem>>) semaphore(%run_scoped3A : memref<!tpu.dma_semaphore, #tpu.memory_space<semaphore_mem>>) {add = true}
        %dma_wait3A_57 = arith.constant 0 : i32
        %dma_wait3A_58 = tpu.memref_slice %arg8[%add3A_50, %dma_wait3A_57] : memref<40x128xi32, #tpu.memory_space<vmem>> -> memref<1x128xi32, #tpu.memory_space<vmem>>
        %dma_wait3A_59 = tpu.memref_squeeze %dma_wait3A_58 : memref<1x128xi32, #tpu.memory_space<vmem>> -> memref<128xi32, #tpu.memory_space<vmem>>
        %dma_wait3A_60 = arith.constant 0 : i32
        %dma_wait3A_61 = arith.constant 0 : i32
        %dma_wait3A_62 = tpu.memref_slice %arg11[%dma_wait3A_60, %dma_wait3A_61] : memref<10240x128xf32, #tpu.memory_space<vmem_shared>> -> memref<10240x128xf32, #tpu.memory_space<vmem_shared>>
        tpu.wait_indirect_dma semaphore(%run_scoped3A : memref<!tpu.dma_semaphore, #tpu.memory_space<semaphore_mem>>) src(%arg10 : memref<128x128xf32, #tpu.memory_space<vmem>>) dst(%dma_wait3A_62 : memref<10240x128xf32, #tpu.memory_space<vmem_shared>>)
        tpu.yield
      }) : () -> ()
    }
    %scan3A_15 = arith.constant 20 : i32
    %barrier3A_16 = arith.constant 0 : index
    tpu.barrier barrier_id(%barrier3A_16)
    %mul3A_17 = arith.constant 640 : i32
    %mul3A_18 = arith.muli %arg1, %mul3A_17 : i32
    %mul3A_19 = arith.constant 640 : i32
    %mul3A_20 = arith.muli %arg1, %mul3A_19 : i32
    "tpu.region"() ({
      %run_scoped3A = tpu.sem_alloc : memref<!tpu.dma_semaphore, #tpu.memory_space<semaphore_mem>>
      %dma_start3A_21 = arith.constant 0 : i32
      %dma_start3A_22 = tpu.memref_slice %arg6[%arg0, %mul3A_20, %dma_start3A_21] : memref<2x10240x128xf32, #tpu.memory_space<hbm>> -> memref<1x640x128xf32, #tpu.memory_space<hbm>>
      %dma_start3A_23 = tpu.memref_squeeze %dma_start3A_22 : memref<1x640x128xf32, #tpu.memory_space<hbm>> -> memref<640x128xf32, #tpu.memory_space<hbm>>
      %dma_start3A_24 = arith.constant 0 : i32
      %dma_start3A_25 = tpu.memref_slice %arg11[%mul3A_18, %dma_start3A_24] : memref<10240x128xf32, #tpu.memory_space<vmem_shared>> -> memref<640x128xf32, #tpu.memory_space<vmem_shared>>
      tpu.enqueue_dma source(%dma_start3A_25 : memref<640x128xf32, #tpu.memory_space<vmem_shared>>) target(%dma_start3A_23 : memref<640x128xf32, #tpu.memory_space<hbm>>) target_semaphore(%run_scoped3A : memref<!tpu.dma_semaphore, #tpu.memory_space<semaphore_mem>>)
      %dma_wait3A = arith.constant 0 : i32
      %dma_wait3A_26 = tpu.memref_slice %arg6[%arg0, %mul3A_20, %dma_wait3A] : memref<2x10240x128xf32, #tpu.memory_space<hbm>> -> memref<1x640x128xf32, #tpu.memory_space<hbm>>
      %dma_wait3A_27 = tpu.memref_squeeze %dma_wait3A_26 : memref<1x640x128xf32, #tpu.memory_space<hbm>> -> memref<640x128xf32, #tpu.memory_space<hbm>>
      %dma_wait3A_28 = arith.constant 0 : i32
      %dma_wait3A_29 = tpu.memref_slice %arg11[%mul3A_18, %dma_wait3A_28] : memref<10240x128xf32, #tpu.memory_space<vmem_shared>> -> memref<640x128xf32, #tpu.memory_space<vmem_shared>>
      tpu.wait_dma2 semaphore(%run_scoped3A : memref<!tpu.dma_semaphore, #tpu.memory_space<semaphore_mem>>) src(%dma_wait3A_29 : memref<640x128xf32, #tpu.memory_space<vmem_shared>>) dst(%dma_wait3A_27 : memref<640x128xf32, #tpu.memory_space<hbm>>)
      tpu.yield
    }) : () -> ()
    return
  }
}

#map = affine_map<(d0, d1) -> (0)>
#map1 = affine_map<(d0, d1) -> (0, 0)>
module attributes {stable_mosaic.version = 14 : i64} {
  func.func @k(%arg0: i32, %arg1: i32, %arg2: memref<163840xi32, #tpu.memory_space<hbm>>, %arg3: memref<163840xi32, #tpu.memory_space<hbm>>, %arg4: memref<10240xf32, #tpu.memory_space<hbm>>, %arg5: memref<10240xf32, #tpu.memory_space<hbm>>, %arg6: memref<32x10240xf32, #tpu.memory_space<hbm>>, %arg7: memref<5120xi32, #tpu.memory_space<vmem>>, %arg8: memref<5120xi32, #tpu.memory_space<vmem>>, %arg9: memref<10240xf32, #tpu.memory_space<vmem>>, %arg10: memref<10240xf32, #tpu.memory_space<vmem>>) attributes {dimension_semantics = [#tpu.dimension_semantics<core_parallel>, #tpu.dimension_semantics<subcore_parallel>], iteration_bounds = array<i64: 2, 16>, scalar_prefetch = 0 : i64, scratch_operands = 4 : i64, tpu.core_type = #tpu.core_type<sc_vector_subcore>, window_params = [{transform_indices = #map}, {transform_indices = #map}, {transform_indices = #map}, {transform_indices = #map}, {transform_indices = #map1}]} {
    %mul3A = arith.constant 16 : i32
    %mul3A_0 = arith.muli %arg0, %mul3A : i32
    %add3A = arith.addi %mul3A_0, %arg1 : i32
    %mul3A_1 = arith.constant 5120 : i32
    %mul3A_2 = arith.muli %add3A, %mul3A_1 : i32
    "tpu.region"() ({
      %run_scoped3A = tpu.sem_alloc : memref<!tpu.dma_semaphore, #tpu.memory_space<semaphore_mem>>
      tpu.enqueue_dma source(%arg5 : memref<10240xf32, #tpu.memory_space<hbm>>) target(%arg10 : memref<10240xf32, #tpu.memory_space<vmem>>) target_semaphore(%run_scoped3A : memref<!tpu.dma_semaphore, #tpu.memory_space<semaphore_mem>>)
      tpu.wait_dma2 semaphore(%run_scoped3A : memref<!tpu.dma_semaphore, #tpu.memory_space<semaphore_mem>>) src(%arg5 : memref<10240xf32, #tpu.memory_space<hbm>>) dst(%arg10 : memref<10240xf32, #tpu.memory_space<vmem>>)
      tpu.yield
    }) : () -> ()
    "tpu.region"() ({
      %run_scoped3A = tpu.sem_alloc : memref<!tpu.dma_semaphore, #tpu.memory_space<semaphore_mem>>
      %dma_start3A = tpu.memref_slice %arg2[%mul3A_2] : memref<163840xi32, #tpu.memory_space<hbm>> -> memref<5120xi32, #tpu.memory_space<hbm>>
      %dma_start3A_9 = tpu.memref_slice %arg2[%mul3A_2] : memref<163840xi32, #tpu.memory_space<hbm>> -> memref<5120xi32, #tpu.memory_space<hbm>>
      tpu.enqueue_dma source(%dma_start3A_9 : memref<5120xi32, #tpu.memory_space<hbm>>) target(%arg7 : memref<5120xi32, #tpu.memory_space<vmem>>) target_semaphore(%run_scoped3A : memref<!tpu.dma_semaphore, #tpu.memory_space<semaphore_mem>>)
      %dma_wait3A = tpu.memref_slice %arg2[%mul3A_2] : memref<163840xi32, #tpu.memory_space<hbm>> -> memref<5120xi32, #tpu.memory_space<hbm>>
      %dma_wait3A_10 = tpu.memref_slice %arg2[%mul3A_2] : memref<163840xi32, #tpu.memory_space<hbm>> -> memref<5120xi32, #tpu.memory_space<hbm>>
      tpu.wait_dma2 semaphore(%run_scoped3A : memref<!tpu.dma_semaphore, #tpu.memory_space<semaphore_mem>>) src(%dma_wait3A_10 : memref<5120xi32, #tpu.memory_space<hbm>>) dst(%arg7 : memref<5120xi32, #tpu.memory_space<vmem>>)
      tpu.yield
    }) : () -> ()
    "tpu.region"() ({
      %run_scoped3A = tpu.sem_alloc : memref<!tpu.dma_semaphore, #tpu.memory_space<semaphore_mem>>
      %dma_start3A = tpu.memref_slice %arg3[%mul3A_2] : memref<163840xi32, #tpu.memory_space<hbm>> -> memref<5120xi32, #tpu.memory_space<hbm>>
      %dma_start3A_9 = tpu.memref_slice %arg3[%mul3A_2] : memref<163840xi32, #tpu.memory_space<hbm>> -> memref<5120xi32, #tpu.memory_space<hbm>>
      tpu.enqueue_dma source(%dma_start3A_9 : memref<5120xi32, #tpu.memory_space<hbm>>) target(%arg8 : memref<5120xi32, #tpu.memory_space<vmem>>) target_semaphore(%run_scoped3A : memref<!tpu.dma_semaphore, #tpu.memory_space<semaphore_mem>>)
      %dma_wait3A = tpu.memref_slice %arg3[%mul3A_2] : memref<163840xi32, #tpu.memory_space<hbm>> -> memref<5120xi32, #tpu.memory_space<hbm>>
      %dma_wait3A_10 = tpu.memref_slice %arg3[%mul3A_2] : memref<163840xi32, #tpu.memory_space<hbm>> -> memref<5120xi32, #tpu.memory_space<hbm>>
      tpu.wait_dma2 semaphore(%run_scoped3A : memref<!tpu.dma_semaphore, #tpu.memory_space<semaphore_mem>>) src(%dma_wait3A_10 : memref<5120xi32, #tpu.memory_space<hbm>>) dst(%arg8 : memref<5120xi32, #tpu.memory_space<vmem>>)
      tpu.yield
    }) : () -> ()
    "tpu.region"() ({
      %run_scoped3A = tpu.sem_alloc : memref<!tpu.dma_semaphore, #tpu.memory_space<semaphore_mem>>
      tpu.enqueue_dma source(%arg4 : memref<10240xf32, #tpu.memory_space<hbm>>) target(%arg9 : memref<10240xf32, #tpu.memory_space<vmem>>) target_semaphore(%run_scoped3A : memref<!tpu.dma_semaphore, #tpu.memory_space<semaphore_mem>>)
      tpu.wait_dma2 semaphore(%run_scoped3A : memref<!tpu.dma_semaphore, #tpu.memory_space<semaphore_mem>>) src(%arg4 : memref<10240xf32, #tpu.memory_space<hbm>>) dst(%arg9 : memref<10240xf32, #tpu.memory_space<vmem>>)
      tpu.yield
    }) : () -> ()
    %broadcast_in_dim3A = arith.constant 1.000000e+00 : f32
    %broadcast_in_dim3A_3 = vector.broadcast %broadcast_in_dim3A : f32 to vector<16xf32>
    %scan3A = arith.constant 0 : i32
    %scan3A_4 = arith.constant 0 : i32
    %scan3A_5 = arith.constant 320 : i32
    %scan3A_6 = arith.addi %scan3A_4, %scan3A_5 : i32
    %scan3A_7 = arith.constant 1 : i32
    scf.for %scan3A_9 = %scan3A_4 to %scan3A_6 step %scan3A_7  : i32 {
      %mul3A_10 = arith.constant 16 : i32
      %mul3A_11 = arith.muli %scan3A_9, %mul3A_10 : i32
      %get3A = arith.index_cast %mul3A_11 : i32 to index
      %get3A_12 = tpu.vector_load %arg8[%get3A] {strides = array<i32>} : memref<5120xi32, #tpu.memory_space<vmem>>, vector<16xi32>,
      %get3A_13 = arith.index_cast %mul3A_11 : i32 to index
      %get3A_14 = tpu.vector_load %arg7[%get3A_13] {strides = array<i32>} : memref<5120xi32, #tpu.memory_space<vmem>>, vector<16xi32>,
      %gather3A = tpu.vector_load_idx %arg9[%get3A_14] : memref<10240xf32, #tpu.memory_space<vmem>>[vector<16xi32>], vector<16xf32>,
      tpu.vector_store_idx %arg10[%get3A_12], %gather3A {add = true} : memref<10240xf32, #tpu.memory_space<vmem>>[vector<16xi32>], vector<16xf32>,
    }
    %scan3A_8 = arith.constant 320 : i32
    "tpu.region"() ({
      %run_scoped3A = tpu.sem_alloc : memref<!tpu.dma_semaphore, #tpu.memory_space<semaphore_mem>>
      %dma_start3A = arith.constant 0 : i32
      %dma_start3A_9 = tpu.memref_slice %arg6[%add3A, %dma_start3A] : memref<32x10240xf32, #tpu.memory_space<hbm>> -> memref<1x10240xf32, #tpu.memory_space<hbm>>
      %dma_start3A_10 = tpu.memref_squeeze %dma_start3A_9 : memref<1x10240xf32, #tpu.memory_space<hbm>> -> memref<10240xf32, #tpu.memory_space<hbm>>
      %dma_start3A_11 = arith.constant 0 : i32
      %dma_start3A_12 = tpu.memref_slice %arg6[%add3A, %dma_start3A_11] : memref<32x10240xf32, #tpu.memory_space<hbm>> -> memref<1x10240xf32, #tpu.memory_space<hbm>>
      %dma_start3A_13 = tpu.memref_squeeze %dma_start3A_12 : memref<1x10240xf32, #tpu.memory_space<hbm>> -> memref<10240xf32, #tpu.memory_space<hbm>>
      tpu.enqueue_dma source(%arg10 : memref<10240xf32, #tpu.memory_space<vmem>>) target(%dma_start3A_13 : memref<10240xf32, #tpu.memory_space<hbm>>) target_semaphore(%run_scoped3A : memref<!tpu.dma_semaphore, #tpu.memory_space<semaphore_mem>>)
      %dma_wait3A = arith.constant 0 : i32
      %dma_wait3A_14 = tpu.memref_slice %arg6[%add3A, %dma_wait3A] : memref<32x10240xf32, #tpu.memory_space<hbm>> -> memref<1x10240xf32, #tpu.memory_space<hbm>>
      %dma_wait3A_15 = tpu.memref_squeeze %dma_wait3A_14 : memref<1x10240xf32, #tpu.memory_space<hbm>> -> memref<10240xf32, #tpu.memory_space<hbm>>
      %dma_wait3A_16 = arith.constant 0 : i32
      %dma_wait3A_17 = tpu.memref_slice %arg6[%add3A, %dma_wait3A_16] : memref<32x10240xf32, #tpu.memory_space<hbm>> -> memref<1x10240xf32, #tpu.memory_space<hbm>>
      %dma_wait3A_18 = tpu.memref_squeeze %dma_wait3A_17 : memref<1x10240xf32, #tpu.memory_space<hbm>> -> memref<10240xf32, #tpu.memory_space<hbm>>
      tpu.wait_dma2 semaphore(%run_scoped3A : memref<!tpu.dma_semaphore, #tpu.memory_space<semaphore_mem>>) src(%arg10 : memref<10240xf32, #tpu.memory_space<vmem>>) dst(%dma_wait3A_18 : memref<10240xf32, #tpu.memory_space<hbm>>)
      tpu.yield
    }) : () -> ()
    return
  }
}

#map = affine_map<(d0, d1) -> (0)>
#map1 = affine_map<(d0, d1) -> (0, 0)>
module attributes {stable_mosaic.version = 14 : i64} {
  func.func @k(%arg0: i32, %arg1: i32, %arg2: memref<163840xi32, #tpu.memory_space<hbm>>, %arg3: memref<163840xi32, #tpu.memory_space<hbm>>, %arg4: memref<10240xf32, #tpu.memory_space<hbm>>, %arg5: memref<10240xf32, #tpu.memory_space<hbm>>, %arg6: memref<32x10240xf32, #tpu.memory_space<hbm>>, %arg7: memref<5120xi32, #tpu.memory_space<vmem>>, %arg8: memref<5120xi32, #tpu.memory_space<vmem>>, %arg9: memref<10240xf32, #tpu.memory_space<vmem>>, %arg10: memref<10240xf32, #tpu.memory_space<vmem>>) attributes {dimension_semantics = [#tpu.dimension_semantics<core_parallel>, #tpu.dimension_semantics<subcore_parallel>], iteration_bounds = array<i64: 2, 16>, scalar_prefetch = 0 : i64, scratch_operands = 4 : i64, tpu.core_type = #tpu.core_type<sc_vector_subcore>, window_params = [{transform_indices = #map}, {transform_indices = #map}, {transform_indices = #map}, {transform_indices = #map}, {transform_indices = #map1}]} {
    %mul3A = arith.constant 16 : i32
    %mul3A_0 = arith.muli %arg0, %mul3A : i32
    %add3A = arith.addi %mul3A_0, %arg1 : i32
    %mul3A_1 = arith.constant 5120 : i32
    %mul3A_2 = arith.muli %add3A, %mul3A_1 : i32
    "tpu.region"() ({
      %run_scoped3A = tpu.sem_alloc : memref<!tpu.dma_semaphore, #tpu.memory_space<semaphore_mem>>
      tpu.enqueue_dma source(%arg5 : memref<10240xf32, #tpu.memory_space<hbm>>) target(%arg10 : memref<10240xf32, #tpu.memory_space<vmem>>) target_semaphore(%run_scoped3A : memref<!tpu.dma_semaphore, #tpu.memory_space<semaphore_mem>>)
      tpu.wait_dma2 semaphore(%run_scoped3A : memref<!tpu.dma_semaphore, #tpu.memory_space<semaphore_mem>>) src(%arg5 : memref<10240xf32, #tpu.memory_space<hbm>>) dst(%arg10 : memref<10240xf32, #tpu.memory_space<vmem>>)
      tpu.yield
    }) : () -> ()
    "tpu.region"() ({
      %run_scoped3A = tpu.sem_alloc : memref<!tpu.dma_semaphore, #tpu.memory_space<semaphore_mem>>
      %dma_start3A = tpu.memref_slice %arg2[%mul3A_2] : memref<163840xi32, #tpu.memory_space<hbm>> -> memref<5120xi32, #tpu.memory_space<hbm>>
      %dma_start3A_9 = tpu.memref_slice %arg2[%mul3A_2] : memref<163840xi32, #tpu.memory_space<hbm>> -> memref<5120xi32, #tpu.memory_space<hbm>>
      tpu.enqueue_dma source(%dma_start3A_9 : memref<5120xi32, #tpu.memory_space<hbm>>) target(%arg7 : memref<5120xi32, #tpu.memory_space<vmem>>) target_semaphore(%run_scoped3A : memref<!tpu.dma_semaphore, #tpu.memory_space<semaphore_mem>>)
      %dma_wait3A = tpu.memref_slice %arg2[%mul3A_2] : memref<163840xi32, #tpu.memory_space<hbm>> -> memref<5120xi32, #tpu.memory_space<hbm>>
      %dma_wait3A_10 = tpu.memref_slice %arg2[%mul3A_2] : memref<163840xi32, #tpu.memory_space<hbm>> -> memref<5120xi32, #tpu.memory_space<hbm>>
      tpu.wait_dma2 semaphore(%run_scoped3A : memref<!tpu.dma_semaphore, #tpu.memory_space<semaphore_mem>>) src(%dma_wait3A_10 : memref<5120xi32, #tpu.memory_space<hbm>>) dst(%arg7 : memref<5120xi32, #tpu.memory_space<vmem>>)
      tpu.yield
    }) : () -> ()
    "tpu.region"() ({
      %run_scoped3A = tpu.sem_alloc : memref<!tpu.dma_semaphore, #tpu.memory_space<semaphore_mem>>
      %dma_start3A = tpu.memref_slice %arg3[%mul3A_2] : memref<163840xi32, #tpu.memory_space<hbm>> -> memref<5120xi32, #tpu.memory_space<hbm>>
      %dma_start3A_9 = tpu.memref_slice %arg3[%mul3A_2] : memref<163840xi32, #tpu.memory_space<hbm>> -> memref<5120xi32, #tpu.memory_space<hbm>>
      tpu.enqueue_dma source(%dma_start3A_9 : memref<5120xi32, #tpu.memory_space<hbm>>) target(%arg8 : memref<5120xi32, #tpu.memory_space<vmem>>) target_semaphore(%run_scoped3A : memref<!tpu.dma_semaphore, #tpu.memory_space<semaphore_mem>>)
      %dma_wait3A = tpu.memref_slice %arg3[%mul3A_2] : memref<163840xi32, #tpu.memory_space<hbm>> -> memref<5120xi32, #tpu.memory_space<hbm>>
      %dma_wait3A_10 = tpu.memref_slice %arg3[%mul3A_2] : memref<163840xi32, #tpu.memory_space<hbm>> -> memref<5120xi32, #tpu.memory_space<hbm>>
      tpu.wait_dma2 semaphore(%run_scoped3A : memref<!tpu.dma_semaphore, #tpu.memory_space<semaphore_mem>>) src(%dma_wait3A_10 : memref<5120xi32, #tpu.memory_space<hbm>>) dst(%arg8 : memref<5120xi32, #tpu.memory_space<vmem>>)
      tpu.yield
    }) : () -> ()
    "tpu.region"() ({
      %run_scoped3A = tpu.sem_alloc : memref<!tpu.dma_semaphore, #tpu.memory_space<semaphore_mem>>
      tpu.enqueue_dma source(%arg4 : memref<10240xf32, #tpu.memory_space<hbm>>) target(%arg9 : memref<10240xf32, #tpu.memory_space<vmem>>) target_semaphore(%run_scoped3A : memref<!tpu.dma_semaphore, #tpu.memory_space<semaphore_mem>>)
      tpu.wait_dma2 semaphore(%run_scoped3A : memref<!tpu.dma_semaphore, #tpu.memory_space<semaphore_mem>>) src(%arg4 : memref<10240xf32, #tpu.memory_space<hbm>>) dst(%arg9 : memref<10240xf32, #tpu.memory_space<vmem>>)
      tpu.yield
    }) : () -> ()
    %broadcast_in_dim3A = arith.constant 1.000000e+00 : f32
    %broadcast_in_dim3A_3 = vector.broadcast %broadcast_in_dim3A : f32 to vector<16xf32>
    %scan3A = arith.constant 0 : i32
    %scan3A_4 = arith.constant 0 : i32
    %scan3A_5 = arith.constant 320 : i32
    %scan3A_6 = arith.addi %scan3A_4, %scan3A_5 : i32
    %scan3A_7 = arith.constant 1 : i32
    scf.for %scan3A_9 = %scan3A_4 to %scan3A_6 step %scan3A_7  : i32 {
      %mul3A_10 = arith.constant 16 : i32
      %mul3A_11 = arith.muli %scan3A_9, %mul3A_10 : i32
      %get3A = arith.index_cast %mul3A_11 : i32 to index
      %get3A_12 = tpu.vector_load %arg8[%get3A] {strides = array<i32>} : memref<5120xi32, #tpu.memory_space<vmem>>, vector<16xi32>,
      %get3A_13 = arith.index_cast %mul3A_11 : i32 to index
      %get3A_14 = tpu.vector_load %arg7[%get3A_13] {strides = array<i32>} : memref<5120xi32, #tpu.memory_space<vmem>>, vector<16xi32>,
      %gather3A = tpu.vector_load_idx %arg9[%get3A_14] : memref<10240xf32, #tpu.memory_space<vmem>>[vector<16xi32>], vector<16xf32>,
      tpu.vector_store_idx %arg10[%get3A_12], %gather3A {add = true} : memref<10240xf32, #tpu.memory_space<vmem>>[vector<16xi32>], vector<16xf32>,
    }
    %scan3A_8 = arith.constant 320 : i32
    "tpu.region"() ({
      %run_scoped3A = tpu.sem_alloc : memref<!tpu.dma_semaphore, #tpu.memory_space<semaphore_mem>>
      %dma_start3A = arith.constant 0 : i32
      %dma_start3A_9 = tpu.memref_slice %arg6[%add3A, %dma_start3A] : memref<32x10240xf32, #tpu.memory_space<hbm>> -> memref<1x10240xf32, #tpu.memory_space<hbm>>
      %dma_start3A_10 = tpu.memref_squeeze %dma_start3A_9 : memref<1x10240xf32, #tpu.memory_space<hbm>> -> memref<10240xf32, #tpu.memory_space<hbm>>
      %dma_start3A_11 = arith.constant 0 : i32
      %dma_start3A_12 = tpu.memref_slice %arg6[%add3A, %dma_start3A_11] : memref<32x10240xf32, #tpu.memory_space<hbm>> -> memref<1x10240xf32, #tpu.memory_space<hbm>>
      %dma_start3A_13 = tpu.memref_squeeze %dma_start3A_12 : memref<1x10240xf32, #tpu.memory_space<hbm>> -> memref<10240xf32, #tpu.memory_space<hbm>>
      tpu.enqueue_dma source(%arg10 : memref<10240xf32, #tpu.memory_space<vmem>>) target(%dma_start3A_13 : memref<10240xf32, #tpu.memory_space<hbm>>) target_semaphore(%run_scoped3A : memref<!tpu.dma_semaphore, #tpu.memory_space<semaphore_mem>>)
      %dma_wait3A = arith.constant 0 : i32
      %dma_wait3A_14 = tpu.memref_slice %arg6[%add3A, %dma_wait3A] : memref<32x10240xf32, #tpu.memory_space<hbm>> -> memref<1x10240xf32, #tpu.memory_space<hbm>>
      %dma_wait3A_15 = tpu.memref_squeeze %dma_wait3A_14 : memref<1x10240xf32, #tpu.memory_space<hbm>> -> memref<10240xf32, #tpu.memory_space<hbm>>
      %dma_wait3A_16 = arith.constant 0 : i32
      %dma_wait3A_17 = tpu.memref_slice %arg6[%add3A, %dma_wait3A_16] : memref<32x10240xf32, #tpu.memory_space<hbm>> -> memref<1x10240xf32, #tpu.memory_space<hbm>>
      %dma_wait3A_18 = tpu.memref_squeeze %dma_wait3A_17 : memref<1x10240xf32, #tpu.memory_space<hbm>> -> memref<10240xf32, #tpu.memory_space<hbm>>
      tpu.wait_dma2 semaphore(%run_scoped3A : memref<!tpu.dma_semaphore, #tpu.memory_space<semaphore_mem>>) src(%arg10 : memref<10240xf32, #tpu.memory_space<vmem>>) dst(%dma_wait3A_18 : memref<10240xf32, #tpu.memory_space<hbm>>)
      tpu.yield
    }) : () -> ()
    return
  }
}

#map = affine_map<(d0, d1) -> (0, 0)>
#map1 = affine_map<(d0, d1) -> (0, 0, 0)>
module attributes {stable_mosaic.version = 14 : i64} {
  func.func @k(%arg0: i32, %arg1: i32, %arg2: memref<1280x128xi32, #tpu.memory_space<hbm>>, %arg3: memref<1280x128xi32, #tpu.memory_space<hbm>>, %arg4: memref<10240x128xf32, #tpu.memory_space<hbm>>, %arg5: memref<640x128xf32, #tpu.memory_space<hbm>>, %arg6: memref<2x10240x128xf32, #tpu.memory_space<hbm>>, %arg7: memref<40x128xi32, #tpu.memory_space<vmem>>, %arg8: memref<40x128xi32, #tpu.memory_space<vmem>>, %arg9: memref<128x128xf32, #tpu.memory_space<vmem>>, %arg10: memref<128x128xf32, #tpu.memory_space<vmem>>, %arg11: memref<10240x128xf32, #tpu.memory_space<vmem_shared>>, %arg12: memref<!tpu.dma_semaphore, #tpu.memory_space<semaphore_mem>>, %arg13: memref<!tpu.dma_semaphore, #tpu.memory_space<semaphore_mem>>) attributes {dimension_semantics = [#tpu.dimension_semantics<core_parallel>, #tpu.dimension_semantics<subcore_parallel>], iteration_bounds = array<i64: 2, 16>, scalar_prefetch = 0 : i64, scratch_operands = 7 : i64, tpu.core_type = #tpu.core_type<sc_vector_subcore>, window_params = [{transform_indices = #map}, {transform_indices = #map}, {transform_indices = #map}, {transform_indices = #map}, {transform_indices = #map1}]} {
    %mul3A = arith.constant 16 : i32
    %mul3A_0 = arith.muli %arg0, %mul3A : i32
    %add3A = arith.addi %mul3A_0, %arg1 : i32
    %mul3A_1 = arith.constant 40 : i32
    %mul3A_2 = arith.muli %add3A, %mul3A_1 : i32
    "tpu.region"() ({
      %run_scoped3A = tpu.sem_alloc : memref<!tpu.dma_semaphore, #tpu.memory_space<semaphore_mem>>
      %dma_start3A_21 = arith.constant 0 : i32
      %dma_start3A_22 = tpu.memref_slice %arg2[%mul3A_2, %dma_start3A_21] : memref<1280x128xi32, #tpu.memory_space<hbm>> -> memref<40x128xi32, #tpu.memory_space<hbm>>
      %dma_start3A_23 = arith.constant 0 : i32
      %dma_start3A_24 = tpu.memref_slice %arg2[%mul3A_2, %dma_start3A_23] : memref<1280x128xi32, #tpu.memory_space<hbm>> -> memref<40x128xi32, #tpu.memory_space<hbm>>
      tpu.enqueue_dma source(%dma_start3A_24 : memref<40x128xi32, #tpu.memory_space<hbm>>) target(%arg7 : memref<40x128xi32, #tpu.memory_space<vmem>>) target_semaphore(%run_scoped3A : memref<!tpu.dma_semaphore, #tpu.memory_space<semaphore_mem>>)
      %dma_wait3A = arith.constant 0 : i32
      %dma_wait3A_25 = tpu.memref_slice %arg2[%mul3A_2, %dma_wait3A] : memref<1280x128xi32, #tpu.memory_space<hbm>> -> memref<40x128xi32, #tpu.memory_space<hbm>>
      %dma_wait3A_26 = arith.constant 0 : i32
      %dma_wait3A_27 = tpu.memref_slice %arg2[%mul3A_2, %dma_wait3A_26] : memref<1280x128xi32, #tpu.memory_space<hbm>> -> memref<40x128xi32, #tpu.memory_space<hbm>>
      tpu.wait_dma2 semaphore(%run_scoped3A : memref<!tpu.dma_semaphore, #tpu.memory_space<semaphore_mem>>) src(%dma_wait3A_27 : memref<40x128xi32, #tpu.memory_space<hbm>>) dst(%arg7 : memref<40x128xi32, #tpu.memory_space<vmem>>)
      tpu.yield
    }) : () -> ()
    "tpu.region"() ({
      %run_scoped3A = tpu.sem_alloc : memref<!tpu.dma_semaphore, #tpu.memory_space<semaphore_mem>>
      %dma_start3A_21 = arith.constant 0 : i32
      %dma_start3A_22 = tpu.memref_slice %arg3[%mul3A_2, %dma_start3A_21] : memref<1280x128xi32, #tpu.memory_space<hbm>> -> memref<40x128xi32, #tpu.memory_space<hbm>>
      %dma_start3A_23 = arith.constant 0 : i32
      %dma_start3A_24 = tpu.memref_slice %arg3[%mul3A_2, %dma_start3A_23] : memref<1280x128xi32, #tpu.memory_space<hbm>> -> memref<40x128xi32, #tpu.memory_space<hbm>>
      tpu.enqueue_dma source(%dma_start3A_24 : memref<40x128xi32, #tpu.memory_space<hbm>>) target(%arg8 : memref<40x128xi32, #tpu.memory_space<vmem>>) target_semaphore(%run_scoped3A : memref<!tpu.dma_semaphore, #tpu.memory_space<semaphore_mem>>)
      %dma_wait3A = arith.constant 0 : i32
      %dma_wait3A_25 = tpu.memref_slice %arg3[%mul3A_2, %dma_wait3A] : memref<1280x128xi32, #tpu.memory_space<hbm>> -> memref<40x128xi32, #tpu.memory_space<hbm>>
      %dma_wait3A_26 = arith.constant 0 : i32
      %dma_wait3A_27 = tpu.memref_slice %arg3[%mul3A_2, %dma_wait3A_26] : memref<1280x128xi32, #tpu.memory_space<hbm>> -> memref<40x128xi32, #tpu.memory_space<hbm>>
      tpu.wait_dma2 semaphore(%run_scoped3A : memref<!tpu.dma_semaphore, #tpu.memory_space<semaphore_mem>>) src(%dma_wait3A_27 : memref<40x128xi32, #tpu.memory_space<hbm>>) dst(%arg8 : memref<40x128xi32, #tpu.memory_space<vmem>>)
      tpu.yield
    }) : () -> ()
    %mul3A_3 = arith.constant 640 : i32
    %mul3A_4 = arith.muli %arg1, %mul3A_3 : i32
    "tpu.region"() ({
      %run_scoped3A = tpu.sem_alloc : memref<!tpu.dma_semaphore, #tpu.memory_space<semaphore_mem>>
      %dma_start3A_21 = arith.constant 0 : i32
      %dma_start3A_22 = tpu.memref_slice %arg11[%mul3A_4, %dma_start3A_21] : memref<10240x128xf32, #tpu.memory_space<vmem_shared>> -> memref<640x128xf32, #tpu.memory_space<vmem_shared>>
      tpu.enqueue_dma source(%arg5 : memref<640x128xf32, #tpu.memory_space<hbm>>) target(%dma_start3A_22 : memref<640x128xf32, #tpu.memory_space<vmem_shared>>) target_semaphore(%run_scoped3A : memref<!tpu.dma_semaphore, #tpu.memory_space<semaphore_mem>>)
      %dma_wait3A = arith.constant 0 : i32
      %dma_wait3A_23 = tpu.memref_slice %arg11[%mul3A_4, %dma_wait3A] : memref<10240x128xf32, #tpu.memory_space<vmem_shared>> -> memref<640x128xf32, #tpu.memory_space<vmem_shared>>
      tpu.wait_dma2 semaphore(%run_scoped3A : memref<!tpu.dma_semaphore, #tpu.memory_space<semaphore_mem>>) src(%arg5 : memref<640x128xf32, #tpu.memory_space<hbm>>) dst(%dma_wait3A_23 : memref<640x128xf32, #tpu.memory_space<vmem_shared>>)
      tpu.yield
    }) : () -> ()
    %dma_start3A = arith.constant 0 : i32
    %dma_start3A_5 = arith.constant 0 : i32
    %dma_start3A_6 = tpu.memref_slice %arg7[%dma_start3A, %dma_start3A_5] : memref<40x128xi32, #tpu.memory_space<vmem>> -> memref<1x128xi32, #tpu.memory_space<vmem>>
    %dma_start3A_7 = tpu.memref_squeeze %dma_start3A_6 : memref<1x128xi32, #tpu.memory_space<vmem>> -> memref<128xi32, #tpu.memory_space<vmem>>
    %dma_start3A_8 = arith.constant 0 : i32
    %dma_start3A_9 = arith.constant 0 : i32
    %dma_start3A_10 = tpu.memref_slice %arg4[%dma_start3A_8, %dma_start3A_9] : memref<10240x128xf32, #tpu.memory_space<hbm>> -> memref<10240x128xf32, #tpu.memory_space<hbm>>
    tpu.enqueue_indirect_dma source(%dma_start3A_10 : memref<10240x128xf32, #tpu.memory_space<hbm>>) target(%arg9 : memref<128x128xf32, #tpu.memory_space<vmem>>) offsets(%dma_start3A_7 : memref<128xi32, #tpu.memory_space<vmem>>) semaphore(%arg12 : memref<!tpu.dma_semaphore, #tpu.memory_space<semaphore_mem>>)
    %barrier3A = arith.constant 0 : index
    tpu.barrier barrier_id(%barrier3A)
    %scan3A = arith.constant 0 : i32
    %scan3A_11 = arith.constant 0 : i32
    %scan3A_12 = arith.constant 20 : i32
    %scan3A_13 = arith.addi %scan3A_11, %scan3A_12 : i32
    %scan3A_14 = arith.constant 1 : i32
    scf.for %scan3A_21 = %scan3A_11 to %scan3A_13 step %scan3A_14  : i32 {
      %mul3A_22 = arith.constant 2 : i32
      %mul3A_23 = arith.muli %scan3A_21, %mul3A_22 : i32
      %dma_wait3A = arith.constant 0 : i32
      %dma_wait3A_24 = tpu.memref_slice %arg7[%mul3A_23, %dma_wait3A] : memref<40x128xi32, #tpu.memory_space<vmem>> -> memref<1x128xi32, #tpu.memory_space<vmem>>
      %dma_wait3A_25 = tpu.memref_squeeze %dma_wait3A_24 : memref<1x128xi32, #tpu.memory_space<vmem>> -> memref<128xi32, #tpu.memory_space<vmem>>
      %dma_wait3A_26 = arith.constant 0 : i32
      %dma_wait3A_27 = arith.constant 0 : i32
      %dma_wait3A_28 = tpu.memref_slice %arg4[%dma_wait3A_26, %dma_wait3A_27] : memref<10240x128xf32, #tpu.memory_space<hbm>> -> memref<10240x128xf32, #tpu.memory_space<hbm>>
      tpu.wait_indirect_dma semaphore(%arg12 : memref<!tpu.dma_semaphore, #tpu.memory_space<semaphore_mem>>) src(%dma_wait3A_28 : memref<10240x128xf32, #tpu.memory_space<hbm>>) dst(%arg9 : memref<128x128xf32, #tpu.memory_space<vmem>>)
      %add3A_29 = arith.constant 1 : i32
      %add3A_30 = arith.addi %mul3A_23, %add3A_29 : i32
      %dma_start3A_31 = arith.constant 0 : i32
      %dma_start3A_32 = tpu.memref_slice %arg7[%add3A_30, %dma_start3A_31] : memref<40x128xi32, #tpu.memory_space<vmem>> -> memref<1x128xi32, #tpu.memory_space<vmem>>
      %dma_start3A_33 = tpu.memref_squeeze %dma_start3A_32 : memref<1x128xi32, #tpu.memory_space<vmem>> -> memref<128xi32, #tpu.memory_space<vmem>>
      %dma_start3A_34 = arith.constant 0 : i32
      %dma_start3A_35 = arith.constant 0 : i32
      %dma_start3A_36 = tpu.memref_slice %arg4[%dma_start3A_34, %dma_start3A_35] : memref<10240x128xf32, #tpu.memory_space<hbm>> -> memref<10240x128xf32, #tpu.memory_space<hbm>>
      tpu.enqueue_indirect_dma source(%dma_start3A_36 : memref<10240x128xf32, #tpu.memory_space<hbm>>) target(%arg10 : memref<128x128xf32, #tpu.memory_space<vmem>>) offsets(%dma_start3A_33 : memref<128xi32, #tpu.memory_space<vmem>>) semaphore(%arg13 : memref<!tpu.dma_semaphore, #tpu.memory_space<semaphore_mem>>)
      "tpu.region"() ({
        %run_scoped3A = tpu.sem_alloc : memref<!tpu.dma_semaphore, #tpu.memory_space<semaphore_mem>>
        %dma_start3A_51 = arith.constant 0 : i32
        %dma_start3A_52 = tpu.memref_slice %arg8[%mul3A_23, %dma_start3A_51] : memref<40x128xi32, #tpu.memory_space<vmem>> -> memref<1x128xi32, #tpu.memory_space<vmem>>
        %dma_start3A_53 = tpu.memref_squeeze %dma_start3A_52 : memref<1x128xi32, #tpu.memory_space<vmem>> -> memref<128xi32, #tpu.memory_space<vmem>>
        %dma_start3A_54 = arith.constant 0 : i32
        %dma_start3A_55 = arith.constant 0 : i32
        %dma_start3A_56 = tpu.memref_slice %arg11[%dma_start3A_54, %dma_start3A_55] : memref<10240x128xf32, #tpu.memory_space<vmem_shared>> -> memref<10240x128xf32, #tpu.memory_space<vmem_shared>>
        tpu.enqueue_indirect_dma source(%arg9 : memref<128x128xf32, #tpu.memory_space<vmem>>) target(%dma_start3A_56 : memref<10240x128xf32, #tpu.memory_space<vmem_shared>>) offsets(%dma_start3A_53 : memref<128xi32, #tpu.memory_space<vmem>>) semaphore(%run_scoped3A : memref<!tpu.dma_semaphore, #tpu.memory_space<semaphore_mem>>) {add = true}
        %dma_wait3A_57 = arith.constant 0 : i32
        %dma_wait3A_58 = tpu.memref_slice %arg8[%mul3A_23, %dma_wait3A_57] : memref<40x128xi32, #tpu.memory_space<vmem>> -> memref<1x128xi32, #tpu.memory_space<vmem>>
        %dma_wait3A_59 = tpu.memref_squeeze %dma_wait3A_58 : memref<1x128xi32, #tpu.memory_space<vmem>> -> memref<128xi32, #tpu.memory_space<vmem>>
        %dma_wait3A_60 = arith.constant 0 : i32
        %dma_wait3A_61 = arith.constant 0 : i32
        %dma_wait3A_62 = tpu.memref_slice %arg11[%dma_wait3A_60, %dma_wait3A_61] : memref<10240x128xf32, #tpu.memory_space<vmem_shared>> -> memref<10240x128xf32, #tpu.memory_space<vmem_shared>>
        tpu.wait_indirect_dma semaphore(%run_scoped3A : memref<!tpu.dma_semaphore, #tpu.memory_space<semaphore_mem>>) src(%arg9 : memref<128x128xf32, #tpu.memory_space<vmem>>) dst(%dma_wait3A_62 : memref<10240x128xf32, #tpu.memory_space<vmem_shared>>)
        tpu.yield
      }) : () -> ()
      %add3A_37 = arith.constant 1 : i32
      %add3A_38 = arith.addi %mul3A_23, %add3A_37 : i32
      %dma_wait3A_39 = arith.constant 0 : i32
      %dma_wait3A_40 = tpu.memref_slice %arg7[%add3A_38, %dma_wait3A_39] : memref<40x128xi32, #tpu.memory_space<vmem>> -> memref<1x128xi32, #tpu.memory_space<vmem>>
      %dma_wait3A_41 = tpu.memref_squeeze %dma_wait3A_40 : memref<1x128xi32, #tpu.memory_space<vmem>> -> memref<128xi32, #tpu.memory_space<vmem>>
      %dma_wait3A_42 = arith.constant 0 : i32
      %dma_wait3A_43 = arith.constant 0 : i32
      %dma_wait3A_44 = tpu.memref_slice %arg4[%dma_wait3A_42, %dma_wait3A_43] : memref<10240x128xf32, #tpu.memory_space<hbm>> -> memref<10240x128xf32, #tpu.memory_space<hbm>>
      tpu.wait_indirect_dma semaphore(%arg13 : memref<!tpu.dma_semaphore, #tpu.memory_space<semaphore_mem>>) src(%dma_wait3A_44 : memref<10240x128xf32, #tpu.memory_space<hbm>>) dst(%arg10 : memref<128x128xf32, #tpu.memory_space<vmem>>)
      %add3A_45 = arith.constant 2 : i32
      %add3A_46 = arith.addi %mul3A_23, %add3A_45 : i32
      %lt3A = arith.constant 40 : i32
      %lt3A_47 = arith.cmpi slt, %add3A_46, %lt3A : i32
      %convert_element_type3A = arith.extui %lt3A_47 : i1 to i32
      %cond3A = arith.constant 0 : i32
      %cond3A_48 = arith.cmpi ne, %convert_element_type3A, %cond3A : i32
      scf.if %cond3A_48 {
        %add3A_51 = arith.constant 2 : i32
        %add3A_52 = arith.addi %mul3A_23, %add3A_51 : i32
        %dma_start3A_53 = arith.constant 0 : i32
        %dma_start3A_54 = tpu.memref_slice %arg7[%add3A_52, %dma_start3A_53] : memref<40x128xi32, #tpu.memory_space<vmem>> -> memref<1x128xi32, #tpu.memory_space<vmem>>
        %dma_start3A_55 = tpu.memref_squeeze %dma_start3A_54 : memref<1x128xi32, #tpu.memory_space<vmem>> -> memref<128xi32, #tpu.memory_space<vmem>>
        %dma_start3A_56 = arith.constant 0 : i32
        %dma_start3A_57 = arith.constant 0 : i32
        %dma_start3A_58 = tpu.memref_slice %arg4[%dma_start3A_56, %dma_start3A_57] : memref<10240x128xf32, #tpu.memory_space<hbm>> -> memref<10240x128xf32, #tpu.memory_space<hbm>>
        tpu.enqueue_indirect_dma source(%dma_start3A_58 : memref<10240x128xf32, #tpu.memory_space<hbm>>) target(%arg9 : memref<128x128xf32, #tpu.memory_space<vmem>>) offsets(%dma_start3A_55 : memref<128xi32, #tpu.memory_space<vmem>>) semaphore(%arg12 : memref<!tpu.dma_semaphore, #tpu.memory_space<semaphore_mem>>)
      } else {
      }
      %add3A_49 = arith.constant 1 : i32
      %add3A_50 = arith.addi %mul3A_23, %add3A_49 : i32
      "tpu.region"() ({
        %run_scoped3A = tpu.sem_alloc : memref<!tpu.dma_semaphore, #tpu.memory_space<semaphore_mem>>
        %dma_start3A_51 = arith.constant 0 : i32
        %dma_start3A_52 = tpu.memref_slice %arg8[%add3A_50, %dma_start3A_51] : memref<40x128xi32, #tpu.memory_space<vmem>> -> memref<1x128xi32, #tpu.memory_space<vmem>>
        %dma_start3A_53 = tpu.memref_squeeze %dma_start3A_52 : memref<1x128xi32, #tpu.memory_space<vmem>> -> memref<128xi32, #tpu.memory_space<vmem>>
        %dma_start3A_54 = arith.constant 0 : i32
        %dma_start3A_55 = arith.constant 0 : i32
        %dma_start3A_56 = tpu.memref_slice %arg11[%dma_start3A_54, %dma_start3A_55] : memref<10240x128xf32, #tpu.memory_space<vmem_shared>> -> memref<10240x128xf32, #tpu.memory_space<vmem_shared>>
        tpu.enqueue_indirect_dma source(%arg10 : memref<128x128xf32, #tpu.memory_space<vmem>>) target(%dma_start3A_56 : memref<10240x128xf32, #tpu.memory_space<vmem_shared>>) offsets(%dma_start3A_53 : memref<128xi32, #tpu.memory_space<vmem>>) semaphore(%run_scoped3A : memref<!tpu.dma_semaphore, #tpu.memory_space<semaphore_mem>>) {add = true}
        %dma_wait3A_57 = arith.constant 0 : i32
        %dma_wait3A_58 = tpu.memref_slice %arg8[%add3A_50, %dma_wait3A_57] : memref<40x128xi32, #tpu.memory_space<vmem>> -> memref<1x128xi32, #tpu.memory_space<vmem>>
        %dma_wait3A_59 = tpu.memref_squeeze %dma_wait3A_58 : memref<1x128xi32, #tpu.memory_space<vmem>> -> memref<128xi32, #tpu.memory_space<vmem>>
        %dma_wait3A_60 = arith.constant 0 : i32
        %dma_wait3A_61 = arith.constant 0 : i32
        %dma_wait3A_62 = tpu.memref_slice %arg11[%dma_wait3A_60, %dma_wait3A_61] : memref<10240x128xf32, #tpu.memory_space<vmem_shared>> -> memref<10240x128xf32, #tpu.memory_space<vmem_shared>>
        tpu.wait_indirect_dma semaphore(%run_scoped3A : memref<!tpu.dma_semaphore, #tpu.memory_space<semaphore_mem>>) src(%arg10 : memref<128x128xf32, #tpu.memory_space<vmem>>) dst(%dma_wait3A_62 : memref<10240x128xf32, #tpu.memory_space<vmem_shared>>)
        tpu.yield
      }) : () -> ()
    }
    %scan3A_15 = arith.constant 20 : i32
    %barrier3A_16 = arith.constant 0 : index
    tpu.barrier barrier_id(%barrier3A_16)
    %mul3A_17 = arith.constant 640 : i32
    %mul3A_18 = arith.muli %arg1, %mul3A_17 : i32
    %mul3A_19 = arith.constant 640 : i32
    %mul3A_20 = arith.muli %arg1, %mul3A_19 : i32
    "tpu.region"() ({
      %run_scoped3A = tpu.sem_alloc : memref<!tpu.dma_semaphore, #tpu.memory_space<semaphore_mem>>
      %dma_start3A_21 = arith.constant 0 : i32
      %dma_start3A_22 = tpu.memref_slice %arg6[%arg0, %mul3A_20, %dma_start3A_21] : memref<2x10240x128xf32, #tpu.memory_space<hbm>> -> memref<1x640x128xf32, #tpu.memory_space<hbm>>
      %dma_start3A_23 = tpu.memref_squeeze %dma_start3A_22 : memref<1x640x128xf32, #tpu.memory_space<hbm>> -> memref<640x128xf32, #tpu.memory_space<hbm>>
      %dma_start3A_24 = arith.constant 0 : i32
      %dma_start3A_25 = tpu.memref_slice %arg11[%mul3A_18, %dma_start3A_24] : memref<10240x128xf32, #tpu.memory_space<vmem_shared>> -> memref<640x128xf32, #tpu.memory_space<vmem_shared>>
      tpu.enqueue_dma source(%dma_start3A_25 : memref<640x128xf32, #tpu.memory_space<vmem_shared>>) target(%dma_start3A_23 : memref<640x128xf32, #tpu.memory_space<hbm>>) target_semaphore(%run_scoped3A : memref<!tpu.dma_semaphore, #tpu.memory_space<semaphore_mem>>)
      %dma_wait3A = arith.constant 0 : i32
      %dma_wait3A_26 = tpu.memref_slice %arg6[%arg0, %mul3A_20, %dma_wait3A] : memref<2x10240x128xf32, #tpu.memory_space<hbm>> -> memref<1x640x128xf32, #tpu.memory_space<hbm>>
      %dma_wait3A_27 = tpu.memref_squeeze %dma_wait3A_26 : memref<1x640x128xf32, #tpu.memory_space<hbm>> -> memref<640x128xf32, #tpu.memory_space<hbm>>
      %dma_wait3A_28 = arith.constant 0 : i32
      %dma_wait3A_29 = tpu.memref_slice %arg11[%mul3A_18, %dma_wait3A_28] : memref<10240x128xf32, #tpu.memory_space<vmem_shared>> -> memref<640x128xf32, #tpu.memory_space<vmem_shared>>
      tpu.wait_dma2 semaphore(%run_scoped3A : memref<!tpu.dma_semaphore, #tpu.memory_space<semaphore_mem>>) src(%dma_wait3A_29 : memref<640x128xf32, #tpu.memory_space<vmem_shared>>) dst(%dma_wait3A_27 : memref<640x128xf32, #tpu.memory_space<hbm>>)
      tpu.yield
    }) : () -> ()
    return
  }
}

#map = affine_map<(d0, d1) -> (0, 0)>
#map1 = affine_map<(d0, d1) -> (0, 0, 0)>
module attributes {stable_mosaic.version = 14 : i64} {
  func.func @k(%arg0: i32, %arg1: i32, %arg2: memref<1280x128xi32, #tpu.memory_space<hbm>>, %arg3: memref<1280x128xi32, #tpu.memory_space<hbm>>, %arg4: memref<10240x128xf32, #tpu.memory_space<hbm>>, %arg5: memref<640x128xf32, #tpu.memory_space<hbm>>, %arg6: memref<2x10240x128xf32, #tpu.memory_space<hbm>>, %arg7: memref<40x128xi32, #tpu.memory_space<vmem>>, %arg8: memref<40x128xi32, #tpu.memory_space<vmem>>, %arg9: memref<128x128xf32, #tpu.memory_space<vmem>>, %arg10: memref<128x128xf32, #tpu.memory_space<vmem>>, %arg11: memref<10240x128xf32, #tpu.memory_space<vmem_shared>>, %arg12: memref<!tpu.dma_semaphore, #tpu.memory_space<semaphore_mem>>, %arg13: memref<!tpu.dma_semaphore, #tpu.memory_space<semaphore_mem>>) attributes {dimension_semantics = [#tpu.dimension_semantics<core_parallel>, #tpu.dimension_semantics<subcore_parallel>], iteration_bounds = array<i64: 2, 16>, scalar_prefetch = 0 : i64, scratch_operands = 7 : i64, tpu.core_type = #tpu.core_type<sc_vector_subcore>, window_params = [{transform_indices = #map}, {transform_indices = #map}, {transform_indices = #map}, {transform_indices = #map}, {transform_indices = #map1}]} {
    %mul3A = arith.constant 16 : i32
    %mul3A_0 = arith.muli %arg0, %mul3A : i32
    %add3A = arith.addi %mul3A_0, %arg1 : i32
    %mul3A_1 = arith.constant 40 : i32
    %mul3A_2 = arith.muli %add3A, %mul3A_1 : i32
    "tpu.region"() ({
      %run_scoped3A = tpu.sem_alloc : memref<!tpu.dma_semaphore, #tpu.memory_space<semaphore_mem>>
      %dma_start3A_21 = arith.constant 0 : i32
      %dma_start3A_22 = tpu.memref_slice %arg2[%mul3A_2, %dma_start3A_21] : memref<1280x128xi32, #tpu.memory_space<hbm>> -> memref<40x128xi32, #tpu.memory_space<hbm>>
      %dma_start3A_23 = arith.constant 0 : i32
      %dma_start3A_24 = tpu.memref_slice %arg2[%mul3A_2, %dma_start3A_23] : memref<1280x128xi32, #tpu.memory_space<hbm>> -> memref<40x128xi32, #tpu.memory_space<hbm>>
      tpu.enqueue_dma source(%dma_start3A_24 : memref<40x128xi32, #tpu.memory_space<hbm>>) target(%arg7 : memref<40x128xi32, #tpu.memory_space<vmem>>) target_semaphore(%run_scoped3A : memref<!tpu.dma_semaphore, #tpu.memory_space<semaphore_mem>>)
      %dma_wait3A = arith.constant 0 : i32
      %dma_wait3A_25 = tpu.memref_slice %arg2[%mul3A_2, %dma_wait3A] : memref<1280x128xi32, #tpu.memory_space<hbm>> -> memref<40x128xi32, #tpu.memory_space<hbm>>
      %dma_wait3A_26 = arith.constant 0 : i32
      %dma_wait3A_27 = tpu.memref_slice %arg2[%mul3A_2, %dma_wait3A_26] : memref<1280x128xi32, #tpu.memory_space<hbm>> -> memref<40x128xi32, #tpu.memory_space<hbm>>
      tpu.wait_dma2 semaphore(%run_scoped3A : memref<!tpu.dma_semaphore, #tpu.memory_space<semaphore_mem>>) src(%dma_wait3A_27 : memref<40x128xi32, #tpu.memory_space<hbm>>) dst(%arg7 : memref<40x128xi32, #tpu.memory_space<vmem>>)
      tpu.yield
    }) : () -> ()
    "tpu.region"() ({
      %run_scoped3A = tpu.sem_alloc : memref<!tpu.dma_semaphore, #tpu.memory_space<semaphore_mem>>
      %dma_start3A_21 = arith.constant 0 : i32
      %dma_start3A_22 = tpu.memref_slice %arg3[%mul3A_2, %dma_start3A_21] : memref<1280x128xi32, #tpu.memory_space<hbm>> -> memref<40x128xi32, #tpu.memory_space<hbm>>
      %dma_start3A_23 = arith.constant 0 : i32
      %dma_start3A_24 = tpu.memref_slice %arg3[%mul3A_2, %dma_start3A_23] : memref<1280x128xi32, #tpu.memory_space<hbm>> -> memref<40x128xi32, #tpu.memory_space<hbm>>
      tpu.enqueue_dma source(%dma_start3A_24 : memref<40x128xi32, #tpu.memory_space<hbm>>) target(%arg8 : memref<40x128xi32, #tpu.memory_space<vmem>>) target_semaphore(%run_scoped3A : memref<!tpu.dma_semaphore, #tpu.memory_space<semaphore_mem>>)
      %dma_wait3A = arith.constant 0 : i32
      %dma_wait3A_25 = tpu.memref_slice %arg3[%mul3A_2, %dma_wait3A] : memref<1280x128xi32, #tpu.memory_space<hbm>> -> memref<40x128xi32, #tpu.memory_space<hbm>>
      %dma_wait3A_26 = arith.constant 0 : i32
      %dma_wait3A_27 = tpu.memref_slice %arg3[%mul3A_2, %dma_wait3A_26] : memref<1280x128xi32, #tpu.memory_space<hbm>> -> memref<40x128xi32, #tpu.memory_space<hbm>>
      tpu.wait_dma2 semaphore(%run_scoped3A : memref<!tpu.dma_semaphore, #tpu.memory_space<semaphore_mem>>) src(%dma_wait3A_27 : memref<40x128xi32, #tpu.memory_space<hbm>>) dst(%arg8 : memref<40x128xi32, #tpu.memory_space<vmem>>)
      tpu.yield
    }) : () -> ()
    %mul3A_3 = arith.constant 640 : i32
    %mul3A_4 = arith.muli %arg1, %mul3A_3 : i32
    "tpu.region"() ({
      %run_scoped3A = tpu.sem_alloc : memref<!tpu.dma_semaphore, #tpu.memory_space<semaphore_mem>>
      %dma_start3A_21 = arith.constant 0 : i32
      %dma_start3A_22 = tpu.memref_slice %arg11[%mul3A_4, %dma_start3A_21] : memref<10240x128xf32, #tpu.memory_space<vmem_shared>> -> memref<640x128xf32, #tpu.memory_space<vmem_shared>>
      tpu.enqueue_dma source(%arg5 : memref<640x128xf32, #tpu.memory_space<hbm>>) target(%dma_start3A_22 : memref<640x128xf32, #tpu.memory_space<vmem_shared>>) target_semaphore(%run_scoped3A : memref<!tpu.dma_semaphore, #tpu.memory_space<semaphore_mem>>)
      %dma_wait3A = arith.constant 0 : i32
      %dma_wait3A_23 = tpu.memref_slice %arg11[%mul3A_4, %dma_wait3A] : memref<10240x128xf32, #tpu.memory_space<vmem_shared>> -> memref<640x128xf32, #tpu.memory_space<vmem_shared>>
      tpu.wait_dma2 semaphore(%run_scoped3A : memref<!tpu.dma_semaphore, #tpu.memory_space<semaphore_mem>>) src(%arg5 : memref<640x128xf32, #tpu.memory_space<hbm>>) dst(%dma_wait3A_23 : memref<640x128xf32, #tpu.memory_space<vmem_shared>>)
      tpu.yield
    }) : () -> ()
    %dma_start3A = arith.constant 0 : i32
    %dma_start3A_5 = arith.constant 0 : i32
    %dma_start3A_6 = tpu.memref_slice %arg7[%dma_start3A, %dma_start3A_5] : memref<40x128xi32, #tpu.memory_space<vmem>> -> memref<1x128xi32, #tpu.memory_space<vmem>>
    %dma_start3A_7 = tpu.memref_squeeze %dma_start3A_6 : memref<1x128xi32, #tpu.memory_space<vmem>> -> memref<128xi32, #tpu.memory_space<vmem>>
    %dma_start3A_8 = arith.constant 0 : i32
    %dma_start3A_9 = arith.constant 0 : i32
    %dma_start3A_10 = tpu.memref_slice %arg4[%dma_start3A_8, %dma_start3A_9] : memref<10240x128xf32, #tpu.memory_space<hbm>> -> memref<10240x128xf32, #tpu.memory_space<hbm>>
    tpu.enqueue_indirect_dma source(%dma_start3A_10 : memref<10240x128xf32, #tpu.memory_space<hbm>>) target(%arg9 : memref<128x128xf32, #tpu.memory_space<vmem>>) offsets(%dma_start3A_7 : memref<128xi32, #tpu.memory_space<vmem>>) semaphore(%arg12 : memref<!tpu.dma_semaphore, #tpu.memory_space<semaphore_mem>>)
    %barrier3A = arith.constant 0 : index
    tpu.barrier barrier_id(%barrier3A)
    %scan3A = arith.constant 0 : i32
    %scan3A_11 = arith.constant 0 : i32
    %scan3A_12 = arith.constant 20 : i32
    %scan3A_13 = arith.addi %scan3A_11, %scan3A_12 : i32
    %scan3A_14 = arith.constant 1 : i32
    scf.for %scan3A_21 = %scan3A_11 to %scan3A_13 step %scan3A_14  : i32 {
      %mul3A_22 = arith.constant 2 : i32
      %mul3A_23 = arith.muli %scan3A_21, %mul3A_22 : i32
      %dma_wait3A = arith.constant 0 : i32
      %dma_wait3A_24 = tpu.memref_slice %arg7[%mul3A_23, %dma_wait3A] : memref<40x128xi32, #tpu.memory_space<vmem>> -> memref<1x128xi32, #tpu.memory_space<vmem>>
      %dma_wait3A_25 = tpu.memref_squeeze %dma_wait3A_24 : memref<1x128xi32, #tpu.memory_space<vmem>> -> memref<128xi32, #tpu.memory_space<vmem>>
      %dma_wait3A_26 = arith.constant 0 : i32
      %dma_wait3A_27 = arith.constant 0 : i32
      %dma_wait3A_28 = tpu.memref_slice %arg4[%dma_wait3A_26, %dma_wait3A_27] : memref<10240x128xf32, #tpu.memory_space<hbm>> -> memref<10240x128xf32, #tpu.memory_space<hbm>>
      tpu.wait_indirect_dma semaphore(%arg12 : memref<!tpu.dma_semaphore, #tpu.memory_space<semaphore_mem>>) src(%dma_wait3A_28 : memref<10240x128xf32, #tpu.memory_space<hbm>>) dst(%arg9 : memref<128x128xf32, #tpu.memory_space<vmem>>)
      %add3A_29 = arith.constant 1 : i32
      %add3A_30 = arith.addi %mul3A_23, %add3A_29 : i32
      %dma_start3A_31 = arith.constant 0 : i32
      %dma_start3A_32 = tpu.memref_slice %arg7[%add3A_30, %dma_start3A_31] : memref<40x128xi32, #tpu.memory_space<vmem>> -> memref<1x128xi32, #tpu.memory_space<vmem>>
      %dma_start3A_33 = tpu.memref_squeeze %dma_start3A_32 : memref<1x128xi32, #tpu.memory_space<vmem>> -> memref<128xi32, #tpu.memory_space<vmem>>
      %dma_start3A_34 = arith.constant 0 : i32
      %dma_start3A_35 = arith.constant 0 : i32
      %dma_start3A_36 = tpu.memref_slice %arg4[%dma_start3A_34, %dma_start3A_35] : memref<10240x128xf32, #tpu.memory_space<hbm>> -> memref<10240x128xf32, #tpu.memory_space<hbm>>
      tpu.enqueue_indirect_dma source(%dma_start3A_36 : memref<10240x128xf32, #tpu.memory_space<hbm>>) target(%arg10 : memref<128x128xf32, #tpu.memory_space<vmem>>) offsets(%dma_start3A_33 : memref<128xi32, #tpu.memory_space<vmem>>) semaphore(%arg13 : memref<!tpu.dma_semaphore, #tpu.memory_space<semaphore_mem>>)
      "tpu.region"() ({
        %run_scoped3A = tpu.sem_alloc : memref<!tpu.dma_semaphore, #tpu.memory_space<semaphore_mem>>
        %dma_start3A_51 = arith.constant 0 : i32
        %dma_start3A_52 = tpu.memref_slice %arg8[%mul3A_23, %dma_start3A_51] : memref<40x128xi32, #tpu.memory_space<vmem>> -> memref<1x128xi32, #tpu.memory_space<vmem>>
        %dma_start3A_53 = tpu.memref_squeeze %dma_start3A_52 : memref<1x128xi32, #tpu.memory_space<vmem>> -> memref<128xi32, #tpu.memory_space<vmem>>
        %dma_start3A_54 = arith.constant 0 : i32
        %dma_start3A_55 = arith.constant 0 : i32
        %dma_start3A_56 = tpu.memref_slice %arg11[%dma_start3A_54, %dma_start3A_55] : memref<10240x128xf32, #tpu.memory_space<vmem_shared>> -> memref<10240x128xf32, #tpu.memory_space<vmem_shared>>
        tpu.enqueue_indirect_dma source(%arg9 : memref<128x128xf32, #tpu.memory_space<vmem>>) target(%dma_start3A_56 : memref<10240x128xf32, #tpu.memory_space<vmem_shared>>) offsets(%dma_start3A_53 : memref<128xi32, #tpu.memory_space<vmem>>) semaphore(%run_scoped3A : memref<!tpu.dma_semaphore, #tpu.memory_space<semaphore_mem>>) {add = true}
        %dma_wait3A_57 = arith.constant 0 : i32
        %dma_wait3A_58 = tpu.memref_slice %arg8[%mul3A_23, %dma_wait3A_57] : memref<40x128xi32, #tpu.memory_space<vmem>> -> memref<1x128xi32, #tpu.memory_space<vmem>>
        %dma_wait3A_59 = tpu.memref_squeeze %dma_wait3A_58 : memref<1x128xi32, #tpu.memory_space<vmem>> -> memref<128xi32, #tpu.memory_space<vmem>>
        %dma_wait3A_60 = arith.constant 0 : i32
        %dma_wait3A_61 = arith.constant 0 : i32
        %dma_wait3A_62 = tpu.memref_slice %arg11[%dma_wait3A_60, %dma_wait3A_61] : memref<10240x128xf32, #tpu.memory_space<vmem_shared>> -> memref<10240x128xf32, #tpu.memory_space<vmem_shared>>
        tpu.wait_indirect_dma semaphore(%run_scoped3A : memref<!tpu.dma_semaphore, #tpu.memory_space<semaphore_mem>>) src(%arg9 : memref<128x128xf32, #tpu.memory_space<vmem>>) dst(%dma_wait3A_62 : memref<10240x128xf32, #tpu.memory_space<vmem_shared>>)
        tpu.yield
      }) : () -> ()
      %add3A_37 = arith.constant 1 : i32
      %add3A_38 = arith.addi %mul3A_23, %add3A_37 : i32
      %dma_wait3A_39 = arith.constant 0 : i32
      %dma_wait3A_40 = tpu.memref_slice %arg7[%add3A_38, %dma_wait3A_39] : memref<40x128xi32, #tpu.memory_space<vmem>> -> memref<1x128xi32, #tpu.memory_space<vmem>>
      %dma_wait3A_41 = tpu.memref_squeeze %dma_wait3A_40 : memref<1x128xi32, #tpu.memory_space<vmem>> -> memref<128xi32, #tpu.memory_space<vmem>>
      %dma_wait3A_42 = arith.constant 0 : i32
      %dma_wait3A_43 = arith.constant 0 : i32
      %dma_wait3A_44 = tpu.memref_slice %arg4[%dma_wait3A_42, %dma_wait3A_43] : memref<10240x128xf32, #tpu.memory_space<hbm>> -> memref<10240x128xf32, #tpu.memory_space<hbm>>
      tpu.wait_indirect_dma semaphore(%arg13 : memref<!tpu.dma_semaphore, #tpu.memory_space<semaphore_mem>>) src(%dma_wait3A_44 : memref<10240x128xf32, #tpu.memory_space<hbm>>) dst(%arg10 : memref<128x128xf32, #tpu.memory_space<vmem>>)
      %add3A_45 = arith.constant 2 : i32
      %add3A_46 = arith.addi %mul3A_23, %add3A_45 : i32
      %lt3A = arith.constant 40 : i32
      %lt3A_47 = arith.cmpi slt, %add3A_46, %lt3A : i32
      %convert_element_type3A = arith.extui %lt3A_47 : i1 to i32
      %cond3A = arith.constant 0 : i32
      %cond3A_48 = arith.cmpi ne, %convert_element_type3A, %cond3A : i32
      scf.if %cond3A_48 {
        %add3A_51 = arith.constant 2 : i32
        %add3A_52 = arith.addi %mul3A_23, %add3A_51 : i32
        %dma_start3A_53 = arith.constant 0 : i32
        %dma_start3A_54 = tpu.memref_slice %arg7[%add3A_52, %dma_start3A_53] : memref<40x128xi32, #tpu.memory_space<vmem>> -> memref<1x128xi32, #tpu.memory_space<vmem>>
        %dma_start3A_55 = tpu.memref_squeeze %dma_start3A_54 : memref<1x128xi32, #tpu.memory_space<vmem>> -> memref<128xi32, #tpu.memory_space<vmem>>
        %dma_start3A_56 = arith.constant 0 : i32
        %dma_start3A_57 = arith.constant 0 : i32
        %dma_start3A_58 = tpu.memref_slice %arg4[%dma_start3A_56, %dma_start3A_57] : memref<10240x128xf32, #tpu.memory_space<hbm>> -> memref<10240x128xf32, #tpu.memory_space<hbm>>
        tpu.enqueue_indirect_dma source(%dma_start3A_58 : memref<10240x128xf32, #tpu.memory_space<hbm>>) target(%arg9 : memref<128x128xf32, #tpu.memory_space<vmem>>) offsets(%dma_start3A_55 : memref<128xi32, #tpu.memory_space<vmem>>) semaphore(%arg12 : memref<!tpu.dma_semaphore, #tpu.memory_space<semaphore_mem>>)
      } else {
      }
      %add3A_49 = arith.constant 1 : i32
      %add3A_50 = arith.addi %mul3A_23, %add3A_49 : i32
      "tpu.region"() ({
        %run_scoped3A = tpu.sem_alloc : memref<!tpu.dma_semaphore, #tpu.memory_space<semaphore_mem>>
        %dma_start3A_51 = arith.constant 0 : i32
        %dma_start3A_52 = tpu.memref_slice %arg8[%add3A_50, %dma_start3A_51] : memref<40x128xi32, #tpu.memory_space<vmem>> -> memref<1x128xi32, #tpu.memory_space<vmem>>
        %dma_start3A_53 = tpu.memref_squeeze %dma_start3A_52 : memref<1x128xi32, #tpu.memory_space<vmem>> -> memref<128xi32, #tpu.memory_space<vmem>>
        %dma_start3A_54 = arith.constant 0 : i32
        %dma_start3A_55 = arith.constant 0 : i32
        %dma_start3A_56 = tpu.memref_slice %arg11[%dma_start3A_54, %dma_start3A_55] : memref<10240x128xf32, #tpu.memory_space<vmem_shared>> -> memref<10240x128xf32, #tpu.memory_space<vmem_shared>>
        tpu.enqueue_indirect_dma source(%arg10 : memref<128x128xf32, #tpu.memory_space<vmem>>) target(%dma_start3A_56 : memref<10240x128xf32, #tpu.memory_space<vmem_shared>>) offsets(%dma_start3A_53 : memref<128xi32, #tpu.memory_space<vmem>>) semaphore(%run_scoped3A : memref<!tpu.dma_semaphore, #tpu.memory_space<semaphore_mem>>) {add = true}
        %dma_wait3A_57 = arith.constant 0 : i32
        %dma_wait3A_58 = tpu.memref_slice %arg8[%add3A_50, %dma_wait3A_57] : memref<40x128xi32, #tpu.memory_space<vmem>> -> memref<1x128xi32, #tpu.memory_space<vmem>>
        %dma_wait3A_59 = tpu.memref_squeeze %dma_wait3A_58 : memref<1x128xi32, #tpu.memory_space<vmem>> -> memref<128xi32, #tpu.memory_space<vmem>>
        %dma_wait3A_60 = arith.constant 0 : i32
        %dma_wait3A_61 = arith.constant 0 : i32
        %dma_wait3A_62 = tpu.memref_slice %arg11[%dma_wait3A_60, %dma_wait3A_61] : memref<10240x128xf32, #tpu.memory_space<vmem_shared>> -> memref<10240x128xf32, #tpu.memory_space<vmem_shared>>
        tpu.wait_indirect_dma semaphore(%run_scoped3A : memref<!tpu.dma_semaphore, #tpu.memory_space<semaphore_mem>>) src(%arg10 : memref<128x128xf32, #tpu.memory_space<vmem>>) dst(%dma_wait3A_62 : memref<10240x128xf32, #tpu.memory_space<vmem_shared>>)
        tpu.yield
      }) : () -> ()
    }
    %scan3A_15 = arith.constant 20 : i32
    %barrier3A_16 = arith.constant 0 : index
    tpu.barrier barrier_id(%barrier3A_16)
    %mul3A_17 = arith.constant 640 : i32
    %mul3A_18 = arith.muli %arg1, %mul3A_17 : i32
    %mul3A_19 = arith.constant 640 : i32
    %mul3A_20 = arith.muli %arg1, %mul3A_19 : i32
    "tpu.region"() ({
      %run_scoped3A = tpu.sem_alloc : memref<!tpu.dma_semaphore, #tpu.memory_space<semaphore_mem>>
      %dma_start3A_21 = arith.constant 0 : i32
      %dma_start3A_22 = tpu.memref_slice %arg6[%arg0, %mul3A_20, %dma_start3A_21] : memref<2x10240x128xf32, #tpu.memory_space<hbm>> -> memref<1x640x128xf32, #tpu.memory_space<hbm>>
      %dma_start3A_23 = tpu.memref_squeeze %dma_start3A_22 : memref<1x640x128xf32, #tpu.memory_space<hbm>> -> memref<640x128xf32, #tpu.memory_space<hbm>>
      %dma_start3A_24 = arith.constant 0 : i32
      %dma_start3A_25 = tpu.memref_slice %arg11[%mul3A_18, %dma_start3A_24] : memref<10240x128xf32, #tpu.memory_space<vmem_shared>> -> memref<640x128xf32, #tpu.memory_space<vmem_shared>>
      tpu.enqueue_dma source(%dma_start3A_25 : memref<640x128xf32, #tpu.memory_space<vmem_shared>>) target(%dma_start3A_23 : memref<640x128xf32, #tpu.memory_space<hbm>>) target_semaphore(%run_scoped3A : memref<!tpu.dma_semaphore, #tpu.memory_space<semaphore_mem>>)
      %dma_wait3A = arith.constant 0 : i32
      %dma_wait3A_26 = tpu.memref_slice %arg6[%arg0, %mul3A_20, %dma_wait3A] : memref<2x10240x128xf32, #tpu.memory_space<hbm>> -> memref<1x640x128xf32, #tpu.memory_space<hbm>>
      %dma_wait3A_27 = tpu.memref_squeeze %dma_wait3A_26 : memref<1x640x128xf32, #tpu.memory_space<hbm>> -> memref<640x128xf32, #tpu.memory_space<hbm>>
      %dma_wait3A_28 = arith.constant 0 : i32
      %dma_wait3A_29 = tpu.memref_slice %arg11[%mul3A_18, %dma_wait3A_28] : memref<10240x128xf32, #tpu.memory_space<vmem_shared>> -> memref<640x128xf32, #tpu.memory_space<vmem_shared>>
      tpu.wait_dma2 semaphore(%run_scoped3A : memref<!tpu.dma_semaphore, #tpu.memory_space<semaphore_mem>>) src(%dma_wait3A_29 : memref<640x128xf32, #tpu.memory_space<vmem_shared>>) dst(%dma_wait3A_27 : memref<640x128xf32, #tpu.memory_space<hbm>>)
      tpu.yield
    }) : () -> ()
    return
  }
}

#map = affine_map<(d0, d1) -> (0, 0)>
#map1 = affine_map<(d0, d1) -> (0, 0, 0)>
module attributes {stable_mosaic.version = 14 : i64} {
  func.func @k(%arg0: i32, %arg1: i32, %arg2: memref<1280x128xi32, #tpu.memory_space<hbm>>, %arg3: memref<1280x128xi32, #tpu.memory_space<hbm>>, %arg4: memref<10240x128xf32, #tpu.memory_space<hbm>>, %arg5: memref<640x128xf32, #tpu.memory_space<hbm>>, %arg6: memref<2x10240x128xf32, #tpu.memory_space<hbm>>, %arg7: memref<40x128xi32, #tpu.memory_space<vmem>>, %arg8: memref<40x128xi32, #tpu.memory_space<vmem>>, %arg9: memref<128x128xf32, #tpu.memory_space<vmem>>, %arg10: memref<128x128xf32, #tpu.memory_space<vmem>>, %arg11: memref<10240x128xf32, #tpu.memory_space<vmem_shared>>, %arg12: memref<!tpu.dma_semaphore, #tpu.memory_space<semaphore_mem>>, %arg13: memref<!tpu.dma_semaphore, #tpu.memory_space<semaphore_mem>>) attributes {dimension_semantics = [#tpu.dimension_semantics<core_parallel>, #tpu.dimension_semantics<subcore_parallel>], iteration_bounds = array<i64: 2, 16>, scalar_prefetch = 0 : i64, scratch_operands = 7 : i64, tpu.core_type = #tpu.core_type<sc_vector_subcore>, window_params = [{transform_indices = #map}, {transform_indices = #map}, {transform_indices = #map}, {transform_indices = #map}, {transform_indices = #map1}]} {
    %mul3A = arith.constant 16 : i32
    %mul3A_0 = arith.muli %arg0, %mul3A : i32
    %add3A = arith.addi %mul3A_0, %arg1 : i32
    %mul3A_1 = arith.constant 40 : i32
    %mul3A_2 = arith.muli %add3A, %mul3A_1 : i32
    "tpu.region"() ({
      %run_scoped3A = tpu.sem_alloc : memref<!tpu.dma_semaphore, #tpu.memory_space<semaphore_mem>>
      %dma_start3A_21 = arith.constant 0 : i32
      %dma_start3A_22 = tpu.memref_slice %arg2[%mul3A_2, %dma_start3A_21] : memref<1280x128xi32, #tpu.memory_space<hbm>> -> memref<40x128xi32, #tpu.memory_space<hbm>>
      %dma_start3A_23 = arith.constant 0 : i32
      %dma_start3A_24 = tpu.memref_slice %arg2[%mul3A_2, %dma_start3A_23] : memref<1280x128xi32, #tpu.memory_space<hbm>> -> memref<40x128xi32, #tpu.memory_space<hbm>>
      tpu.enqueue_dma source(%dma_start3A_24 : memref<40x128xi32, #tpu.memory_space<hbm>>) target(%arg7 : memref<40x128xi32, #tpu.memory_space<vmem>>) target_semaphore(%run_scoped3A : memref<!tpu.dma_semaphore, #tpu.memory_space<semaphore_mem>>)
      %dma_wait3A = arith.constant 0 : i32
      %dma_wait3A_25 = tpu.memref_slice %arg2[%mul3A_2, %dma_wait3A] : memref<1280x128xi32, #tpu.memory_space<hbm>> -> memref<40x128xi32, #tpu.memory_space<hbm>>
      %dma_wait3A_26 = arith.constant 0 : i32
      %dma_wait3A_27 = tpu.memref_slice %arg2[%mul3A_2, %dma_wait3A_26] : memref<1280x128xi32, #tpu.memory_space<hbm>> -> memref<40x128xi32, #tpu.memory_space<hbm>>
      tpu.wait_dma2 semaphore(%run_scoped3A : memref<!tpu.dma_semaphore, #tpu.memory_space<semaphore_mem>>) src(%dma_wait3A_27 : memref<40x128xi32, #tpu.memory_space<hbm>>) dst(%arg7 : memref<40x128xi32, #tpu.memory_space<vmem>>)
      tpu.yield
    }) : () -> ()
    "tpu.region"() ({
      %run_scoped3A = tpu.sem_alloc : memref<!tpu.dma_semaphore, #tpu.memory_space<semaphore_mem>>
      %dma_start3A_21 = arith.constant 0 : i32
      %dma_start3A_22 = tpu.memref_slice %arg3[%mul3A_2, %dma_start3A_21] : memref<1280x128xi32, #tpu.memory_space<hbm>> -> memref<40x128xi32, #tpu.memory_space<hbm>>
      %dma_start3A_23 = arith.constant 0 : i32
      %dma_start3A_24 = tpu.memref_slice %arg3[%mul3A_2, %dma_start3A_23] : memref<1280x128xi32, #tpu.memory_space<hbm>> -> memref<40x128xi32, #tpu.memory_space<hbm>>
      tpu.enqueue_dma source(%dma_start3A_24 : memref<40x128xi32, #tpu.memory_space<hbm>>) target(%arg8 : memref<40x128xi32, #tpu.memory_space<vmem>>) target_semaphore(%run_scoped3A : memref<!tpu.dma_semaphore, #tpu.memory_space<semaphore_mem>>)
      %dma_wait3A = arith.constant 0 : i32
      %dma_wait3A_25 = tpu.memref_slice %arg3[%mul3A_2, %dma_wait3A] : memref<1280x128xi32, #tpu.memory_space<hbm>> -> memref<40x128xi32, #tpu.memory_space<hbm>>
      %dma_wait3A_26 = arith.constant 0 : i32
      %dma_wait3A_27 = tpu.memref_slice %arg3[%mul3A_2, %dma_wait3A_26] : memref<1280x128xi32, #tpu.memory_space<hbm>> -> memref<40x128xi32, #tpu.memory_space<hbm>>
      tpu.wait_dma2 semaphore(%run_scoped3A : memref<!tpu.dma_semaphore, #tpu.memory_space<semaphore_mem>>) src(%dma_wait3A_27 : memref<40x128xi32, #tpu.memory_space<hbm>>) dst(%arg8 : memref<40x128xi32, #tpu.memory_space<vmem>>)
      tpu.yield
    }) : () -> ()
    %mul3A_3 = arith.constant 640 : i32
    %mul3A_4 = arith.muli %arg1, %mul3A_3 : i32
    "tpu.region"() ({
      %run_scoped3A = tpu.sem_alloc : memref<!tpu.dma_semaphore, #tpu.memory_space<semaphore_mem>>
      %dma_start3A_21 = arith.constant 0 : i32
      %dma_start3A_22 = tpu.memref_slice %arg11[%mul3A_4, %dma_start3A_21] : memref<10240x128xf32, #tpu.memory_space<vmem_shared>> -> memref<640x128xf32, #tpu.memory_space<vmem_shared>>
      tpu.enqueue_dma source(%arg5 : memref<640x128xf32, #tpu.memory_space<hbm>>) target(%dma_start3A_22 : memref<640x128xf32, #tpu.memory_space<vmem_shared>>) target_semaphore(%run_scoped3A : memref<!tpu.dma_semaphore, #tpu.memory_space<semaphore_mem>>)
      %dma_wait3A = arith.constant 0 : i32
      %dma_wait3A_23 = tpu.memref_slice %arg11[%mul3A_4, %dma_wait3A] : memref<10240x128xf32, #tpu.memory_space<vmem_shared>> -> memref<640x128xf32, #tpu.memory_space<vmem_shared>>
      tpu.wait_dma2 semaphore(%run_scoped3A : memref<!tpu.dma_semaphore, #tpu.memory_space<semaphore_mem>>) src(%arg5 : memref<640x128xf32, #tpu.memory_space<hbm>>) dst(%dma_wait3A_23 : memref<640x128xf32, #tpu.memory_space<vmem_shared>>)
      tpu.yield
    }) : () -> ()
    %dma_start3A = arith.constant 0 : i32
    %dma_start3A_5 = arith.constant 0 : i32
    %dma_start3A_6 = tpu.memref_slice %arg7[%dma_start3A, %dma_start3A_5] : memref<40x128xi32, #tpu.memory_space<vmem>> -> memref<1x128xi32, #tpu.memory_space<vmem>>
    %dma_start3A_7 = tpu.memref_squeeze %dma_start3A_6 : memref<1x128xi32, #tpu.memory_space<vmem>> -> memref<128xi32, #tpu.memory_space<vmem>>
    %dma_start3A_8 = arith.constant 0 : i32
    %dma_start3A_9 = arith.constant 0 : i32
    %dma_start3A_10 = tpu.memref_slice %arg4[%dma_start3A_8, %dma_start3A_9] : memref<10240x128xf32, #tpu.memory_space<hbm>> -> memref<10240x128xf32, #tpu.memory_space<hbm>>
    tpu.enqueue_indirect_dma source(%dma_start3A_10 : memref<10240x128xf32, #tpu.memory_space<hbm>>) target(%arg9 : memref<128x128xf32, #tpu.memory_space<vmem>>) offsets(%dma_start3A_7 : memref<128xi32, #tpu.memory_space<vmem>>) semaphore(%arg12 : memref<!tpu.dma_semaphore, #tpu.memory_space<semaphore_mem>>)
    %barrier3A = arith.constant 0 : index
    tpu.barrier barrier_id(%barrier3A)
    %scan3A = arith.constant 0 : i32
    %scan3A_11 = arith.constant 0 : i32
    %scan3A_12 = arith.constant 20 : i32
    %scan3A_13 = arith.addi %scan3A_11, %scan3A_12 : i32
    %scan3A_14 = arith.constant 1 : i32
    scf.for %scan3A_21 = %scan3A_11 to %scan3A_13 step %scan3A_14  : i32 {
      %mul3A_22 = arith.constant 2 : i32
      %mul3A_23 = arith.muli %scan3A_21, %mul3A_22 : i32
      %dma_wait3A = arith.constant 0 : i32
      %dma_wait3A_24 = tpu.memref_slice %arg7[%mul3A_23, %dma_wait3A] : memref<40x128xi32, #tpu.memory_space<vmem>> -> memref<1x128xi32, #tpu.memory_space<vmem>>
      %dma_wait3A_25 = tpu.memref_squeeze %dma_wait3A_24 : memref<1x128xi32, #tpu.memory_space<vmem>> -> memref<128xi32, #tpu.memory_space<vmem>>
      %dma_wait3A_26 = arith.constant 0 : i32
      %dma_wait3A_27 = arith.constant 0 : i32
      %dma_wait3A_28 = tpu.memref_slice %arg4[%dma_wait3A_26, %dma_wait3A_27] : memref<10240x128xf32, #tpu.memory_space<hbm>> -> memref<10240x128xf32, #tpu.memory_space<hbm>>
      tpu.wait_indirect_dma semaphore(%arg12 : memref<!tpu.dma_semaphore, #tpu.memory_space<semaphore_mem>>) src(%dma_wait3A_28 : memref<10240x128xf32, #tpu.memory_space<hbm>>) dst(%arg9 : memref<128x128xf32, #tpu.memory_space<vmem>>)
      %add3A_29 = arith.constant 1 : i32
      %add3A_30 = arith.addi %mul3A_23, %add3A_29 : i32
      %dma_start3A_31 = arith.constant 0 : i32
      %dma_start3A_32 = tpu.memref_slice %arg7[%add3A_30, %dma_start3A_31] : memref<40x128xi32, #tpu.memory_space<vmem>> -> memref<1x128xi32, #tpu.memory_space<vmem>>
      %dma_start3A_33 = tpu.memref_squeeze %dma_start3A_32 : memref<1x128xi32, #tpu.memory_space<vmem>> -> memref<128xi32, #tpu.memory_space<vmem>>
      %dma_start3A_34 = arith.constant 0 : i32
      %dma_start3A_35 = arith.constant 0 : i32
      %dma_start3A_36 = tpu.memref_slice %arg4[%dma_start3A_34, %dma_start3A_35] : memref<10240x128xf32, #tpu.memory_space<hbm>> -> memref<10240x128xf32, #tpu.memory_space<hbm>>
      tpu.enqueue_indirect_dma source(%dma_start3A_36 : memref<10240x128xf32, #tpu.memory_space<hbm>>) target(%arg10 : memref<128x128xf32, #tpu.memory_space<vmem>>) offsets(%dma_start3A_33 : memref<128xi32, #tpu.memory_space<vmem>>) semaphore(%arg13 : memref<!tpu.dma_semaphore, #tpu.memory_space<semaphore_mem>>)
      "tpu.region"() ({
        %run_scoped3A = tpu.sem_alloc : memref<!tpu.dma_semaphore, #tpu.memory_space<semaphore_mem>>
        %dma_start3A_51 = arith.constant 0 : i32
        %dma_start3A_52 = tpu.memref_slice %arg8[%mul3A_23, %dma_start3A_51] : memref<40x128xi32, #tpu.memory_space<vmem>> -> memref<1x128xi32, #tpu.memory_space<vmem>>
        %dma_start3A_53 = tpu.memref_squeeze %dma_start3A_52 : memref<1x128xi32, #tpu.memory_space<vmem>> -> memref<128xi32, #tpu.memory_space<vmem>>
        %dma_start3A_54 = arith.constant 0 : i32
        %dma_start3A_55 = arith.constant 0 : i32
        %dma_start3A_56 = tpu.memref_slice %arg11[%dma_start3A_54, %dma_start3A_55] : memref<10240x128xf32, #tpu.memory_space<vmem_shared>> -> memref<10240x128xf32, #tpu.memory_space<vmem_shared>>
        tpu.enqueue_indirect_dma source(%arg9 : memref<128x128xf32, #tpu.memory_space<vmem>>) target(%dma_start3A_56 : memref<10240x128xf32, #tpu.memory_space<vmem_shared>>) offsets(%dma_start3A_53 : memref<128xi32, #tpu.memory_space<vmem>>) semaphore(%run_scoped3A : memref<!tpu.dma_semaphore, #tpu.memory_space<semaphore_mem>>) {add = true}
        %dma_wait3A_57 = arith.constant 0 : i32
        %dma_wait3A_58 = tpu.memref_slice %arg8[%mul3A_23, %dma_wait3A_57] : memref<40x128xi32, #tpu.memory_space<vmem>> -> memref<1x128xi32, #tpu.memory_space<vmem>>
        %dma_wait3A_59 = tpu.memref_squeeze %dma_wait3A_58 : memref<1x128xi32, #tpu.memory_space<vmem>> -> memref<128xi32, #tpu.memory_space<vmem>>
        %dma_wait3A_60 = arith.constant 0 : i32
        %dma_wait3A_61 = arith.constant 0 : i32
        %dma_wait3A_62 = tpu.memref_slice %arg11[%dma_wait3A_60, %dma_wait3A_61] : memref<10240x128xf32, #tpu.memory_space<vmem_shared>> -> memref<10240x128xf32, #tpu.memory_space<vmem_shared>>
        tpu.wait_indirect_dma semaphore(%run_scoped3A : memref<!tpu.dma_semaphore, #tpu.memory_space<semaphore_mem>>) src(%arg9 : memref<128x128xf32, #tpu.memory_space<vmem>>) dst(%dma_wait3A_62 : memref<10240x128xf32, #tpu.memory_space<vmem_shared>>)
        tpu.yield
      }) : () -> ()
      %add3A_37 = arith.constant 1 : i32
      %add3A_38 = arith.addi %mul3A_23, %add3A_37 : i32
      %dma_wait3A_39 = arith.constant 0 : i32
      %dma_wait3A_40 = tpu.memref_slice %arg7[%add3A_38, %dma_wait3A_39] : memref<40x128xi32, #tpu.memory_space<vmem>> -> memref<1x128xi32, #tpu.memory_space<vmem>>
      %dma_wait3A_41 = tpu.memref_squeeze %dma_wait3A_40 : memref<1x128xi32, #tpu.memory_space<vmem>> -> memref<128xi32, #tpu.memory_space<vmem>>
      %dma_wait3A_42 = arith.constant 0 : i32
      %dma_wait3A_43 = arith.constant 0 : i32
      %dma_wait3A_44 = tpu.memref_slice %arg4[%dma_wait3A_42, %dma_wait3A_43] : memref<10240x128xf32, #tpu.memory_space<hbm>> -> memref<10240x128xf32, #tpu.memory_space<hbm>>
      tpu.wait_indirect_dma semaphore(%arg13 : memref<!tpu.dma_semaphore, #tpu.memory_space<semaphore_mem>>) src(%dma_wait3A_44 : memref<10240x128xf32, #tpu.memory_space<hbm>>) dst(%arg10 : memref<128x128xf32, #tpu.memory_space<vmem>>)
      %add3A_45 = arith.constant 2 : i32
      %add3A_46 = arith.addi %mul3A_23, %add3A_45 : i32
      %lt3A = arith.constant 40 : i32
      %lt3A_47 = arith.cmpi slt, %add3A_46, %lt3A : i32
      %convert_element_type3A = arith.extui %lt3A_47 : i1 to i32
      %cond3A = arith.constant 0 : i32
      %cond3A_48 = arith.cmpi ne, %convert_element_type3A, %cond3A : i32
      scf.if %cond3A_48 {
        %add3A_51 = arith.constant 2 : i32
        %add3A_52 = arith.addi %mul3A_23, %add3A_51 : i32
        %dma_start3A_53 = arith.constant 0 : i32
        %dma_start3A_54 = tpu.memref_slice %arg7[%add3A_52, %dma_start3A_53] : memref<40x128xi32, #tpu.memory_space<vmem>> -> memref<1x128xi32, #tpu.memory_space<vmem>>
        %dma_start3A_55 = tpu.memref_squeeze %dma_start3A_54 : memref<1x128xi32, #tpu.memory_space<vmem>> -> memref<128xi32, #tpu.memory_space<vmem>>
        %dma_start3A_56 = arith.constant 0 : i32
        %dma_start3A_57 = arith.constant 0 : i32
        %dma_start3A_58 = tpu.memref_slice %arg4[%dma_start3A_56, %dma_start3A_57] : memref<10240x128xf32, #tpu.memory_space<hbm>> -> memref<10240x128xf32, #tpu.memory_space<hbm>>
        tpu.enqueue_indirect_dma source(%dma_start3A_58 : memref<10240x128xf32, #tpu.memory_space<hbm>>) target(%arg9 : memref<128x128xf32, #tpu.memory_space<vmem>>) offsets(%dma_start3A_55 : memref<128xi32, #tpu.memory_space<vmem>>) semaphore(%arg12 : memref<!tpu.dma_semaphore, #tpu.memory_space<semaphore_mem>>)
      } else {
      }
      %add3A_49 = arith.constant 1 : i32
      %add3A_50 = arith.addi %mul3A_23, %add3A_49 : i32
      "tpu.region"() ({
        %run_scoped3A = tpu.sem_alloc : memref<!tpu.dma_semaphore, #tpu.memory_space<semaphore_mem>>
        %dma_start3A_51 = arith.constant 0 : i32
        %dma_start3A_52 = tpu.memref_slice %arg8[%add3A_50, %dma_start3A_51] : memref<40x128xi32, #tpu.memory_space<vmem>> -> memref<1x128xi32, #tpu.memory_space<vmem>>
        %dma_start3A_53 = tpu.memref_squeeze %dma_start3A_52 : memref<1x128xi32, #tpu.memory_space<vmem>> -> memref<128xi32, #tpu.memory_space<vmem>>
        %dma_start3A_54 = arith.constant 0 : i32
        %dma_start3A_55 = arith.constant 0 : i32
        %dma_start3A_56 = tpu.memref_slice %arg11[%dma_start3A_54, %dma_start3A_55] : memref<10240x128xf32, #tpu.memory_space<vmem_shared>> -> memref<10240x128xf32, #tpu.memory_space<vmem_shared>>
        tpu.enqueue_indirect_dma source(%arg10 : memref<128x128xf32, #tpu.memory_space<vmem>>) target(%dma_start3A_56 : memref<10240x128xf32, #tpu.memory_space<vmem_shared>>) offsets(%dma_start3A_53 : memref<128xi32, #tpu.memory_space<vmem>>) semaphore(%run_scoped3A : memref<!tpu.dma_semaphore, #tpu.memory_space<semaphore_mem>>) {add = true}
        %dma_wait3A_57 = arith.constant 0 : i32
        %dma_wait3A_58 = tpu.memref_slice %arg8[%add3A_50, %dma_wait3A_57] : memref<40x128xi32, #tpu.memory_space<vmem>> -> memref<1x128xi32, #tpu.memory_space<vmem>>
        %dma_wait3A_59 = tpu.memref_squeeze %dma_wait3A_58 : memref<1x128xi32, #tpu.memory_space<vmem>> -> memref<128xi32, #tpu.memory_space<vmem>>
        %dma_wait3A_60 = arith.constant 0 : i32
        %dma_wait3A_61 = arith.constant 0 : i32
        %dma_wait3A_62 = tpu.memref_slice %arg11[%dma_wait3A_60, %dma_wait3A_61] : memref<10240x128xf32, #tpu.memory_space<vmem_shared>> -> memref<10240x128xf32, #tpu.memory_space<vmem_shared>>
        tpu.wait_indirect_dma semaphore(%run_scoped3A : memref<!tpu.dma_semaphore, #tpu.memory_space<semaphore_mem>>) src(%arg10 : memref<128x128xf32, #tpu.memory_space<vmem>>) dst(%dma_wait3A_62 : memref<10240x128xf32, #tpu.memory_space<vmem_shared>>)
        tpu.yield
      }) : () -> ()
    }
    %scan3A_15 = arith.constant 20 : i32
    %barrier3A_16 = arith.constant 0 : index
    tpu.barrier barrier_id(%barrier3A_16)
    %mul3A_17 = arith.constant 640 : i32
    %mul3A_18 = arith.muli %arg1, %mul3A_17 : i32
    %mul3A_19 = arith.constant 640 : i32
    %mul3A_20 = arith.muli %arg1, %mul3A_19 : i32
    "tpu.region"() ({
      %run_scoped3A = tpu.sem_alloc : memref<!tpu.dma_semaphore, #tpu.memory_space<semaphore_mem>>
      %dma_start3A_21 = arith.constant 0 : i32
      %dma_start3A_22 = tpu.memref_slice %arg6[%arg0, %mul3A_20, %dma_start3A_21] : memref<2x10240x128xf32, #tpu.memory_space<hbm>> -> memref<1x640x128xf32, #tpu.memory_space<hbm>>
      %dma_start3A_23 = tpu.memref_squeeze %dma_start3A_22 : memref<1x640x128xf32, #tpu.memory_space<hbm>> -> memref<640x128xf32, #tpu.memory_space<hbm>>
      %dma_start3A_24 = arith.constant 0 : i32
      %dma_start3A_25 = tpu.memref_slice %arg11[%mul3A_18, %dma_start3A_24] : memref<10240x128xf32, #tpu.memory_space<vmem_shared>> -> memref<640x128xf32, #tpu.memory_space<vmem_shared>>
      tpu.enqueue_dma source(%dma_start3A_25 : memref<640x128xf32, #tpu.memory_space<vmem_shared>>) target(%dma_start3A_23 : memref<640x128xf32, #tpu.memory_space<hbm>>) target_semaphore(%run_scoped3A : memref<!tpu.dma_semaphore, #tpu.memory_space<semaphore_mem>>)
      %dma_wait3A = arith.constant 0 : i32
      %dma_wait3A_26 = tpu.memref_slice %arg6[%arg0, %mul3A_20, %dma_wait3A] : memref<2x10240x128xf32, #tpu.memory_space<hbm>> -> memref<1x640x128xf32, #tpu.memory_space<hbm>>
      %dma_wait3A_27 = tpu.memref_squeeze %dma_wait3A_26 : memref<1x640x128xf32, #tpu.memory_space<hbm>> -> memref<640x128xf32, #tpu.memory_space<hbm>>
      %dma_wait3A_28 = arith.constant 0 : i32
      %dma_wait3A_29 = tpu.memref_slice %arg11[%mul3A_18, %dma_wait3A_28] : memref<10240x128xf32, #tpu.memory_space<vmem_shared>> -> memref<640x128xf32, #tpu.memory_space<vmem_shared>>
      tpu.wait_dma2 semaphore(%run_scoped3A : memref<!tpu.dma_semaphore, #tpu.memory_space<semaphore_mem>>) src(%dma_wait3A_29 : memref<640x128xf32, #tpu.memory_space<vmem_shared>>) dst(%dma_wait3A_27 : memref<640x128xf32, #tpu.memory_space<hbm>>)
      tpu.yield
    }) : () -> ()
    return
  }
}

module attributes {stable_mosaic.version = 14 : i64} {
  func.func @body(%arg0: memref<10240x128xf32, #tpu.memory_space<vmem>>, %arg1: memref<128x128xf32, #tpu.memory_space<vmem>>, %arg2: memref<10240x32xf32, #tpu.memory_space<vmem>>, %arg3: memref<10240x1xf32, #tpu.memory_space<vmem>>, %arg4: memref<10240x128xf32, #tpu.memory_space<vmem>>) attributes {dimension_semantics = [], scalar_prefetch = 0 : i64, scratch_operands = 0 : i64, tpu.core_type = #tpu.core_type<tc>} {
    %get3A = arith.constant 0 : index
    %get3A_0 = arith.constant 0 : index
    %get3A_1 = vector.load %arg2[%get3A, %get3A_0] : memref<10240x32xf32, #tpu.memory_space<vmem>>, vector<10240x32xf32>
    %reduce_sum3A = arith.constant dense<0.000000e+00> : vector<10240xf32>
    %reduce_sum3A_2 = vector.multi_reduction <add>, %get3A_1, %reduce_sum3A [1] : vector<10240x32xf32> to vector<10240xf32>
    %broadcast_in_dim3A = vector.shape_cast %reduce_sum3A_2 : vector<10240xf32> to vector<10240x1xf32>
    %add3A = arith.constant 2.000000e+00 : f32
    %add3A_3 = vector.broadcast %add3A : f32 to vector<10240x1xf32>
    %add3A_4 = arith.addf %broadcast_in_dim3A, %add3A_3 : vector<10240x1xf32>
    %rsqrt3A = math.rsqrt %add3A_4 : vector<10240x1xf32>
    %get3A_5 = arith.constant 0 : index
    %get3A_6 = arith.constant 0 : index
    %get3A_7 = vector.load %arg0[%get3A_5, %get3A_6] : memref<10240x128xf32, #tpu.memory_space<vmem>>, vector<10240x128xf32>
    %get3A_8 = arith.constant 0 : index
    %get3A_9 = arith.constant 0 : index
    %get3A_10 = vector.load %arg1[%get3A_8, %get3A_9] : memref<128x128xf32, #tpu.memory_space<vmem>>, vector<128x128xf32>
    %dot_general3A = arith.constant dense<0.000000e+00> : vector<10240x128xf32>
    %dot_general3A_11 = tpu.matmul %get3A_7, %get3A_10, %dot_general3A {dimension_numbers = #tpu.dot_dimension_numbers<[1], [0], [0], [1], [0, 0, 1, 1], [], []>, transpose_lhs_hint = false} : vector<10240x128xf32>, vector<128x128xf32>, vector<10240x128xf32> -> vector<10240x128xf32>
    %swap3A = arith.constant 0 : index
    %swap3A_12 = arith.constant 0 : index
    %swap3A_13 = vector.load %arg3[%swap3A, %swap3A_12] : memref<10240x1xf32, #tpu.memory_space<vmem>>, vector<10240x1xf32>
    tpu.vector_store %arg3[%swap3A, %swap3A_12], %rsqrt3A {strides = array<i32>} : memref<10240x1xf32, #tpu.memory_space<vmem>>, vector<10240x1xf32>,
    %mul3A = vector.broadcast %rsqrt3A : vector<10240x1xf32> to vector<10240x128xf32>
    %mul3A_14 = arith.mulf %mul3A, %dot_general3A_11 : vector<10240x128xf32>
    %swap3A_15 = arith.constant 0 : index
    %swap3A_16 = arith.constant 0 : index
    %swap3A_17 = vector.load %arg4[%swap3A_15, %swap3A_16] : memref<10240x128xf32, #tpu.memory_space<vmem>>, vector<10240x128xf32>
    tpu.vector_store %arg4[%swap3A_15, %swap3A_16], %mul3A_14 {strides = array<i32>} : memref<10240x128xf32, #tpu.memory_space<vmem>>, vector<10240x128xf32>,
    return
  }
}

module attributes {stable_mosaic.version = 14 : i64} {
  func.func @body(%arg0: memref<10240x128xf32, #tpu.memory_space<vmem>>, %arg1: memref<10240x128xf32, #tpu.memory_space<vmem>>, %arg2: memref<10240x128xf32, #tpu.memory_space<vmem>>, %arg3: memref<10240x1xf32, #tpu.memory_space<vmem>>, %arg4: memref<1x128xf32, #tpu.memory_space<vmem>>, %arg5: memref<128x1xf32, #tpu.memory_space<vmem>>, %arg6: memref<10240x128xf32, #tpu.memory_space<vmem>>, %arg7: memref<10240x1xf32, #tpu.memory_space<vmem>>) attributes {dimension_semantics = [], scalar_prefetch = 0 : i64, scratch_operands = 0 : i64, tpu.core_type = #tpu.core_type<tc>} {
    %get3A = arith.constant 0 : index
    %get3A_0 = arith.constant 0 : index
    %get3A_1 = vector.load %arg0[%get3A, %get3A_0] : memref<10240x128xf32, #tpu.memory_space<vmem>>, vector<10240x128xf32>
    %get3A_2 = arith.constant 0 : index
    %get3A_3 = arith.constant 0 : index
    %get3A_4 = vector.load %arg1[%get3A_2, %get3A_3] : memref<10240x128xf32, #tpu.memory_space<vmem>>, vector<10240x128xf32>
    %add3A = arith.addf %get3A_1, %get3A_4 : vector<10240x128xf32>
    %get3A_5 = arith.constant 0 : index
    %get3A_6 = arith.constant 0 : index
    %get3A_7 = vector.load %arg2[%get3A_5, %get3A_6] : memref<10240x128xf32, #tpu.memory_space<vmem>>, vector<10240x128xf32>
    %mul3A = arith.constant 2.000000e+00 : f32
    %mul3A_8 = vector.broadcast %mul3A : f32 to vector<10240x128xf32>
    %mul3A_9 = arith.mulf %mul3A_8, %get3A_7 : vector<10240x128xf32>
    %add3A_10 = arith.addf %add3A, %mul3A_9 : vector<10240x128xf32>
    %get3A_11 = arith.constant 0 : index
    %get3A_12 = arith.constant 0 : index
    %get3A_13 = vector.load %arg3[%get3A_11, %get3A_12] : memref<10240x1xf32, #tpu.memory_space<vmem>>, vector<10240x1xf32>
    %mul3A_14 = vector.broadcast %get3A_13 : vector<10240x1xf32> to vector<10240x128xf32>
    %mul3A_15 = arith.mulf %mul3A_14, %add3A_10 : vector<10240x128xf32>
    %get3A_16 = arith.constant 0 : index
    %get3A_17 = arith.constant 0 : index
    %get3A_18 = vector.load %arg4[%get3A_16, %get3A_17] : memref<1x128xf32, #tpu.memory_space<vmem>>, vector<1x128xf32>
    %add3A_19 = vector.broadcast %get3A_18 : vector<1x128xf32> to vector<10240x128xf32>
    %add3A_20 = arith.addf %mul3A_15, %add3A_19 : vector<10240x128xf32>
    %max3A = arith.constant 0.000000e+00 : f32
    %max3A_21 = vector.broadcast %max3A : f32 to vector<10240x128xf32>
    %max3A_22 = arith.maximumf %add3A_20, %max3A_21 : vector<10240x128xf32>
    %get3A_23 = arith.constant 0 : index
    %get3A_24 = arith.constant 0 : index
    %get3A_25 = vector.load %arg5[%get3A_23, %get3A_24] : memref<128x1xf32, #tpu.memory_space<vmem>>, vector<128x1xf32>
    %mul3A_26 = arith.mulf %get3A_25, %get3A_25 : vector<128x1xf32>
    %reduce_sum3A = vector.shape_cast %mul3A_26 : vector<128x1xf32> to vector<1x128x1xf32>
    %reduce_sum3A_27 = arith.constant dense<0.000000e+00> : vector<1xf32>
    %reduce_sum3A_28 = vector.multi_reduction <add>, %reduce_sum3A, %reduce_sum3A_27 [1, 2] : vector<1x128x1xf32> to vector<1xf32>
    %reduce_sum3A_29 = vector.shape_cast %reduce_sum3A_28 : vector<1xf32> to vector<1x1x1xf32>
    %reduce_sum3A_30 = vector.extract %reduce_sum3A_29[0, 0, 0] : f32 from vector<1x1x1xf32>
    %rsqrt3A = math.rsqrt %reduce_sum3A_30 : f32
    %swap3A = arith.constant 0 : index
    %swap3A_31 = arith.constant 0 : index
    %swap3A_32 = vector.load %arg6[%swap3A, %swap3A_31] : memref<10240x128xf32, #tpu.memory_space<vmem>>, vector<10240x128xf32>
    tpu.vector_store %arg6[%swap3A, %swap3A_31], %max3A_22 {strides = array<i32>} : memref<10240x128xf32, #tpu.memory_space<vmem>>, vector<10240x128xf32>,
    %dot_general3A = arith.constant dense<0.000000e+00> : vector<10240x1xf32>
    %dot_general3A_33 = tpu.matmul %max3A_22, %get3A_25, %dot_general3A {dimension_numbers = #tpu.dot_dimension_numbers<[1], [0], [0], [1], [0, 0, 1, 1], [], []>, transpose_lhs_hint = false} : vector<10240x128xf32>, vector<128x1xf32>, vector<10240x1xf32> -> vector<10240x1xf32>
    %mul3A_34 = vector.broadcast %rsqrt3A : f32 to vector<10240x1xf32>
    %mul3A_35 = arith.mulf %dot_general3A_33, %mul3A_34 : vector<10240x1xf32>
    %tanh3A = math.tanh %mul3A_35 : vector<10240x1xf32>
    %swap3A_36 = arith.constant 0 : index
    %swap3A_37 = arith.constant 0 : index
    %swap3A_38 = vector.load %arg7[%swap3A_36, %swap3A_37] : memref<10240x1xf32, #tpu.memory_space<vmem>>, vector<10240x1xf32>
    tpu.vector_store %arg7[%swap3A_36, %swap3A_37], %tanh3A {strides = array<i32>} : memref<10240x1xf32, #tpu.memory_space<vmem>>, vector<10240x1xf32>,
    return
  }
}

module attributes {stable_mosaic.version = 14 : i64} {
  func.func @body(%arg0: memref<10240x1xf32, #tpu.memory_space<vmem>>, %arg1: memref<10240x128xf32, #tpu.memory_space<vmem>>, %arg2: memref<128x128xf32, #tpu.memory_space<vmem>>, %arg3: memref<10240x128xf32, #tpu.memory_space<vmem>>, %arg4: memref<10240x1xf32, #tpu.memory_space<vmem>>) attributes {dimension_semantics = [], scalar_prefetch = 0 : i64, scratch_operands = 0 : i64, tpu.core_type = #tpu.core_type<tc>} {
    %get3A = arith.constant 0 : index
    %get3A_0 = arith.constant 0 : index
    %get3A_1 = vector.load %arg0[%get3A, %get3A_0] : memref<10240x1xf32, #tpu.memory_space<vmem>>, vector<10240x1xf32>
    %bitcast_convert_type3A = tpu.bitcast %get3A_1 : vector<10240x1xf32> -> vector<10240x1xi32>
    %lt3A = arith.constant 0 : i32
    %lt3A_2 = vector.broadcast %lt3A : i32 to vector<10240x1xi32>
    %lt3A_3 = arith.cmpi slt, %bitcast_convert_type3A, %lt3A_2 : vector<10240x1xi32>
    %xor3A = arith.constant 2147483647 : i32
    %xor3A_4 = vector.broadcast %xor3A : i32 to vector<10240x1xi32>
    %xor3A_5 = arith.xori %bitcast_convert_type3A, %xor3A_4 : vector<10240x1xi32>
    %select_n3A = arith.select %lt3A_3, %xor3A_5, %bitcast_convert_type3A : vector<10240x1xi1>, vector<10240x1xi32>
    %iota3A = tpu.iota {dimensions = array<i32: 0>} : vector<10240x1xi32>
    %lt3A_6 = arith.constant 10000 : i32
    %lt3A_7 = vector.broadcast %lt3A_6 : i32 to vector<10240x1xi32>
    %lt3A_8 = arith.cmpi slt, %iota3A, %lt3A_7 : vector<10240x1xi32>
    %jit3A = arith.constant -2147483648 : i32
    %broadcast_in_dim3A = vector.broadcast %jit3A : i32 to vector<10240x1xi32>
    %select_n3A_9 = arith.select %lt3A_8, %select_n3A, %broadcast_in_dim3A : vector<10240x1xi1>, vector<10240x1xi32>
    %scan3A = arith.constant 5000 : i32
    %scan3A_10 = arith.constant -1073741824 : i32
    %scan3A_11 = arith.constant 1073741823 : i32
    %scan3A_12 = arith.constant 0 : i32
    %scan3A_13 = arith.constant 31 : i32
    %scan3A_14 = arith.addi %scan3A_12, %scan3A_13 : i32
    %scan3A_15 = arith.constant 1 : i32
    %scan3A_16:2 = scf.for %scan3A_48 = %scan3A_12 to %scan3A_14 step %scan3A_15 iter_args(%scan3A_49 = %scan3A_10, %scan3A_50 = %scan3A_11) -> (i32, i32)  : i32 {
      %sub3A = arith.subi %scan3A_50, %scan3A_49 : i32
      %shift_right_arithmetic3A = arith.constant 1 : i32
      %shift_right_arithmetic3A_51 = arith.shrsi %sub3A, %shift_right_arithmetic3A : i32
      %add3A = arith.addi %scan3A_49, %shift_right_arithmetic3A_51 : i32
      %and3A_52 = arith.constant 1 : i32
      %and3A_53 = arith.andi %sub3A, %and3A_52 : i32
      %add3A_54 = arith.addi %add3A, %and3A_53 : i32
      %ge3A = vector.broadcast %add3A_54 : i32 to vector<10240x1xi32>
      %ge3A_55 = arith.cmpi sge, %select_n3A_9, %ge3A : vector<10240x1xi32>
      %convert_element_type3A_56 = arith.extui %ge3A_55 : vector<10240x1xi1> to vector<10240x1xi32>
      %reduce_sum3A_57 = vector.shape_cast %convert_element_type3A_56 : vector<10240x1xi32> to vector<1x10240x1xi32>
      %reduce_sum3A_58 = arith.constant dense<0> : vector<1xi32>
      %reduce_sum3A_59 = vector.multi_reduction <add>, %reduce_sum3A_57, %reduce_sum3A_58 [1, 2] : vector<1x10240x1xi32> to vector<1xi32>
      %reduce_sum3A_60 = vector.shape_cast %reduce_sum3A_59 : vector<1xi32> to vector<1x1x1xi32>
      %reduce_sum3A_61 = vector.extract %reduce_sum3A_60[0, 0, 0] : i32 from vector<1x1x1xi32>
      %ge3A_62 = arith.cmpi sge, %reduce_sum3A_61, %scan3A : i32
      %select_n3A_63 = arith.select %ge3A_62, %add3A_54, %scan3A_49 : i32
      %sub3A_64 = arith.constant 1 : i32
      %sub3A_65 = arith.subi %add3A_54, %sub3A_64 : i32
      %select_n3A_66 = arith.select %ge3A_62, %scan3A_50, %sub3A_65 : i32
      scf.yield %select_n3A_63, %select_n3A_66 : i32, i32
    }
    %gt3A = vector.broadcast %scan3A_16#0 : i32 to vector<10240x1xi32>
    %gt3A_17 = arith.cmpi sgt, %select_n3A_9, %gt3A : vector<10240x1xi32>
    %convert_element_type3A = arith.extui %gt3A_17 : vector<10240x1xi1> to vector<10240x1xi32>
    %reduce_sum3A = vector.shape_cast %convert_element_type3A : vector<10240x1xi32> to vector<1x10240x1xi32>
    %reduce_sum3A_18 = arith.constant dense<0> : vector<1xi32>
    %reduce_sum3A_19 = vector.multi_reduction <add>, %reduce_sum3A, %reduce_sum3A_18 [1, 2] : vector<1x10240x1xi32> to vector<1xi32>
    %reduce_sum3A_20 = vector.shape_cast %reduce_sum3A_19 : vector<1xi32> to vector<1x1x1xi32>
    %reduce_sum3A_21 = vector.extract %reduce_sum3A_20[0, 0, 0] : i32 from vector<1x1x1xi32>
    %eq3A = vector.broadcast %scan3A_16#0 : i32 to vector<10240x1xi32>
    %eq3A_22 = arith.cmpi eq, %select_n3A_9, %eq3A : vector<10240x1xi32>
    %scan3A_23 = arith.constant 5000 : i32
    %scan3A_24 = arith.constant 0 : i32
    %scan3A_25 = arith.constant 10239 : i32
    %scan3A_26 = arith.constant 0 : i32
    %scan3A_27 = arith.constant 14 : i32
    %scan3A_28 = arith.addi %scan3A_26, %scan3A_27 : i32
    %scan3A_29 = arith.constant 1 : i32
    %scan3A_30:2 = scf.for %scan3A_48 = %scan3A_26 to %scan3A_28 step %scan3A_29 iter_args(%scan3A_49 = %scan3A_24, %scan3A_50 = %scan3A_25) -> (i32, i32)  : i32 {
      %add3A = arith.addi %scan3A_49, %scan3A_50 : i32
      %shift_right_arithmetic3A = arith.constant 1 : i32
      %shift_right_arithmetic3A_51 = arith.shrsi %add3A, %shift_right_arithmetic3A : i32
      %le3A_52 = vector.broadcast %shift_right_arithmetic3A_51 : i32 to vector<10240x1xi32>
      %le3A_53 = arith.cmpi sle, %iota3A, %le3A_52 : vector<10240x1xi32>
      %and3A_54 = arith.andi %eq3A_22, %le3A_53 : vector<10240x1xi1>
      %convert_element_type3A_55 = arith.extui %and3A_54 : vector<10240x1xi1> to vector<10240x1xi32>
      %reduce_sum3A_56 = vector.shape_cast %convert_element_type3A_55 : vector<10240x1xi32> to vector<1x10240x1xi32>
      %reduce_sum3A_57 = arith.constant dense<0> : vector<1xi32>
      %reduce_sum3A_58 = vector.multi_reduction <add>, %reduce_sum3A_56, %reduce_sum3A_57 [1, 2] : vector<1x10240x1xi32> to vector<1xi32>
      %reduce_sum3A_59 = vector.shape_cast %reduce_sum3A_58 : vector<1xi32> to vector<1x1x1xi32>
      %reduce_sum3A_60 = vector.extract %reduce_sum3A_59[0, 0, 0] : i32 from vector<1x1x1xi32>
      %add3A_61 = arith.addi %reduce_sum3A_21, %reduce_sum3A_60 : i32
      %ge3A = arith.cmpi sge, %add3A_61, %scan3A_23 : i32
      %add3A_62 = arith.constant 1 : i32
      %add3A_63 = arith.addi %shift_right_arithmetic3A_51, %add3A_62 : i32
      %select_n3A_64 = arith.select %ge3A, %scan3A_49, %add3A_63 : i32
      %select_n3A_65 = arith.select %ge3A, %shift_right_arithmetic3A_51, %scan3A_50 : i32
      scf.yield %select_n3A_64, %select_n3A_65 : i32, i32
    }
    %le3A = vector.broadcast %scan3A_30#0 : i32 to vector<10240x1xi32>
    %le3A_31 = arith.cmpi sle, %iota3A, %le3A : vector<10240x1xi32>
    %and3A = arith.andi %eq3A_22, %le3A_31 : vector<10240x1xi1>
    %or3A = arith.ori %gt3A_17, %and3A : vector<10240x1xi1>
    %convert_element_type3A_32 = arith.extui %or3A : vector<10240x1xi1> to vector<10240x1xi32>
    %convert_element_type3A_33 = arith.sitofp %convert_element_type3A_32 : vector<10240x1xi32> to vector<10240x1xf32>
    %mul3A = arith.mulf %convert_element_type3A_33, %get3A_1 : vector<10240x1xf32>
    %get3A_34 = arith.constant 0 : index
    %get3A_35 = arith.constant 0 : index
    %get3A_36 = vector.load %arg1[%get3A_34, %get3A_35] : memref<10240x128xf32, #tpu.memory_space<vmem>>, vector<10240x128xf32>
    %mul3A_37 = vector.broadcast %mul3A : vector<10240x1xf32> to vector<10240x128xf32>
    %mul3A_38 = arith.mulf %mul3A_37, %get3A_36 : vector<10240x128xf32>
    %get3A_39 = arith.constant 0 : index
    %get3A_40 = arith.constant 0 : index
    %get3A_41 = vector.load %arg2[%get3A_39, %get3A_40] : memref<128x128xf32, #tpu.memory_space<vmem>>, vector<128x128xf32>
    %dot_general3A = arith.constant dense<0.000000e+00> : vector<10240x128xf32>
    %dot_general3A_42 = tpu.matmul %mul3A_38, %get3A_41, %dot_general3A {dimension_numbers = #tpu.dot_dimension_numbers<[1], [0], [0], [1], [0, 0, 1, 1], [], []>, transpose_lhs_hint = false} : vector<10240x128xf32>, vector<128x128xf32>, vector<10240x128xf32> -> vector<10240x128xf32>
    %swap3A = arith.constant 0 : index
    %swap3A_43 = arith.constant 0 : index
    %swap3A_44 = vector.load %arg3[%swap3A, %swap3A_43] : memref<10240x128xf32, #tpu.memory_space<vmem>>, vector<10240x128xf32>
    tpu.vector_store %arg3[%swap3A, %swap3A_43], %dot_general3A_42 {strides = array<i32>} : memref<10240x128xf32, #tpu.memory_space<vmem>>, vector<10240x128xf32>,
    %swap3A_45 = arith.constant 0 : index
    %swap3A_46 = arith.constant 0 : index
    %swap3A_47 = vector.load %arg4[%swap3A_45, %swap3A_46] : memref<10240x1xf32, #tpu.memory_space<vmem>>, vector<10240x1xf32>
    tpu.vector_store %arg4[%swap3A_45, %swap3A_46], %convert_element_type3A_33 {strides = array<i32>} : memref<10240x1xf32, #tpu.memory_space<vmem>>, vector<10240x1xf32>,
    return
  }
}

module attributes {stable_mosaic.version = 14 : i64} {
  func.func @body(%arg0: memref<10240x32xf32, #tpu.memory_space<vmem>>, %arg1: memref<10240x1xf32, #tpu.memory_space<vmem>>, %arg2: memref<10240x1xf32, #tpu.memory_space<vmem>>) attributes {dimension_semantics = [], scalar_prefetch = 0 : i64, scratch_operands = 0 : i64, tpu.core_type = #tpu.core_type<tc>} {
    %get3A = arith.constant 0 : index
    %get3A_0 = arith.constant 0 : index
    %get3A_1 = vector.load %arg0[%get3A, %get3A_0] : memref<10240x32xf32, #tpu.memory_space<vmem>>, vector<10240x32xf32>
    %reduce_sum3A = arith.constant dense<0.000000e+00> : vector<10240xf32>
    %reduce_sum3A_2 = vector.multi_reduction <add>, %get3A_1, %reduce_sum3A [1] : vector<10240x32xf32> to vector<10240xf32>
    %broadcast_in_dim3A = vector.shape_cast %reduce_sum3A_2 : vector<10240xf32> to vector<10240x1xf32>
    %get3A_3 = arith.constant 0 : index
    %get3A_4 = arith.constant 0 : index
    %get3A_5 = vector.load %arg1[%get3A_3, %get3A_4] : memref<10240x1xf32, #tpu.memory_space<vmem>>, vector<10240x1xf32>
    %add3A = arith.addf %broadcast_in_dim3A, %get3A_5 : vector<10240x1xf32>
    %swap3A = arith.constant 0 : index
    %swap3A_6 = arith.constant 0 : index
    %swap3A_7 = vector.load %arg2[%swap3A, %swap3A_6] : memref<10240x1xf32, #tpu.memory_space<vmem>>, vector<10240x1xf32>
    tpu.vector_store %arg2[%swap3A, %swap3A_6], %add3A {strides = array<i32>} : memref<10240x1xf32, #tpu.memory_space<vmem>>, vector<10240x1xf32>,
    return
  }
}

module attributes {stable_mosaic.version = 14 : i64} {
  func.func @body(%arg0: memref<10240x32xf32, #tpu.memory_space<vmem>>, %arg1: memref<10240x1xf32, #tpu.memory_space<vmem>>, %arg2: memref<10240x1xf32, #tpu.memory_space<vmem>>, %arg3: memref<10240x128xf32, #tpu.memory_space<vmem>>, %arg4: memref<10240x128xf32, #tpu.memory_space<vmem>>, %arg5: memref<10240x1xf32, #tpu.memory_space<vmem>>) attributes {dimension_semantics = [], scalar_prefetch = 0 : i64, scratch_operands = 0 : i64, tpu.core_type = #tpu.core_type<tc>} {
    %get3A = arith.constant 0 : index
    %get3A_0 = arith.constant 0 : index
    %get3A_1 = vector.load %arg0[%get3A, %get3A_0] : memref<10240x32xf32, #tpu.memory_space<vmem>>, vector<10240x32xf32>
    %reduce_sum3A = arith.constant dense<0.000000e+00> : vector<10240xf32>
    %reduce_sum3A_2 = vector.multi_reduction <add>, %get3A_1, %reduce_sum3A [1] : vector<10240x32xf32> to vector<10240xf32>
    %broadcast_in_dim3A = vector.shape_cast %reduce_sum3A_2 : vector<10240xf32> to vector<10240x1xf32>
    %get3A_3 = arith.constant 0 : index
    %get3A_4 = arith.constant 0 : index
    %get3A_5 = vector.load %arg1[%get3A_3, %get3A_4] : memref<10240x1xf32, #tpu.memory_space<vmem>>, vector<10240x1xf32>
    %add3A = arith.addf %broadcast_in_dim3A, %get3A_5 : vector<10240x1xf32>
    %add3A_6 = arith.constant 1.000000e+00 : f32
    %add3A_7 = vector.broadcast %add3A_6 : f32 to vector<10240x1xf32>
    %add3A_8 = arith.addf %add3A, %add3A_7 : vector<10240x1xf32>
    %get3A_9 = arith.constant 0 : index
    %get3A_10 = arith.constant 0 : index
    %get3A_11 = vector.load %arg2[%get3A_9, %get3A_10] : memref<10240x1xf32, #tpu.memory_space<vmem>>, vector<10240x1xf32>
    %rsqrt3A = math.rsqrt %add3A_8 : vector<10240x1xf32>
    %mul3A = arith.mulf %get3A_11, %rsqrt3A : vector<10240x1xf32>
    %swap3A = arith.constant 0 : index
    %swap3A_12 = arith.constant 0 : index
    %swap3A_13 = vector.load %arg5[%swap3A, %swap3A_12] : memref<10240x1xf32, #tpu.memory_space<vmem>>, vector<10240x1xf32>
    tpu.vector_store %arg5[%swap3A, %swap3A_12], %mul3A {strides = array<i32>} : memref<10240x1xf32, #tpu.memory_space<vmem>>, vector<10240x1xf32>,
    %get3A_14 = arith.constant 0 : index
    %get3A_15 = arith.constant 0 : index
    %get3A_16 = vector.load %arg3[%get3A_14, %get3A_15] : memref<10240x128xf32, #tpu.memory_space<vmem>>, vector<10240x128xf32>
    %mul3A_17 = vector.broadcast %mul3A : vector<10240x1xf32> to vector<10240x128xf32>
    %mul3A_18 = arith.mulf %mul3A_17, %get3A_16 : vector<10240x128xf32>
    %swap3A_19 = arith.constant 0 : index
    %swap3A_20 = arith.constant 0 : index
    %swap3A_21 = vector.load %arg4[%swap3A_19, %swap3A_20] : memref<10240x128xf32, #tpu.memory_space<vmem>>, vector<10240x128xf32>
    tpu.vector_store %arg4[%swap3A_19, %swap3A_20], %mul3A_18 {strides = array<i32>} : memref<10240x128xf32, #tpu.memory_space<vmem>>, vector<10240x128xf32>,
    return
  }
}

module attributes {stable_mosaic.version = 14 : i64} {
  func.func @body(%arg0: memref<10240x128xf32, #tpu.memory_space<vmem>>, %arg1: memref<10240x128xf32, #tpu.memory_space<vmem>>, %arg2: memref<10240x128xf32, #tpu.memory_space<vmem>>, %arg3: memref<10240x128xf32, #tpu.memory_space<vmem>>) attributes {dimension_semantics = [], scalar_prefetch = 0 : i64, scratch_operands = 0 : i64, tpu.core_type = #tpu.core_type<tc>} {
    %get3A = arith.constant 0 : index
    %get3A_0 = arith.constant 0 : index
    %get3A_1 = vector.load %arg0[%get3A, %get3A_0] : memref<10240x128xf32, #tpu.memory_space<vmem>>, vector<10240x128xf32>
    %get3A_2 = arith.constant 0 : index
    %get3A_3 = arith.constant 0 : index
    %get3A_4 = vector.load %arg1[%get3A_2, %get3A_3] : memref<10240x128xf32, #tpu.memory_space<vmem>>, vector<10240x128xf32>
    %add3A = arith.addf %get3A_1, %get3A_4 : vector<10240x128xf32>
    %get3A_5 = arith.constant 0 : index
    %get3A_6 = arith.constant 0 : index
    %get3A_7 = vector.load %arg2[%get3A_5, %get3A_6] : memref<10240x128xf32, #tpu.memory_space<vmem>>, vector<10240x128xf32>
    %add3A_8 = arith.addf %add3A, %get3A_7 : vector<10240x128xf32>
    %swap3A = arith.constant 0 : index
    %swap3A_9 = arith.constant 0 : index
    %swap3A_10 = vector.load %arg3[%swap3A, %swap3A_9] : memref<10240x128xf32, #tpu.memory_space<vmem>>, vector<10240x128xf32>
    tpu.vector_store %arg3[%swap3A, %swap3A_9], %add3A_8 {strides = array<i32>} : memref<10240x128xf32, #tpu.memory_space<vmem>>, vector<10240x128xf32>,
    return
  }
}

module attributes {stable_mosaic.version = 14 : i64} {
  func.func @body(%arg0: memref<10240x128xf32, #tpu.memory_space<vmem>>, %arg1: memref<10240x128xf32, #tpu.memory_space<vmem>>, %arg2: memref<10240x128xf32, #tpu.memory_space<vmem>>, %arg3: memref<10240x128xf32, #tpu.memory_space<vmem>>, %arg4: memref<10240x1xf32, #tpu.memory_space<vmem>>, %arg5: memref<10240x1xf32, #tpu.memory_space<vmem>>, %arg6: memref<1x128xf32, #tpu.memory_space<vmem>>, %arg7: memref<10240x128xf32, #tpu.memory_space<vmem>>, %arg8: memref<128x128xf32, #tpu.memory_space<vmem>>, %arg9: memref<10240x1xf32, #tpu.memory_space<vmem>>, %arg10: memref<10240x128xf32, #tpu.memory_space<vmem>>) attributes {dimension_semantics = [], scalar_prefetch = 0 : i64, scratch_operands = 0 : i64, tpu.core_type = #tpu.core_type<tc>} {
    %get3A = arith.constant 0 : index
    %get3A_0 = arith.constant 0 : index
    %get3A_1 = vector.load %arg0[%get3A, %get3A_0] : memref<10240x128xf32, #tpu.memory_space<vmem>>, vector<10240x128xf32>
    %get3A_2 = arith.constant 0 : index
    %get3A_3 = arith.constant 0 : index
    %get3A_4 = vector.load %arg1[%get3A_2, %get3A_3] : memref<10240x128xf32, #tpu.memory_space<vmem>>, vector<10240x128xf32>
    %add3A = arith.addf %get3A_1, %get3A_4 : vector<10240x128xf32>
    %get3A_5 = arith.constant 0 : index
    %get3A_6 = arith.constant 0 : index
    %get3A_7 = vector.load %arg2[%get3A_5, %get3A_6] : memref<10240x128xf32, #tpu.memory_space<vmem>>, vector<10240x128xf32>
    %add3A_8 = arith.addf %add3A, %get3A_7 : vector<10240x128xf32>
    %get3A_9 = arith.constant 0 : index
    %get3A_10 = arith.constant 0 : index
    %get3A_11 = vector.load %arg3[%get3A_9, %get3A_10] : memref<10240x128xf32, #tpu.memory_space<vmem>>, vector<10240x128xf32>
    %add3A_12 = arith.addf %add3A_8, %get3A_11 : vector<10240x128xf32>
    %get3A_13 = arith.constant 0 : index
    %get3A_14 = arith.constant 0 : index
    %get3A_15 = vector.load %arg5[%get3A_13, %get3A_14] : memref<10240x1xf32, #tpu.memory_space<vmem>>, vector<10240x1xf32>
    %get3A_16 = arith.constant 0 : index
    %get3A_17 = arith.constant 0 : index
    %get3A_18 = vector.load %arg4[%get3A_16, %get3A_17] : memref<10240x1xf32, #tpu.memory_space<vmem>>, vector<10240x1xf32>
    %mul3A = vector.broadcast %get3A_18 : vector<10240x1xf32> to vector<10240x128xf32>
    %mul3A_19 = arith.mulf %mul3A, %add3A_12 : vector<10240x128xf32>
    %get3A_20 = arith.constant 0 : index
    %get3A_21 = arith.constant 0 : index
    %get3A_22 = vector.load %arg6[%get3A_20, %get3A_21] : memref<1x128xf32, #tpu.memory_space<vmem>>, vector<1x128xf32>
    %add3A_23 = vector.broadcast %get3A_22 : vector<1x128xf32> to vector<10240x128xf32>
    %add3A_24 = arith.addf %mul3A_19, %add3A_23 : vector<10240x128xf32>
    %max3A = arith.constant 0.000000e+00 : f32
    %max3A_25 = vector.broadcast %max3A : f32 to vector<10240x128xf32>
    %max3A_26 = arith.maximumf %add3A_24, %max3A_25 : vector<10240x128xf32>
    %mul3A_27 = vector.broadcast %get3A_15 : vector<10240x1xf32> to vector<10240x128xf32>
    %mul3A_28 = arith.mulf %mul3A_27, %max3A_26 : vector<10240x128xf32>
    %get3A_29 = arith.constant 0 : index
    %get3A_30 = arith.constant 0 : index
    %get3A_31 = vector.load %arg7[%get3A_29, %get3A_30] : memref<10240x128xf32, #tpu.memory_space<vmem>>, vector<10240x128xf32>
    %add3A_32 = arith.addf %get3A_31, %mul3A_28 : vector<10240x128xf32>
    %get3A_33 = arith.constant 0 : index
    %get3A_34 = arith.constant 0 : index
    %get3A_35 = vector.load %arg8[%get3A_33, %get3A_34] : memref<128x128xf32, #tpu.memory_space<vmem>>, vector<128x128xf32>
    %dot_general3A = arith.constant dense<0.000000e+00> : vector<10240x128xf32>
    %dot_general3A_36 = tpu.matmul %add3A_32, %get3A_35, %dot_general3A {dimension_numbers = #tpu.dot_dimension_numbers<[1], [0], [0], [1], [0, 0, 1, 1], [], []>, transpose_lhs_hint = false} : vector<10240x128xf32>, vector<128x128xf32>, vector<10240x128xf32> -> vector<10240x128xf32>
    %get3A_37 = arith.constant 0 : index
    %get3A_38 = arith.constant 0 : index
    %get3A_39 = vector.load %arg9[%get3A_37, %get3A_38] : memref<10240x1xf32, #tpu.memory_space<vmem>>, vector<10240x1xf32>
    %mul3A_40 = vector.broadcast %get3A_39 : vector<10240x1xf32> to vector<10240x128xf32>
    %mul3A_41 = arith.mulf %mul3A_40, %dot_general3A_36 : vector<10240x128xf32>
    %swap3A = arith.constant 0 : index
    %swap3A_42 = arith.constant 0 : index
    %swap3A_43 = vector.load %arg10[%swap3A, %swap3A_42] : memref<10240x128xf32, #tpu.memory_space<vmem>>, vector<10240x128xf32>
    tpu.vector_store %arg10[%swap3A, %swap3A_42], %mul3A_41 {strides = array<i32>} : memref<10240x128xf32, #tpu.memory_space<vmem>>, vector<10240x128xf32>,
    return
  }
}

module attributes {stable_mosaic.version = 14 : i64} {
  func.func @body(%arg0: memref<10240x128xf32, #tpu.memory_space<vmem>>, %arg1: memref<10240x128xf32, #tpu.memory_space<vmem>>, %arg2: memref<10240x128xf32, #tpu.memory_space<vmem>>, %arg3: memref<10240x1xf32, #tpu.memory_space<vmem>>, %arg4: memref<1x128xf32, #tpu.memory_space<vmem>>, %arg5: memref<10240x128xf32, #tpu.memory_space<vmem>>) attributes {dimension_semantics = [], scalar_prefetch = 0 : i64, scratch_operands = 0 : i64, tpu.core_type = #tpu.core_type<tc>} {
    %get3A = arith.constant 0 : index
    %get3A_0 = arith.constant 0 : index
    %get3A_1 = vector.load %arg0[%get3A, %get3A_0] : memref<10240x128xf32, #tpu.memory_space<vmem>>, vector<10240x128xf32>
    %get3A_2 = arith.constant 0 : index
    %get3A_3 = arith.constant 0 : index
    %get3A_4 = vector.load %arg1[%get3A_2, %get3A_3] : memref<10240x128xf32, #tpu.memory_space<vmem>>, vector<10240x128xf32>
    %add3A = arith.addf %get3A_1, %get3A_4 : vector<10240x128xf32>
    %get3A_5 = arith.constant 0 : index
    %get3A_6 = arith.constant 0 : index
    %get3A_7 = vector.load %arg2[%get3A_5, %get3A_6] : memref<10240x128xf32, #tpu.memory_space<vmem>>, vector<10240x128xf32>
    %mul3A = arith.constant 2.000000e+00 : f32
    %mul3A_8 = vector.broadcast %mul3A : f32 to vector<10240x128xf32>
    %mul3A_9 = arith.mulf %mul3A_8, %get3A_7 : vector<10240x128xf32>
    %add3A_10 = arith.addf %add3A, %mul3A_9 : vector<10240x128xf32>
    %get3A_11 = arith.constant 0 : index
    %get3A_12 = arith.constant 0 : index
    %get3A_13 = vector.load %arg3[%get3A_11, %get3A_12] : memref<10240x1xf32, #tpu.memory_space<vmem>>, vector<10240x1xf32>
    %mul3A_14 = vector.broadcast %get3A_13 : vector<10240x1xf32> to vector<10240x128xf32>
    %mul3A_15 = arith.mulf %mul3A_14, %add3A_10 : vector<10240x128xf32>
    %get3A_16 = arith.constant 0 : index
    %get3A_17 = arith.constant 0 : index
    %get3A_18 = vector.load %arg4[%get3A_16, %get3A_17] : memref<1x128xf32, #tpu.memory_space<vmem>>, vector<1x128xf32>
    %add3A_19 = vector.broadcast %get3A_18 : vector<1x128xf32> to vector<10240x128xf32>
    %add3A_20 = arith.addf %mul3A_15, %add3A_19 : vector<10240x128xf32>
    %swap3A = arith.constant 0 : index
    %swap3A_21 = arith.constant 0 : index
    %swap3A_22 = vector.load %arg5[%swap3A, %swap3A_21] : memref<10240x128xf32, #tpu.memory_space<vmem>>, vector<10240x128xf32>
    tpu.vector_store %arg5[%swap3A, %swap3A_21], %add3A_20 {strides = array<i32>} : memref<10240x128xf32, #tpu.memory_space<vmem>>, vector<10240x128xf32>,
    return
  }
}

</mosaic_0001>

<sc_bundles>
// kernel: kernel.17.cloned.1.call-start
scs
__scs_entry_jumppad:
0x0: {  	(pc) =	sbr.rel $0x88, $3  }
0x1: {  	(tag) =	ssettag $0x0;
	lr =	simm.s32 $0x1  }
0x2: {  	[smem:$0x3F98] =	sst lr;
	_ =	strace $0xD0000000  }
0x3: {  	_ = 	snop  }
0x4: {  	_ = 	snop  }
0x5: {  	_ = 	snop  }
0x6: {  	_ = 	snop  }
0x7: {  	_ = 	snop  }
__scs_overlays_trampoline_lowered:
0x8: {  	[smem:$0x3FA7] =	sst s0  }
0x9: {  	[smem:$0x3FA8] =	sst s1  }
0xa: {  	[smem:$0x3FA9] =	sst s2  }
0xb: {  	[smem:$0x3FAA] =	sst s3  }
0xc: {  	[smem:$0x3FAB] =	sst s4  }
0xd: {  	[smem:$0x3FAC] =	sst s5  }
0xe: {  	[smem:$0x3FAD] =	sst s6  }
0xf: {  	[smem:$0x3FAE] =	sst s7  }
0x10: {  	[smem:$0x3FAF] =	sst s8  }
0x11: {  	[smem:$0x3FB0] =	sst s9;
	s0 =	simm.s32 @!p0 $0x0  }
0x12: {  	s1 =	sld [smem:$0x3F96];
	s0 =	simm.s32 @p0 $0x1  }
0x13: {  	[smem:$0x3FB1] =	sst s0;
	s0 =	simm.s32 @!p1 $0x0  }
0x14: {  	s2 =	sld [smem:$0x3F95];
	s0 =	simm.s32 @p1 $0x1  }
0x15: {  	[smem:$0x3FB2] =	sst s0;
	s0 =	simm.s32 @!p2 $0x0  }
0x16: {  	s3 =	sld [smem:$0x3FDB];
	s0 =	simm.s32 @p2 $0x1  }
0x17: {  	s4 =	simm.s32 $0x1BF5;
	[smem:$0x3FB4] =	sst s0  }
0x18: {  	s0 =	sld [smem:$0x3F97];
	_ =	swait.ge [sflag:s4], $0x0  }
0x19: {  	s7 =	sld [smem:$0x3F98]  }
0x1a: {  	s8 =	sadd.s32 $0xFFFFE003, lr  }
0x1b: {  	s9 =	sadd.s32 $0xFFFFFEF7, lr;
	s5 =	simm.s32 $0xFFFFFFFF;
	p2 =	slt.u32 s8, $0xFFFFF086  }
0x1c: {  	p1 =	slt.u32 s9, $0xF7A;
	s5 =	simm.s32 @!p2 $0x0  }
0x1d: {  	s5 =	simm.s32 @p1 $0x1;
	p0 =	seq.s32 s7, s2  }
0x1e: {  	s7 =	smul.u32 @!p0 $0xF7A, s2;
	p2 =	seq.s32 @!p0 s5, $0x0  }
0x1f: {  	s9 =	smul.u32 $0xF7A, s1;
	s8 =	simm.s32 @!p0 $0x1BF5;
	p2 =	por !p2, p0  }
0x20: {  	[sflag:s8] =	ssyncset.s32 @!p0 $0xFFFFF086;
	s6 =	sadd.s32 @!p0 s3, s7;
	s7 =	simm.s32 @!p0 $0x108  }
0x21: {  	s3 =	sadd.s32 s3, s9;
	s6 =	sadd.s32 @!p0 $0x88, s6;
	s7 =	simm.s32 @p2 $0x1082  }
0x22: {  	[simem:s7], [sflag:s8] =	dma.local @!p0 [hbm:s6], $0xF7A  }
0x23: {  	s9 =	sor.u32 $0xD0000000, s2;
	s6 =	simm.s32 $0x108;
	_ =	swait.ge @!p0 [sflag:s8], $0x0  }
0x24: {  	s3 =	sadd.s32 $0x88, s3;
	s6 =	simm.s32 @!p1 $0x1082;
	[sflag:s4] =	ssyncset.s32 $0xFFFFF086  }
0x25: {  	[simem:s6], [sflag:s4] =	dma.local [hbm:s3], $0xF7A  }
0x26: {  	[smem:$0x3F98] =	sst s1;
	(tag) =	ssettag s2;
	_ =	strace s9  }
0x27: {  	s1 =	sld [smem:$0x3FA8]  }
0x28: {  	s2 =	sld [smem:$0x3FA9]  }
0x29: {  	s4 =	sld [smem:$0x3FAB]  }
0x2a: {  	p0 =	seq.s32 s5, $0x0;
	s5 =	sld [smem:$0x3FAC]  }
0x2b: {  	s6 =	sld [smem:$0x3FAD]  }
0x2c: {  	s7 =	sld [smem:$0x3FAE]  }
0x2d: {  	s3 =	simm.s32 $0x108;
	s8 =	sld [smem:$0x3FAF]  }
0x2e: {  	s3 =	simm.s32 @!p0 $0x1082;
	s9 =	sld [smem:$0x3FB0]  }
0x2f: {  	lr =	sadd.s32 s0, s3;
	s0 =	sld [smem:$0x3FA7]  }
0x30: {  	s3 =	sld [smem:$0x3FAA]  }
0x31: {  	[smem:$0x3FB3] =	sst s10  }
0x32: {  	s10 =	sld [smem:$0x3FB1];
	_ =	sdelay $0x3  }
0x33: {  	p0 =	seq.s32 s10, $0x1;
	s10 =	sld [smem:$0x3FB3];
	_ =	sdelay $0x3  }
0x34: {  	[smem:$0x3FB3] =	sst s10  }
0x35: {  	s10 =	sld [smem:$0x3FB2];
	_ =	sdelay $0x3  }
0x36: {  	p1 =	seq.s32 s10, $0x1;
	s10 =	sld [smem:$0x3FB3];
	_ =	sdelay $0x3  }
0x37: {  	[smem:$0x3FB3] =	sst s10  }
0x38: {  	s10 =	sld [smem:$0x3FB4]  }
0x39: {  	_ = 	snop;
	(pc) =	sbr.ind lr, $3  }
0x3a: {  	_ = 	snop  }
0x3b: {  	_ = 	snop  }
0x3c: {  	p2 =	seq.s32 s10, $0x1;
	s10 =	sld [smem:$0x3FB3]  }
0x3d: {  	_ =	shalt  }
0x3e: {  	_ =	shalt  }
0x3f: {  	_ =	shalt  }
0x40: {  	_ =	shalt  }
0x41: {  	_ =	shalt  }
0x42: {  	_ =	shalt  }
0x43: {  	_ =	shalt  }
0x44: {  	_ =	shalt  }
0x45: {  	_ =	shalt  }
0x46: {  	_ =	shalt  }
0x47: {  	_ =	shalt  }
0x48: {  	_ =	shalt  }
0x49: {  	_ =	shalt  }
0x4a: {  	_ =	shalt  }
0x4b: {  	_ =	shalt  }
0x4c: {  	_ =	shalt  }
0x4d: {  	_ =	shalt  }
0x4e: {  	_ =	shalt  }
0x4f: {  	_ =	shalt  }
0x50: {  	_ =	shalt  }
0x51: {  	_ =	shalt  }
0x52: {  	_ =	shalt  }
0x53: {  	_ =	shalt  }
0x54: {  	_ =	shalt  }
0x55: {  	_ =	shalt  }
0x56: {  	_ =	shalt  }
0x57: {  	_ =	shalt  }
0x58: {  	_ =	shalt  }
0x59: {  	_ =	shalt  }
0x5a: {  	_ =	shalt  }
0x5b: {  	_ =	shalt  }
0x5c: {  	_ =	shalt  }
0x5d: {  	_ =	shalt  }
0x5e: {  	_ =	shalt  }
0x5f: {  	_ =	shalt  }
0x60: {  	_ =	shalt  }
0x61: {  	_ =	shalt  }
0x62: {  	_ =	shalt  }
0x63: {  	_ =	shalt  }
0x64: {  	_ =	shalt  }
0x65: {  	_ =	shalt  }
0x66: {  	_ =	shalt  }
0x67: {  	_ =	shalt  }
0x68: {  	_ =	shalt  }
0x69: {  	_ =	shalt  }
0x6a: {  	_ =	shalt  }
0x6b: {  	_ =	shalt  }
0x6c: {  	_ =	shalt  }
0x6d: {  	_ =	shalt  }
0x6e: {  	_ =	shalt  }
0x6f: {  	_ =	shalt  }
0x70: {  	_ =	shalt  }
0x71: {  	_ =	shalt  }
0x72: {  	_ =	shalt  }
0x73: {  	_ =	shalt  }
0x74: {  	_ =	shalt  }
0x75: {  	_ =	shalt  }
0x76: {  	_ =	shalt  }
0x77: {  	_ =	shalt  }
0x78: {  	_ =	shalt  }
0x79: {  	_ =	shalt  }
0x7a: {  	_ =	shalt  }
0x7b: {  	_ =	shalt  }
0x7c: {  	_ =	shalt  }
0x7d: {  	_ =	shalt  }
0x7e: {  	_ =	shalt  }
0x7f: {  	_ =	shalt  }
0x80: {  	_ =	shalt  }
0x81: {  	_ =	shalt  }
0x82: {  	_ =	shalt  }
0x83: {  	_ =	shalt  }
0x84: {  	_ =	shalt  }
0x85: {  	_ =	shalt  }
0x86: {  	_ =	shalt  }
0x87: {  	_ =	shalt  }
.Lfunc_end0:
.L_simem_size_0:
called_computation_lowered:
.L_overlay_start_0:
0x88: {  	s2 =	sld [smem:$0x3FD9]  }
0x89: {  	s3 =	sld [smem:$0x3FFE];
	_ =	sdelay $0x1  }
0x8a: {  	s1 =	srdreg.scid  }
0x8b: {  	s0 =	sand.u32 $0x1, s1  }
0x8c: {  	s17 =	sshll.u32 s0, $0xA;
	s2 =	sadd.s32 s3, s2  }
0x8d: {  	s2 =	sadd.s32 s2, s17  }
0x8e: {  	[smem:$0x3FBF] =	sst s2  }
0x8f: {  	_ = 	snop  }
0x90: {  	s2 =	sld [smem:$0x3FD0];
	(tm) =	ssettm $0x1  }
0x91: {  	s18 =	sld [smem:$0x3FFB];
	_ =	sdelay $0x3  }
0x92: {  	_ =	strace s18  }
0x93: {  	s3 =	sld [smem:$0x3FFC];
	_ =	sdelay $0x3  }
0x94: {  	_ =	strace s3  }
0x95: {  	s3 =	sld [smem:$0x3FFD];
	_ =	sdelay $0x3  }
0x96: {  	_ =	strace s3  }
0x97: {  	_ =	strace $0x8FFFFFFF  }
0x98: {  	s19 =	sld [smem:$0x3FDB];
	_ =	sdelay $0x1  }
0x99: {  	s4 =	simm.s32 $_scs_section_size  }
0x9a: {  	s5 =	simm.s32 $_size__tile_overlayer_lowered;
	s6 =	simm.s32 $_tile_overlayer_lowered  }
0x9b: {  	s22 =	simm.s32 $0x1BFF;
	s21 =	sshll.u32 s6, $0x1;
	s3 =	sadd.s32 s4, s19  }
0x9c: {  	s7 =	simm.s32 $0x0;
	s20 =	sshll.u32 s5, $0x1;
	s5 =	sadd.s32 s21, s3  }
0x9d: {  	[timem:s7], [sflag:s22] =	dma.local [hbm:s5], s20  }
0x9e: {  	_ =	swait.ge [sflag:s22], s20  }
0x9f: {  	s4 =	ssub.s32 $0x0, s20;
	[sflag:s22] =	ssyncset.done $0x0  }
0xa0: {  	[sflag:s22] =	ssyncadd.s32 s4;
	_ =	sdelay $0x1  }
0xa1: {  	s23 =	simm.s32 $0x1B8B  }
0xa2: {  	_ =	swait.ge [sflag:s23], $0x1  }
0xa3: {  	[sflag:s23] =	ssyncset.done $0x0  }
0xa4: {  	s25 =	simm.s32 $0x1B8E;
	s24 =	sld [smem:$0x3FFE];
	[sflag:s23] =	ssyncadd.s32 $0xFFFFFFFF  }
0xa5: {  	s26 =	simm.s32 $execute0_lowered;
	[smem:$0x3FD2] =	sst s25  }
0xa6: {  	s5 =	sshll.u32 s26, $0x1;
	_ =	strace $0x80000046;
	[dreg:$0x1] =	wrdreg $0xFFFFFFFF  }
0xa7: {  	s28 =	simm.s32 $_size_execute0_lowered;
	s3 =	sadd.s32 s3, s5;
	[dreg:$0x0] =	wrdreg $0x0  }
0xa8: {  	s5 =	sshll.u32 s28, $0x1;
	[dreg:$0x2] =	wrdreg s3  }
0xa9: {  	[dreg:$0x3] =	wrdreg s5  }
0xaa: {  	[dreg:$0x4] =	wrdreg $0xC0  }
0xab: {  	_ =	task [dreg:s7], $0x5FFFF  }
0xac: {  	[dreg:$0x1] =	wrdreg $0xFFFFFFFF  }
0xad: {  	[dreg:$0x0] =	wrdreg $0x60  }
0xae: {  	[dreg:$0x2] =	wrdreg s24  }
0xaf: {  	[dreg:$0x3] =	wrdreg s2  }
0xb0: {  	[dreg:$0x4] =	wrdreg $0x9  }
0xb1: {  	_ =	task.clear_ibuf [dreg:s7], $0x5FFFF;
	_ =	strace $0x90000046  }
0xb2: {  	s29 =	simm.s32 $0x9;
	_ =	strace $0x80000048  }
0xb3: {  	_ =	swait.ge [sflag:s29], $0x1  }
0xb4: {  	[sflag:s29] =	ssyncadd.s32 $0xFFFFFFFF  }
0xb5: {  	_ =	strace $0x90000048  }
0xb6: {  	_ =	sfence  }
0xb7: {  	s30 =	sld [smem:$0x0];
	_ =	sdelay $0x2  }
0xb8: {  	s31 =	sshll.u32 s1, $0xD;
	s1 =	sshrl.u32 s1, $0x2  }
0xb9: {  	s3 =	sand.u32 $0x4000, s31;
	s1 =	sadd.s32 s1, s30  }
0xba: {  	s0 =	sor.u32 s3, s0;
	s1 =	sshll.u32 s1, $0x11  }
0xbb: {  	s0 =	sor.u32 s1, s0  }
0xbc: {  	s0 =	sadd.s32 $0x8F2B, s0  }
0xbd: {  	[sflag:s0] =	ssyncadd.remote.s32 $0x1  }
0xbe: {  	_ =	sfence.sel $0xFFFF  }
0xbf: {  	[dreg:$0x0] =	wrdreg $0xFFFFFFFF;
	(pc) =	sbr.abs _section_cstart, $3  }
0xc0: {  	[dreg:$0x1] =	wrdreg $0xFFFFFFFF  }
0xc1: {  	_ =	task.clear_ibuf [dreg:s7], $0x2FFFF;
	_ =	strace $0x9FFFFFFF  }
0xc2: {  	(tm) =	ssettm $0x7FFFFFFF  }
0xc3: {  	_ =	shalt  }
tec
execute0_lowered:
.L_overlay_start_1:
0x0: {  	(tag) =	ssettag $0x1  }
0x1: {  	s3 =	rddreg [dreg:$0x0]  }
0x2: {  	s0 =	srdreg.scid;
	s6 =	rddreg [dreg:$0x1]  }
0x3: {  	s1 =	stileid.u32;
	s2 =	simm.s32 $0x0;
	s10 =	simm.s32 $0x1400  }
0x4: {  	s11 =	simm.s32 $0x80;
	s12 =	simm.s32 $0x400;
	s4 =	sand.u32 $0x1, s0  }
0x5: {  	s13 =	simm.s32 $0x0;
	s0 =	rddreg [dreg:$0x2];
	s5 =	sshll.u32 s4, $0x4  }
0x6: {  	[smem:$0x7FF] =	sst s2;
	s8 =	sshll.u32 s1, $0x7;
	s5 =	sor.u32 s1, s5  }
0x7: {  	s4 =	ssub.s32 $0x2, s4;
	s7 =	smul.u32 $0x280, s5;
	s5 =	sshrl.u32 s5, $0x3  }
0x8: {  	_ =	strace $0x80000047;
	s9 =	sshrl.u32 s4, $0x1;
	s5 =	smul.u32 $0x14000, s5  }
0x9: {  	s8 =	sand.u32 $0x380, s8;
	s30 =	ssub.s32 s4, s9;
	s9 =	simm.s32 $0x1  }
0xa: {  	s7 =	sadd.s32 s7, s3;
	s3 =	sadd.s32 $0x19600, s3;
	s5 =	sor.u32 s8, s5  }
0xb: {  	s4 =	sadd.s32 $0xA600, s7;
	s8 =	simm.s32 $0x2800;
	s31 =	sshrl.u32 s5, $0x3  }
0xc: {  	v0 =	vimm.f32 $1.000000000e+00;
	s5 =	sadd.s32 $0x5600, s7;
	s7 =	smax.u32 s30, $0x1;
	s6 =	sadd.s32 s6, s31  }
.LBB2_1:
0xd: {  	[tilespmem:s8], [sflag:$0x1] =	stream.linear.gather [hbm4b:s3+s2], $0x2800, $0x38;
	[tilespmem:$0x5000] =	vst v63  }
0xe: {  	_ =	swait.ge [sflag:s9], $0x2800  }
0xf: {  	[sflag:s9] =	ssyncset.done $0x0  }
0x10: {  	[sflag:s9] =	ssyncadd.s32 $0xFFFFD800  }
0x11: {  	[tilespmem:s2], [sflag:$0x1] =	stream.linear.gather [hbm4b:s4+s2], $0x1400, $0x38;
	[tilespmem:$0x5000] =	vst v63  }
0x12: {  	_ =	swait.ge [sflag:s9], $0x1400  }
0x13: {  	[sflag:s9] =	ssyncset.done $0x0  }
0x14: {  	[sflag:s9] =	ssyncadd.s32 $0xFFFFEC00  }
0x15: {  	[tilespmem:s10], [sflag:$0x1] =	stream.linear.gather [hbm4b:s5+s2], $0x1400, $0x38;
	[tilespmem:$0x5000] =	vst v63  }
0x16: {  	_ =	swait.ge [sflag:s9], $0x1400  }
0x17: {  	[sflag:s9] =	ssyncset.done $0x0  }
0x18: {  	s15 =	simm.s32 $0x0;
	s14 =	simm.s32 $0x40;
	[sflag:s9] =	ssyncadd.s32 $0xFFFFEC00  }
.LBB2_2:
0x19: {  	p0 =	sne.s32 s14, $0x4FC0;
	v1 =	vld [tilespmem:s15+$0x1400];
	_ =	sdelay $0x3  }
.Ltmp0:
0x1a: {  	(pc) =	sbr.rel @p0 .LBB2_2-.Ltmp0, $2  }
0x1b: {  	_ =	sdelay $0x2  }
0x1c: {  	s15 =	sshra.s32 s14, $0x2;
	s14 =	sadd.s32 $0x40, s14;
	[tilespmem:v1+s8+$0x0] =	vst.idx.add.f32.msk $0xffff, v0  }
0x1d: {  	v1 =	vld [tilespmem:s15+$0x1400];
	_ =	sdelay $0x5  }
0x1e: {  	s13 =	sadd.s32 $0x1, s13  }
0x1f: {  	p0 =	sne.s32 s13, s7  }
.Ltmp1:
0x20: {  	[tilespmem:v1+s8+$0x0] =	vst.idx.add.f32.msk $0xffff, v0;
	(pc) =	sbr.rel @p0 .LBB2_1-.Ltmp1, $4  }
0x21: {  	[hbm4b:s6+s11] =	stream.strided.scatter [tilespmem:s8], [sflag:$0x1], $0x2800, s12, s11, $0x38;
	[tilespmem:$0x5000] =	vst v63  }
0x22: {  	_ =	swait.ge [sflag:s9], $0x2800  }
0x23: {  	[sflag:s9] =	ssyncset.done $0x0  }
0x24: {  	[sflag:s9] =	ssyncadd.s32 $0xFFFFD800  }
0x25: {  	_ =	sfence.sel $0x180000  }
0x26: {  	[bflag:$0x0] =	sbarrier.arrive $0xFFFF  }
0x27: {  	p0 =	sne.s32 s1, $0x0;
	_ =	strace $0x90000047  }
0x28: {  	s0 =	sadd.s32 @!p0 $0x100000, s0;
	[bflag:$0x2] =	sbarrier.arrive $0xFFFF  }
0x29: {  	[sflag:s0] =	ssyncadd.tile.s32 @!p0 $0x1;
	_ =	shalt  }
.Lfunc_end2:
_tile_overlayer_lowered:
.L_overlay_start_2:
0x2a: {  	(tag) =	ssettag $0x2  }
0x2b: {  	s0 =	rddreg [dreg:$0x0];
	s2 =	stileid.u32  }
0x2c: {  	s1 =	rddreg [dreg:$0x1];
	p0 =	sne.s32 s2, $0x0  }
0x2d: {  	s3 =	rddreg [dreg:$0x2];
	[bflag:$0x3] =	sbarrier.arrive $0xFFFF;
	s2 =	simm.s32 @!p0 $0x1C01  }
0x2e: {  	[timem:s3], [sflag:s2] =	dma.local @!p0 [hbm:s0], s1  }
0x2f: {  	s0 =	simm.s32 @!p0 $0x1  }
0x30: {  	_ =	swait.ge @!p0 [sflag:s0], s1  }
0x31: {  	s1 =	ssub.s32 @!p0 $0x0, s1;
	[sflag:s0] =	ssyncset.done @!p0 $0x0  }
0x32: {  	[sflag:s0] =	ssyncadd.s32 @!p0 s1  }
0x33: {  	[bflag:$0x3] =	sbarrier.arrive $0xFFFF  }
0x34: {  	_ =	shalt  }

// kernel: kernel.20.cloned.1.call-start
scs
__scs_entry_jumppad:
0x0: {  	(pc) =	sbr.rel $0x88, $3  }
0x1: {  	(tag) =	ssettag $0x0;
	lr =	simm.s32 $0x1  }
0x2: {  	[smem:$0x3F98] =	sst lr;
	_ =	strace $0xD0000000  }
0x3: {  	_ = 	snop  }
0x4: {  	_ = 	snop  }
0x5: {  	_ = 	snop  }
0x6: {  	_ = 	snop  }
0x7: {  	_ = 	snop  }
__scs_overlays_trampoline_lowered:
0x8: {  	[smem:$0x3FA7] =	sst s0  }
0x9: {  	[smem:$0x3FA8] =	sst s1  }
0xa: {  	[smem:$0x3FA9] =	sst s2  }
0xb: {  	[smem:$0x3FAA] =	sst s3  }
0xc: {  	[smem:$0x3FAB] =	sst s4  }
0xd: {  	[smem:$0x3FAC] =	sst s5  }
0xe: {  	[smem:$0x3FAD] =	sst s6  }
0xf: {  	[smem:$0x3FAE] =	sst s7  }
0x10: {  	[smem:$0x3FAF] =	sst s8  }
0x11: {  	[smem:$0x3FB0] =	sst s9;
	s0 =	simm.s32 @!p0 $0x0  }
0x12: {  	s1 =	sld [smem:$0x3F96];
	s0 =	simm.s32 @p0 $0x1  }
0x13: {  	[smem:$0x3FB1] =	sst s0;
	s0 =	simm.s32 @!p1 $0x0  }
0x14: {  	s2 =	sld [smem:$0x3F95];
	s0 =	simm.s32 @p1 $0x1  }
0x15: {  	[smem:$0x3FB2] =	sst s0;
	s0 =	simm.s32 @!p2 $0x0  }
0x16: {  	s3 =	sld [smem:$0x3FDB];
	s0 =	simm.s32 @p2 $0x1  }
0x17: {  	s4 =	simm.s32 $0x1BF5;
	[smem:$0x3FB4] =	sst s0  }
0x18: {  	s0 =	sld [smem:$0x3F97];
	_ =	swait.ge [sflag:s4], $0x0  }
0x19: {  	s7 =	sld [smem:$0x3F98]  }
0x1a: {  	s8 =	sadd.s32 $0xFFFFE003, lr  }
0x1b: {  	s9 =	sadd.s32 $0xFFFFFEF7, lr;
	s5 =	simm.s32 $0xFFFFFFFF;
	p2 =	slt.u32 s8, $0xFFFFF086  }
0x1c: {  	p1 =	slt.u32 s9, $0xF7A;
	s5 =	simm.s32 @!p2 $0x0  }
0x1d: {  	s5 =	simm.s32 @p1 $0x1;
	p0 =	seq.s32 s7, s2  }
0x1e: {  	s7 =	smul.u32 @!p0 $0xF7A, s2;
	p2 =	seq.s32 @!p0 s5, $0x0  }
0x1f: {  	s9 =	smul.u32 $0xF7A, s1;
	s8 =	simm.s32 @!p0 $0x1BF5;
	p2 =	por !p2, p0  }
0x20: {  	[sflag:s8] =	ssyncset.s32 @!p0 $0xFFFFF086;
	s6 =	sadd.s32 @!p0 s3, s7;
	s7 =	simm.s32 @!p0 $0x108  }
0x21: {  	s3 =	sadd.s32 s3, s9;
	s6 =	sadd.s32 @!p0 $0x88, s6;
	s7 =	simm.s32 @p2 $0x1082  }
0x22: {  	[simem:s7], [sflag:s8] =	dma.local @!p0 [hbm:s6], $0xF7A  }
0x23: {  	s9 =	sor.u32 $0xD0000000, s2;
	s6 =	simm.s32 $0x108;
	_ =	swait.ge @!p0 [sflag:s8], $0x0  }
0x24: {  	s3 =	sadd.s32 $0x88, s3;
	s6 =	simm.s32 @!p1 $0x1082;
	[sflag:s4] =	ssyncset.s32 $0xFFFFF086  }
0x25: {  	[simem:s6], [sflag:s4] =	dma.local [hbm:s3], $0xF7A  }
0x26: {  	[smem:$0x3F98] =	sst s1;
	(tag) =	ssettag s2;
	_ =	strace s9  }
0x27: {  	s1 =	sld [smem:$0x3FA8]  }
0x28: {  	s2 =	sld [smem:$0x3FA9]  }
0x29: {  	s4 =	sld [smem:$0x3FAB]  }
0x2a: {  	p0 =	seq.s32 s5, $0x0;
	s5 =	sld [smem:$0x3FAC]  }
0x2b: {  	s6 =	sld [smem:$0x3FAD]  }
0x2c: {  	s7 =	sld [smem:$0x3FAE]  }
0x2d: {  	s3 =	simm.s32 $0x108;
	s8 =	sld [smem:$0x3FAF]  }
0x2e: {  	s3 =	simm.s32 @!p0 $0x1082;
	s9 =	sld [smem:$0x3FB0]  }
0x2f: {  	lr =	sadd.s32 s0, s3;
	s0 =	sld [smem:$0x3FA7]  }
0x30: {  	s3 =	sld [smem:$0x3FAA]  }
0x31: {  	[smem:$0x3FB3] =	sst s10  }
0x32: {  	s10 =	sld [smem:$0x3FB1];
	_ =	sdelay $0x3  }
0x33: {  	p0 =	seq.s32 s10, $0x1;
	s10 =	sld [smem:$0x3FB3];
	_ =	sdelay $0x3  }
0x34: {  	[smem:$0x3FB3] =	sst s10  }
0x35: {  	s10 =	sld [smem:$0x3FB2];
	_ =	sdelay $0x3  }
0x36: {  	p1 =	seq.s32 s10, $0x1;
	s10 =	sld [smem:$0x3FB3];
	_ =	sdelay $0x3  }
0x37: {  	[smem:$0x3FB3] =	sst s10  }
0x38: {  	s10 =	sld [smem:$0x3FB4]  }
0x39: {  	_ = 	snop;
	(pc) =	sbr.ind lr, $3  }
0x3a: {  	_ = 	snop  }
0x3b: {  	_ = 	snop  }
0x3c: {  	p2 =	seq.s32 s10, $0x1;
	s10 =	sld [smem:$0x3FB3]  }
0x3d: {  	_ =	shalt  }
0x3e: {  	_ =	shalt  }
0x3f: {  	_ =	shalt  }
0x40: {  	_ =	shalt  }
0x41: {  	_ =	shalt  }
0x42: {  	_ =	shalt  }
0x43: {  	_ =	shalt  }
0x44: {  	_ =	shalt  }
0x45: {  	_ =	shalt  }
0x46: {  	_ =	shalt  }
0x47: {  	_ =	shalt  }
0x48: {  	_ =	shalt  }
0x49: {  	_ =	shalt  }
0x4a: {  	_ =	shalt  }
0x4b: {  	_ =	shalt  }
0x4c: {  	_ =	shalt  }
0x4d: {  	_ =	shalt  }
0x4e: {  	_ =	shalt  }
0x4f: {  	_ =	shalt  }
0x50: {  	_ =	shalt  }
0x51: {  	_ =	shalt  }
0x52: {  	_ =	shalt  }
0x53: {  	_ =	shalt  }
0x54: {  	_ =	shalt  }
0x55: {  	_ =	shalt  }
0x56: {  	_ =	shalt  }
0x57: {  	_ =	shalt  }
0x58: {  	_ =	shalt  }
0x59: {  	_ =	shalt  }
0x5a: {  	_ =	shalt  }
0x5b: {  	_ =	shalt  }
0x5c: {  	_ =	shalt  }
0x5d: {  	_ =	shalt  }
0x5e: {  	_ =	shalt  }
0x5f: {  	_ =	shalt  }
0x60: {  	_ =	shalt  }
0x61: {  	_ =	shalt  }
0x62: {  	_ =	shalt  }
0x63: {  	_ =	shalt  }
0x64: {  	_ =	shalt  }
0x65: {  	_ =	shalt  }
0x66: {  	_ =	shalt  }
0x67: {  	_ =	shalt  }
0x68: {  	_ =	shalt  }
0x69: {  	_ =	shalt  }
0x6a: {  	_ =	shalt  }
0x6b: {  	_ =	shalt  }
0x6c: {  	_ =	shalt  }
0x6d: {  	_ =	shalt  }
0x6e: {  	_ =	shalt  }
0x6f: {  	_ =	shalt  }
0x70: {  	_ =	shalt  }
0x71: {  	_ =	shalt  }
0x72: {  	_ =	shalt  }
0x73: {  	_ =	shalt  }
0x74: {  	_ =	shalt  }
0x75: {  	_ =	shalt  }
0x76: {  	_ =	shalt  }
0x77: {  	_ =	shalt  }
0x78: {  	_ =	shalt  }
0x79: {  	_ =	shalt  }
0x7a: {  	_ =	shalt  }
0x7b: {  	_ =	shalt  }
0x7c: {  	_ =	shalt  }
0x7d: {  	_ =	shalt  }
0x7e: {  	_ =	shalt  }
0x7f: {  	_ =	shalt  }
0x80: {  	_ =	shalt  }
0x81: {  	_ =	shalt  }
0x82: {  	_ =	shalt  }
0x83: {  	_ =	shalt  }
0x84: {  	_ =	shalt  }
0x85: {  	_ =	shalt  }
0x86: {  	_ =	shalt  }
0x87: {  	_ =	shalt  }
.Lfunc_end0:
.L_simem_size_0:
called_computation.1_lowered:
.L_overlay_start_0:
0x88: {  	s2 =	sld [smem:$0x3FD9]  }
0x89: {  	s3 =	sld [smem:$0x3FFE];
	_ =	sdelay $0x1  }
0x8a: {  	s1 =	srdreg.scid  }
0x8b: {  	s0 =	sand.u32 $0x1, s1  }
0x8c: {  	s16 =	sshll.u32 s0, $0xA;
	s2 =	sadd.s32 s3, s2  }
0x8d: {  	s2 =	sadd.s32 s2, s16  }
0x8e: {  	[smem:$0x3FBF] =	sst s2  }
0x8f: {  	_ = 	snop  }
0x90: {  	(tm) =	ssettm $0x1  }
0x91: {  	s17 =	sld [smem:$0x3FFB];
	_ =	sdelay $0x3  }
0x92: {  	_ =	strace s17  }
0x93: {  	s2 =	sld [smem:$0x3FFC];
	_ =	sdelay $0x3  }
0x94: {  	_ =	strace s2  }
0x95: {  	s2 =	sld [smem:$0x3FFD];
	_ =	sdelay $0x3  }
0x96: {  	_ =	strace s2  }
0x97: {  	_ =	strace $0x8FFFFFFF  }
0x98: {  	s18 =	sld [smem:$0x3FDB];
	_ =	sdelay $0x1  }
0x99: {  	s19 =	simm.s32 $_scs_section_size  }
0x9a: {  	s4 =	simm.s32 $_size__tile_overlayer_lowered;
	s5 =	simm.s32 $_tile_overlayer_lowered  }
0x9b: {  	s22 =	simm.s32 $0x1BFF;
	s21 =	sshll.u32 s5, $0x1;
	s2 =	sadd.s32 s19, s18  }
0x9c: {  	s6 =	simm.s32 $0x0;
	s20 =	sshll.u32 s4, $0x1;
	s4 =	sadd.s32 s21, s2  }
0x9d: {  	[timem:s6], [sflag:s22] =	dma.local [hbm:s4], s20  }
0x9e: {  	_ =	swait.ge [sflag:s22], s20  }
0x9f: {  	s3 =	ssub.s32 $0x0, s20;
	[sflag:s22] =	ssyncset.done $0x0  }
0xa0: {  	[sflag:s22] =	ssyncadd.s32 s3;
	_ =	sdelay $0x1  }
0xa1: {  	s23 =	simm.s32 $0x1B8B  }
0xa2: {  	_ =	swait.ge [sflag:s23], $0x1  }
0xa3: {  	[sflag:s23] =	ssyncset.done $0x0  }
0xa4: {  	s25 =	simm.s32 $0x1B8E;
	s24 =	sld [smem:$0x3FFE];
	[sflag:s23] =	ssyncadd.s32 $0xFFFFFFFF  }
0xa5: {  	s26 =	simm.s32 $execute0_lowered;
	[smem:$0x3FD2] =	sst s25  }
0xa6: {  	s4 =	sshll.u32 s26, $0x1;
	_ =	strace $0x80000049;
	[dreg:$0x1] =	wrdreg $0xFFFFFFFF  }
0xa7: {  	s28 =	simm.s32 $_size_execute0_lowered;
	s2 =	sadd.s32 s2, s4;
	[dreg:$0x0] =	wrdreg $0x0  }
0xa8: {  	s4 =	sshll.u32 s28, $0x1;
	[dreg:$0x2] =	wrdreg s2  }
0xa9: {  	[dreg:$0x3] =	wrdreg s4  }
0xaa: {  	[dreg:$0x4] =	wrdreg $0xC0  }
0xab: {  	_ =	task [dreg:s6], $0x5FFFF  }
0xac: {  	[dreg:$0x1] =	wrdreg $0xFFFFFFFF  }
0xad: {  	[dreg:$0x0] =	wrdreg $0x60  }
0xae: {  	[dreg:$0x2] =	wrdreg s24  }
0xaf: {  	[dreg:$0x3] =	wrdreg $0xA8000  }
0xb0: {  	[dreg:$0x4] =	wrdreg $0x9  }
0xb1: {  	_ =	task.clear_ibuf [dreg:s6], $0x5FFFF;
	_ =	strace $0x90000049  }
0xb2: {  	s29 =	simm.s32 $0x9;
	_ =	strace $0x8000004B  }
0xb3: {  	_ =	swait.ge [sflag:s29], $0x1  }
0xb4: {  	[sflag:s29] =	ssyncadd.s32 $0xFFFFFFFF  }
0xb5: {  	_ =	strace $0x9000004B  }
0xb6: {  	_ =	sfence  }
0xb7: {  	s30 =	sld [smem:$0x0];
	_ =	sdelay $0x2  }
0xb8: {  	s31 =	sshll.u32 s1, $0xD;
	s1 =	sshrl.u32 s1, $0x2  }
0xb9: {  	s3 =	sand.u32 $0x4000, s31;
	s1 =	sadd.s32 s1, s30  }
0xba: {  	s0 =	sor.u32 s3, s0;
	s1 =	sshll.u32 s1, $0x11  }
0xbb: {  	s0 =	sor.u32 s1, s0  }
0xbc: {  	s0 =	sadd.s32 $0x8F2B, s0  }
0xbd: {  	[sflag:s0] =	ssyncadd.remote.s32 $0x1  }
0xbe: {  	_ =	sfence.sel $0xFFFF  }
0xbf: {  	[dreg:$0x0] =	wrdreg $0xFFFFFFFF;
	(pc) =	sbr.abs _section_cstart, $3  }
0xc0: {  	[dreg:$0x1] =	wrdreg $0xFFFFFFFF  }
0xc1: {  	_ =	task.clear_ibuf [dreg:s6], $0x2FFFF;
	_ =	strace $0x9FFFFFFF  }
0xc2: {  	(tm) =	ssettm $0x7FFFFFFF  }
0xc3: {  	_ =	shalt  }
tec
execute0_lowered:
.L_overlay_start_1:
0x0: {  	(tag) =	ssettag $0x1  }
0x1: {  	s0 =	srdreg.scid;
	s6 =	rddreg [dreg:$0x0]  }
0x2: {  	s2 =	rddreg [dreg:$0x1];
	s3 =	simm.s32 $0x0;
	s14 =	simm.s32 $0x80  }
0x3: {  	s15 =	simm.s32 $0x2800;
	s16 =	simm.s32 $0x1;
	s17 =	simm.s32 $0x6800  }
0x4: {  	s18 =	simm.s32 $0x2;
	s19 =	simm.s32 $0x1380;
	s20 =	simm.s32 $0x2700  }
0x5: {  	s21 =	simm.s32 $0x2780;
	s5 =	sand.u32 $0x1, s0;
	s0 =	stileid.u32  }
0x6: {  	s22 =	simm.s32 $0x0;
	[smem:$0x7FF] =	sst s3;
	s7 =	smul.u32 $0x140000, s5  }
0x7: {  	s1 =	sshll.u32 s5, $0x4;
	s8 =	smul.u32 $0x14000, s0;
	s28 =	ssub.s32 $0x2, s5  }
0x8: {  	s10 =	smul.u32 $0x50000, s0;
	s5 =	sadd.s32 $0x5600, s6;
	s1 =	sor.u32 s0, s1  }
0x9: {  	s31 =	sshll.u32 s0, $0x6;
	s29 =	sshrl.u32 s28, $0x1;
	s4 =	smul.u32 $0x280, s1  }
0xa: {  	s1 =	rddreg [dreg:$0x2];
	_ =	strace $0x8000004A;
	s7 =	sadd.s32 s8, s7  }
0xb: {  	s12 =	ssub.s32 s28, s29;
	s30 =	sshrl.u32 s10, $0x2;
	s10 =	simm.s32 $0x3  }
0xc: {  	s7 =	sshrl.u32 s7, $0x3;
	s13 =	sadd.s32 s30, s2;
	s9 =	sadd.s32 s4, s6  }
0xd: {  	s4 =	sadd.s32 $0x19C00, s6;
	s11 =	sadd.s32 s7, s6;
	s13 =	sshrl.u32 s13, $0x3  }
0xe: {  	s6 =	sadd.s32 $0x14600, s9;
	s7 =	sadd.s32 $0xF600, s9;
	s8 =	sadd.s32 $0x69C00, s11  }
0xf: {  	s9 =	smax.u32 s12, $0x1;
	s11 =	simm.s32 $0x1400;
	s12 =	sor.u32 $0x1C03, s31  }
.LBB2_1:
0x10: {  	[tilespmem:s3], [sflag:$0x3] =	stream.linear.gather [hbm4b:s6+s3], $0x1400, $0x38;
	[tilespmem:$0x1E800] =	vst v63  }
0x11: {  	_ =	swait.ge [sflag:s10], $0x1400  }
0x12: {  	[sflag:s10] =	ssyncset.done $0x0  }
0x13: {  	[sflag:s10] =	ssyncadd.s32 $0xFFFFEC00  }
0x14: {  	[tilespmem:s11], [sflag:$0x3] =	stream.linear.gather [hbm4b:s7+s3], $0x1400, $0x38;
	[tilespmem:$0x1E800] =	vst v63  }
0x15: {  	_ =	swait.ge [sflag:s10], $0x1400  }
0x16: {  	[sflag:s10] =	ssyncset.done $0x0  }
0x17: {  	[sflag:s10] =	ssyncadd.s32 $0xFFFFEC00  }
0x18: {  	[spmem:s13], [sflag:s12] =	dma.local [hbm:s5], $0x2800  }
0x19: {  	_ =	swait.ge [sflag:s10], $0x2800  }
0x1a: {  	[sflag:s10] =	ssyncset.done $0x0  }
0x1b: {  	[sflag:s10] =	ssyncadd.s32 $0xFFFFD800  }
0x1c: {  	[tilespmem:s15], [sflag:$0x1] =	stream.indirect.gather [hbm4b:s4+s14], $0x80, s3, s14, $0xb8;
	[tilespmem:$0x1E800] =	vst v63  }
0x1d: {  	[bflag:$0x0] =	sbarrier.arrive $0xFFFF  }
0x1e: {  	_ =	swait.ge [sflag:s16], $0x4000  }
0x1f: {  	[sflag:s16] =	ssyncset.done $0x0  }
0x20: {  	s23 =	simm.s32 $0x80;
	[sflag:s16] =	ssyncadd.s32 $0xFFFFC000  }
0x21: {  	[tilespmem:s17], [sflag:$0x2] =	stream.indirect.gather [hbm4b:s4+s14], $0x80, s23, s14, $0xb8;
	[tilespmem:$0x1E800] =	vst v63  }
0x22: {  	s29 =	simm.s32 $0x1400  }
0x23: {  	[spmem:s2] =	stream.indirect.scatter.add.f32 [tilespmem:s15], [sflag:$0x3], $0x80, s29, s14, $0xb8;
	[tilespmem:$0x1E800] =	vst v63  }
0x24: {  	_ =	swait.ge [sflag:s10], $0x4000  }
0x25: {  	[sflag:s10] =	ssyncset.done $0x0  }
0x26: {  	[sflag:s10] =	ssyncadd.s32 $0xFFFFC000  }
0x27: {  	_ =	swait.ge [sflag:s18], $0x4000  }
0x28: {  	[sflag:s18] =	ssyncset.done $0x0  }
0x29: {  	s30 =	simm.s32 $0x100;
	[sflag:s18] =	ssyncadd.s32 $0xFFFFC000  }
0x2a: {  	[tilespmem:s15], [sflag:$0x1] =	stream.indirect.gather [hbm4b:s4+s14], $0x80, s30, s14, $0xb8;
	[tilespmem:$0x1E800] =	vst v63  }
0x2b: {  	s31 =	simm.s32 $0x1480  }
0x2c: {  	[spmem:s2] =	stream.indirect.scatter.add.f32 [tilespmem:s17], [sflag:$0x3], $0x80, s31, s14, $0xb8;
	[tilespmem:$0x1E800] =	vst v63  }
0x2d: {  	_ =	swait.ge [sflag:s10], $0x4000  }
0x2e: {  	s23 =	simm.s32 $0x400;
	[sflag:s10] =	ssyncset.done $0x0  }
.LBB2_2:
0x2f: {  	p0 =	sne.s32 s23, $0x4800  }
0x30: {  	[sflag:s10] =	ssyncadd.s32 $0xFFFFC000;
	s24 =	smov.u32 s23;
	s23 =	sadd.s32 $0x400, s23  }
0x31: {  	_ = 	snop  }
0x32: {  	_ =	swait.ge [sflag:s16], $0x4000  }
0x33: {  	s24 =	sshra.s32 s24, $0x2;
	[sflag:s16] =	ssyncset.done $0x0  }
0x34: {  	s25 =	sadd.s32 $0x80, s24;
	[sflag:s16] =	ssyncadd.s32 $0xFFFFC000  }
0x35: {  	[tilespmem:s17], [sflag:$0x2] =	stream.indirect.gather [hbm4b:s4+s14], $0x80, s25, s14, $0xb8;
	[tilespmem:$0x1E800] =	vst v63  }
0x36: {  	s25 =	sadd.s32 $0x1400, s24  }
0x37: {  	[spmem:s2] =	stream.indirect.scatter.add.f32 [tilespmem:s15], [sflag:$0x3], $0x80, s25, s14, $0xb8;
	[tilespmem:$0x1E800] =	vst v63  }
0x38: {  	_ =	swait.ge [sflag:s10], $0x4000  }
0x39: {  	[sflag:s10] =	ssyncset.done $0x0  }
0x3a: {  	[sflag:s10] =	ssyncadd.s32 $0xFFFFC000  }
0x3b: {  	_ =	swait.ge [sflag:s18], $0x4000  }
0x3c: {  	[sflag:s18] =	ssyncset.done $0x0  }
0x3d: {  	s25 =	sadd.s32 $0x100, s24;
	[sflag:s18] =	ssyncadd.s32 $0xFFFFC000  }
0x3e: {  	[tilespmem:s15], [sflag:$0x1] =	stream.indirect.gather [hbm4b:s4+s14], $0x80, s25, s14, $0xb8;
	[tilespmem:$0x1E800] =	vst v63  }
.Ltmp0:
0x3f: {  	_ = 	snop;
	(pc) =	sbr.rel @p0 .LBB2_2-.Ltmp0, $4  }
0x40: {  	s24 =	sadd.s32 $0x1480, s24  }
0x41: {  	[spmem:s2] =	stream.indirect.scatter.add.f32 [tilespmem:s17], [sflag:$0x3], $0x80, s24, s14, $0xb8;
	[tilespmem:$0x1E800] =	vst v63  }
0x42: {  	_ =	swait.ge [sflag:s10], $0x4000  }
0x43: {  	[sflag:s10] =	ssyncset.done $0x0  }
0x44: {  	[sflag:s10] =	ssyncadd.s32 $0xFFFFC000  }
0x45: {  	_ =	swait.ge [sflag:s16], $0x4000  }
0x46: {  	[sflag:s16] =	ssyncset.done $0x0  }
0x47: {  	[sflag:s16] =	ssyncadd.s32 $0xFFFFC000  }
0x48: {  	[tilespmem:s17], [sflag:$0x2] =	stream.indirect.gather [hbm4b:s4+s14], $0x80, s19, s14, $0xb8;
	[tilespmem:$0x1E800] =	vst v63  }
0x49: {  	_ = 	snop  }
0x4a: {  	[spmem:s2] =	stream.indirect.scatter.add.f32 [tilespmem:s15], [sflag:$0x3], $0x80, s20, s14, $0xb8;
	[tilespmem:$0x1E800] =	vst v63  }
0x4b: {  	_ =	swait.ge [sflag:s10], $0x4000  }
0x4c: {  	[sflag:s10] =	ssyncset.done $0x0  }
0x4d: {  	[sflag:s10] =	ssyncadd.s32 $0xFFFFC000  }
0x4e: {  	_ =	swait.ge [sflag:s18], $0x4000  }
0x4f: {  	[sflag:s18] =	ssyncset.done $0x0  }
0x50: {  	[sflag:s18] =	ssyncadd.s32 $0xFFFFC000  }
0x51: {  	[spmem:s2] =	stream.indirect.scatter.add.f32 [tilespmem:s17], [sflag:$0x3], $0x80, s21, s14, $0xb8;
	[tilespmem:$0x1E800] =	vst v63  }
0x52: {  	_ =	swait.ge [sflag:s10], $0x4000  }
0x53: {  	s22 =	sadd.s32 $0x1, s22;
	[sflag:s10] =	ssyncset.done $0x0  }
0x54: {  	p0 =	sne.s32 s22, s9;
	[sflag:s10] =	ssyncadd.s32 $0xFFFFC000  }
.Ltmp1:
0x55: {  	[bflag:$0x0] =	sbarrier.arrive $0xFFFF;
	(pc) =	sbr.rel @p0 .LBB2_1-.Ltmp1, $4  }
0x56: {  	[hbm:s8], [sflag:s12] =	dma.local [spmem:s13], $0x2800  }
0x57: {  	_ =	swait.ge [sflag:s10], $0x2800  }
0x58: {  	[sflag:s10] =	ssyncset.done $0x0  }
0x59: {  	[sflag:s10] =	ssyncadd.s32 $0xFFFFD800  }
0x5a: {  	_ =	sfence.sel $0x180000  }
0x5b: {  	[bflag:$0x0] =	sbarrier.arrive $0xFFFF  }
0x5c: {  	p0 =	sne.s32 s0, $0x0;
	_ =	strace $0x9000004A  }
0x5d: {  	s0 =	sadd.s32 @!p0 $0x100000, s1;
	[bflag:$0x2] =	sbarrier.arrive $0xFFFF  }
0x5e: {  	[sflag:s0] =	ssyncadd.tile.s32 @!p0 $0x1;
	_ =	shalt  }
.Lfunc_end2:
_tile_overlayer_lowered:
.L_overlay_start_2:
0x5f: {  	(tag) =	ssettag $0x2  }
0x60: {  	s0 =	rddreg [dreg:$0x0];
	s2 =	stileid.u32  }
0x61: {  	s1 =	rddreg [dreg:$0x1];
	p0 =	sne.s32 s2, $0x0  }
0x62: {  	s3 =	rddreg [dreg:$0x2];
	[bflag:$0x3] =	sbarrier.arrive $0xFFFF;
	s2 =	simm.s32 @!p0 $0x1C03  }
0x63: {  	[timem:s3], [sflag:s2] =	dma.local @!p0 [hbm:s0], s1  }
0x64: {  	s0 =	simm.s32 @!p0 $0x3  }
0x65: {  	_ =	swait.ge @!p0 [sflag:s0], s1  }
0x66: {  	s1 =	ssub.s32 @!p0 $0x0, s1;
	[sflag:s0] =	ssyncset.done @!p0 $0x0  }
0x67: {  	[sflag:s0] =	ssyncadd.s32 @!p0 s1  }
0x68: {  	[bflag:$0x3] =	sbarrier.arrive $0xFFFF  }
0x69: {  	_ =	shalt  }

// kernel: kernel.23.cloned.1.call-start
scs
__scs_entry_jumppad:
0x0: {  	(pc) =	sbr.rel $0x88, $3  }
0x1: {  	(tag) =	ssettag $0x0;
	lr =	simm.s32 $0x1  }
0x2: {  	[smem:$0x3F98] =	sst lr;
	_ =	strace $0xD0000000  }
0x3: {  	_ = 	snop  }
0x4: {  	_ = 	snop  }
0x5: {  	_ = 	snop  }
0x6: {  	_ = 	snop  }
0x7: {  	_ = 	snop  }
__scs_overlays_trampoline_lowered:
0x8: {  	[smem:$0x3FA7] =	sst s0  }
0x9: {  	[smem:$0x3FA8] =	sst s1  }
0xa: {  	[smem:$0x3FA9] =	sst s2  }
0xb: {  	[smem:$0x3FAA] =	sst s3  }
0xc: {  	[smem:$0x3FAB] =	sst s4  }
0xd: {  	[smem:$0x3FAC] =	sst s5  }
0xe: {  	[smem:$0x3FAD] =	sst s6  }
0xf: {  	[smem:$0x3FAE] =	sst s7  }
0x10: {  	[smem:$0x3FAF] =	sst s8  }
0x11: {  	[smem:$0x3FB0] =	sst s9;
	s0 =	simm.s32 @!p0 $0x0  }
0x12: {  	s1 =	sld [smem:$0x3F96];
	s0 =	simm.s32 @p0 $0x1  }
0x13: {  	[smem:$0x3FB1] =	sst s0;
	s0 =	simm.s32 @!p1 $0x0  }
0x14: {  	s2 =	sld [smem:$0x3F95];
	s0 =	simm.s32 @p1 $0x1  }
0x15: {  	[smem:$0x3FB2] =	sst s0;
	s0 =	simm.s32 @!p2 $0x0  }
0x16: {  	s3 =	sld [smem:$0x3FDB];
	s0 =	simm.s32 @p2 $0x1  }
0x17: {  	s4 =	simm.s32 $0x1BF5;
	[smem:$0x3FB4] =	sst s0  }
0x18: {  	s0 =	sld [smem:$0x3F97];
	_ =	swait.ge [sflag:s4], $0x0  }
0x19: {  	s7 =	sld [smem:$0x3F98]  }
0x1a: {  	s8 =	sadd.s32 $0xFFFFE003, lr  }
0x1b: {  	s9 =	sadd.s32 $0xFFFFFEF7, lr;
	s5 =	simm.s32 $0xFFFFFFFF;
	p2 =	slt.u32 s8, $0xFFFFF086  }
0x1c: {  	p1 =	slt.u32 s9, $0xF7A;
	s5 =	simm.s32 @!p2 $0x0  }
0x1d: {  	s5 =	simm.s32 @p1 $0x1;
	p0 =	seq.s32 s7, s2  }
0x1e: {  	s7 =	smul.u32 @!p0 $0xF7A, s2;
	p2 =	seq.s32 @!p0 s5, $0x0  }
0x1f: {  	s9 =	smul.u32 $0xF7A, s1;
	s8 =	simm.s32 @!p0 $0x1BF5;
	p2 =	por !p2, p0  }
0x20: {  	[sflag:s8] =	ssyncset.s32 @!p0 $0xFFFFF086;
	s6 =	sadd.s32 @!p0 s3, s7;
	s7 =	simm.s32 @!p0 $0x108  }
0x21: {  	s3 =	sadd.s32 s3, s9;
	s6 =	sadd.s32 @!p0 $0x88, s6;
	s7 =	simm.s32 @p2 $0x1082  }
0x22: {  	[simem:s7], [sflag:s8] =	dma.local @!p0 [hbm:s6], $0xF7A  }
0x23: {  	s9 =	sor.u32 $0xD0000000, s2;
	s6 =	simm.s32 $0x108;
	_ =	swait.ge @!p0 [sflag:s8], $0x0  }
0x24: {  	s3 =	sadd.s32 $0x88, s3;
	s6 =	simm.s32 @!p1 $0x1082;
	[sflag:s4] =	ssyncset.s32 $0xFFFFF086  }
0x25: {  	[simem:s6], [sflag:s4] =	dma.local [hbm:s3], $0xF7A  }
0x26: {  	[smem:$0x3F98] =	sst s1;
	(tag) =	ssettag s2;
	_ =	strace s9  }
0x27: {  	s1 =	sld [smem:$0x3FA8]  }
0x28: {  	s2 =	sld [smem:$0x3FA9]  }
0x29: {  	s4 =	sld [smem:$0x3FAB]  }
0x2a: {  	p0 =	seq.s32 s5, $0x0;
	s5 =	sld [smem:$0x3FAC]  }
0x2b: {  	s6 =	sld [smem:$0x3FAD]  }
0x2c: {  	s7 =	sld [smem:$0x3FAE]  }
0x2d: {  	s3 =	simm.s32 $0x108;
	s8 =	sld [smem:$0x3FAF]  }
0x2e: {  	s3 =	simm.s32 @!p0 $0x1082;
	s9 =	sld [smem:$0x3FB0]  }
0x2f: {  	lr =	sadd.s32 s0, s3;
	s0 =	sld [smem:$0x3FA7]  }
0x30: {  	s3 =	sld [smem:$0x3FAA]  }
0x31: {  	[smem:$0x3FB3] =	sst s10  }
0x32: {  	s10 =	sld [smem:$0x3FB1];
	_ =	sdelay $0x3  }
0x33: {  	p0 =	seq.s32 s10, $0x1;
	s10 =	sld [smem:$0x3FB3];
	_ =	sdelay $0x3  }
0x34: {  	[smem:$0x3FB3] =	sst s10  }
0x35: {  	s10 =	sld [smem:$0x3FB2];
	_ =	sdelay $0x3  }
0x36: {  	p1 =	seq.s32 s10, $0x1;
	s10 =	sld [smem:$0x3FB3];
	_ =	sdelay $0x3  }
0x37: {  	[smem:$0x3FB3] =	sst s10  }
0x38: {  	s10 =	sld [smem:$0x3FB4]  }
0x39: {  	_ = 	snop;
	(pc) =	sbr.ind lr, $3  }
0x3a: {  	_ = 	snop  }
0x3b: {  	_ = 	snop  }
0x3c: {  	p2 =	seq.s32 s10, $0x1;
	s10 =	sld [smem:$0x3FB3]  }
0x3d: {  	_ =	shalt  }
0x3e: {  	_ =	shalt  }
0x3f: {  	_ =	shalt  }
0x40: {  	_ =	shalt  }
0x41: {  	_ =	shalt  }
0x42: {  	_ =	shalt  }
0x43: {  	_ =	shalt  }
0x44: {  	_ =	shalt  }
0x45: {  	_ =	shalt  }
0x46: {  	_ =	shalt  }
0x47: {  	_ =	shalt  }
0x48: {  	_ =	shalt  }
0x49: {  	_ =	shalt  }
0x4a: {  	_ =	shalt  }
0x4b: {  	_ =	shalt  }
0x4c: {  	_ =	shalt  }
0x4d: {  	_ =	shalt  }
0x4e: {  	_ =	shalt  }
0x4f: {  	_ =	shalt  }
0x50: {  	_ =	shalt  }
0x51: {  	_ =	shalt  }
0x52: {  	_ =	shalt  }
0x53: {  	_ =	shalt  }
0x54: {  	_ =	shalt  }
0x55: {  	_ =	shalt  }
0x56: {  	_ =	shalt  }
0x57: {  	_ =	shalt  }
0x58: {  	_ =	shalt  }
0x59: {  	_ =	shalt  }
0x5a: {  	_ =	shalt  }
0x5b: {  	_ =	shalt  }
0x5c: {  	_ =	shalt  }
0x5d: {  	_ =	shalt  }
0x5e: {  	_ =	shalt  }
0x5f: {  	_ =	shalt  }
0x60: {  	_ =	shalt  }
0x61: {  	_ =	shalt  }
0x62: {  	_ =	shalt  }
0x63: {  	_ =	shalt  }
0x64: {  	_ =	shalt  }
0x65: {  	_ =	shalt  }
0x66: {  	_ =	shalt  }
0x67: {  	_ =	shalt  }
0x68: {  	_ =	shalt  }
0x69: {  	_ =	shalt  }
0x6a: {  	_ =	shalt  }
0x6b: {  	_ =	shalt  }
0x6c: {  	_ =	shalt  }
0x6d: {  	_ =	shalt  }
0x6e: {  	_ =	shalt  }
0x6f: {  	_ =	shalt  }
0x70: {  	_ =	shalt  }
0x71: {  	_ =	shalt  }
0x72: {  	_ =	shalt  }
0x73: {  	_ =	shalt  }
0x74: {  	_ =	shalt  }
0x75: {  	_ =	shalt  }
0x76: {  	_ =	shalt  }
0x77: {  	_ =	shalt  }
0x78: {  	_ =	shalt  }
0x79: {  	_ =	shalt  }
0x7a: {  	_ =	shalt  }
0x7b: {  	_ =	shalt  }
0x7c: {  	_ =	shalt  }
0x7d: {  	_ =	shalt  }
0x7e: {  	_ =	shalt  }
0x7f: {  	_ =	shalt  }
0x80: {  	_ =	shalt  }
0x81: {  	_ =	shalt  }
0x82: {  	_ =	shalt  }
0x83: {  	_ =	shalt  }
0x84: {  	_ =	shalt  }
0x85: {  	_ =	shalt  }
0x86: {  	_ =	shalt  }
0x87: {  	_ =	shalt  }
.Lfunc_end0:
.L_simem_size_0:
called_computation.2_lowered:
.L_overlay_start_0:
0x88: {  	s2 =	sld [smem:$0x3FD9]  }
0x89: {  	s3 =	sld [smem:$0x3FFE];
	_ =	sdelay $0x1  }
0x8a: {  	s1 =	srdreg.scid  }
0x8b: {  	s0 =	sand.u32 $0x1, s1  }
0x8c: {  	s17 =	sshll.u32 s0, $0xA;
	s2 =	sadd.s32 s3, s2  }
0x8d: {  	s2 =	sadd.s32 s2, s17  }
0x8e: {  	[smem:$0x3FBF] =	sst s2  }
0x8f: {  	_ = 	snop  }
0x90: {  	s2 =	sld [smem:$0x3FD0];
	(tm) =	ssettm $0x1  }
0x91: {  	s18 =	sld [smem:$0x3FFB];
	_ =	sdelay $0x3  }
0x92: {  	_ =	strace s18  }
0x93: {  	s3 =	sld [smem:$0x3FFC];
	_ =	sdelay $0x3  }
0x94: {  	_ =	strace s3  }
0x95: {  	s3 =	sld [smem:$0x3FFD];
	_ =	sdelay $0x3  }
0x96: {  	_ =	strace s3  }
0x97: {  	_ =	strace $0x8FFFFFFF  }
0x98: {  	s19 =	sld [smem:$0x3FDB];
	_ =	sdelay $0x1  }
0x99: {  	s4 =	simm.s32 $_scs_section_size  }
0x9a: {  	s5 =	simm.s32 $_size__tile_overlayer_lowered;
	s6 =	simm.s32 $_tile_overlayer_lowered  }
0x9b: {  	s22 =	simm.s32 $0x1BFF;
	s21 =	sshll.u32 s6, $0x1;
	s3 =	sadd.s32 s4, s19  }
0x9c: {  	s7 =	simm.s32 $0x0;
	s20 =	sshll.u32 s5, $0x1;
	s5 =	sadd.s32 s21, s3  }
0x9d: {  	[timem:s7], [sflag:s22] =	dma.local [hbm:s5], s20  }
0x9e: {  	_ =	swait.ge [sflag:s22], s20  }
0x9f: {  	s4 =	ssub.s32 $0x0, s20;
	[sflag:s22] =	ssyncset.done $0x0  }
0xa0: {  	[sflag:s22] =	ssyncadd.s32 s4;
	_ =	sdelay $0x1  }
0xa1: {  	s23 =	simm.s32 $0x1B8B  }
0xa2: {  	_ =	swait.ge [sflag:s23], $0x1  }
0xa3: {  	[sflag:s23] =	ssyncset.done $0x0  }
0xa4: {  	s25 =	simm.s32 $0x1B8E;
	s24 =	sld [smem:$0x3FFE];
	[sflag:s23] =	ssyncadd.s32 $0xFFFFFFFF  }
0xa5: {  	s26 =	simm.s32 $execute0_lowered;
	[smem:$0x3FD2] =	sst s25  }
0xa6: {  	s5 =	sshll.u32 s26, $0x1;
	_ =	strace $0x8000004C;
	[dreg:$0x1] =	wrdreg $0xFFFFFFFF  }
0xa7: {  	s28 =	simm.s32 $_size_execute0_lowered;
	s3 =	sadd.s32 s3, s5;
	[dreg:$0x0] =	wrdreg $0x0  }
0xa8: {  	s5 =	sshll.u32 s28, $0x1;
	[dreg:$0x2] =	wrdreg s3  }
0xa9: {  	[dreg:$0x3] =	wrdreg s5  }
0xaa: {  	[dreg:$0x4] =	wrdreg $0xC0  }
0xab: {  	_ =	task [dreg:s7], $0x5FFFF  }
0xac: {  	[dreg:$0x1] =	wrdreg $0xFFFFFFFF  }
0xad: {  	[dreg:$0x0] =	wrdreg $0x60  }
0xae: {  	[dreg:$0x2] =	wrdreg s24  }
0xaf: {  	[dreg:$0x3] =	wrdreg s2  }
0xb0: {  	[dreg:$0x4] =	wrdreg $0x9  }
0xb1: {  	_ =	task.clear_ibuf [dreg:s7], $0x5FFFF;
	_ =	strace $0x9000004C  }
0xb2: {  	s29 =	simm.s32 $0x9;
	_ =	strace $0x8000004E  }
0xb3: {  	_ =	swait.ge [sflag:s29], $0x1  }
0xb4: {  	[sflag:s29] =	ssyncadd.s32 $0xFFFFFFFF  }
0xb5: {  	_ =	strace $0x9000004E  }
0xb6: {  	_ =	sfence  }
0xb7: {  	s30 =	sld [smem:$0x0];
	_ =	sdelay $0x2  }
0xb8: {  	s31 =	sshll.u32 s1, $0xD;
	s1 =	sshrl.u32 s1, $0x2  }
0xb9: {  	s3 =	sand.u32 $0x4000, s31;
	s1 =	sadd.s32 s1, s30  }
0xba: {  	s0 =	sor.u32 s3, s0;
	s1 =	sshll.u32 s1, $0x11  }
0xbb: {  	s0 =	sor.u32 s1, s0  }
0xbc: {  	s0 =	sadd.s32 $0x8F2B, s0  }
0xbd: {  	[sflag:s0] =	ssyncadd.remote.s32 $0x1  }
0xbe: {  	_ =	sfence.sel $0xFFFF  }
0xbf: {  	[dreg:$0x0] =	wrdreg $0xFFFFFFFF;
	(pc) =	sbr.abs _section_cstart, $3  }
0xc0: {  	[dreg:$0x1] =	wrdreg $0xFFFFFFFF  }
0xc1: {  	_ =	task.clear_ibuf [dreg:s7], $0x2FFFF;
	_ =	strace $0x9FFFFFFF  }
0xc2: {  	(tm) =	ssettm $0x7FFFFFFF  }
0xc3: {  	_ =	shalt  }
tec
execute0_lowered:
.L_overlay_start_1:
0x0: {  	(tag) =	ssettag $0x1  }
0x1: {  	s0 =	srdreg.scid;
	s4 =	rddreg [dreg:$0x0]  }
0x2: {  	s7 =	rddreg [dreg:$0x1];
	s2 =	simm.s32 $0x0;
	s11 =	simm.s32 $0x1400  }
0x3: {  	s12 =	simm.s32 $0x2800;
	s13 =	simm.s32 $0x80;
	s14 =	simm.s32 $0x400  }
0x4: {  	s15 =	simm.s32 $0x0;
	s3 =	sand.u32 $0x1, s0;
	s0 =	stileid.u32  }
0x5: {  	[smem:$0x7FF] =	sst s2;
	s1 =	sshll.u32 s3, $0x4;
	s8 =	ssub.s32 $0x2, s3  }
0x6: {  	s9 =	sshll.u32 s0, $0x7;
	s3 =	sadd.s32 $0x7E00, s4;
	s5 =	sor.u32 s0, s1  }
0x7: {  	s1 =	rddreg [dreg:$0x2];
	s6 =	smul.u32 $0x280, s5;
	s5 =	sshrl.u32 s5, $0x3  }
0x8: {  	_ =	strace $0x8000004D;
	s10 =	sshrl.u32 s8, $0x1;
	s5 =	smul.u32 $0x14000, s5  }
0x9: {  	s9 =	sand.u32 $0x380, s9;
	s8 =	ssub.s32 s8, s10;
	s10 =	simm.s32 $0x1  }
0xa: {  	s8 =	smax.u32 s8, $0x1;
	s6 =	sadd.s32 s6, s4;
	s9 =	sor.u32 s9, s5  }
0xb: {  	s4 =	sadd.s32 $0x19600, s4;
	s5 =	sadd.s32 $0xA600, s6;
	s9 =	sshrl.u32 s9, $0x3  }
0xc: {  	s6 =	sadd.s32 $0xB9C00, s6;
	s7 =	sadd.s32 s7, s9;
	s9 =	simm.s32 $0x5000  }
.LBB2_1:
0xd: {  	[tilespmem:s9], [sflag:$0x1] =	stream.linear.gather [hbm4b:s4+s2], $0x2800, $0x38;
	[tilespmem:$0x7800] =	vst v63  }
0xe: {  	_ =	swait.ge [sflag:s10], $0x2800  }
0xf: {  	[sflag:s10] =	ssyncset.done $0x0  }
0x10: {  	[sflag:s10] =	ssyncadd.s32 $0xFFFFD800  }
0x11: {  	[tilespmem:s2], [sflag:$0x1] =	stream.linear.gather [hbm4b:s5+s2], $0x1400, $0x38;
	[tilespmem:$0x7800] =	vst v63  }
0x12: {  	_ =	swait.ge [sflag:s10], $0x1400  }
0x13: {  	[sflag:s10] =	ssyncset.done $0x0  }
0x14: {  	[sflag:s10] =	ssyncadd.s32 $0xFFFFEC00  }
0x15: {  	[tilespmem:s11], [sflag:$0x1] =	stream.linear.gather [hbm4b:s6+s2], $0x1400, $0x38;
	[tilespmem:$0x7800] =	vst v63  }
0x16: {  	_ =	swait.ge [sflag:s10], $0x1400  }
0x17: {  	[sflag:s10] =	ssyncset.done $0x0  }
0x18: {  	[sflag:s10] =	ssyncadd.s32 $0xFFFFEC00  }
0x19: {  	[tilespmem:s12], [sflag:$0x1] =	stream.linear.gather [hbm4b:s3+s2], $0x2800, $0x38;
	[tilespmem:$0x7800] =	vst v63  }
0x1a: {  	_ =	swait.ge [sflag:s10], $0x2800  }
0x1b: {  	[sflag:s10] =	ssyncset.done $0x0  }
0x1c: {  	s17 =	simm.s32 $0x0;
	s16 =	simm.s32 $0x40;
	[sflag:s10] =	ssyncadd.s32 $0xFFFFD800  }
.LBB2_2:
0x1d: {  	p0 =	sne.s32 s16, $0x4FC0;
	v0 =	vld [tilespmem:s17+$0x0];
	_ =	sdelay $0x5  }
0x1e: {  	v1 =	vld [tilespmem:s17+$0x1400];
	_ =	sdelay $0x1  }
0x1f: {  	v0 =	vld.idx.msk [tilespmem:v0+s12+$0x0], $0xffff;
	_ =	sdelay $0x1  }
.Ltmp0:
0x20: {  	(pc) =	sbr.rel @p0 .LBB2_2-.Ltmp0, $2  }
0x21: {  	_ =	sdelay $0x2  }
0x22: {  	s17 =	sshra.s32 s16, $0x2;
	s16 =	sadd.s32 $0x40, s16;
	[tilespmem:v1+s9+$0x0] =	vst.idx.add.f32.msk $0xffff, v0  }
0x23: {  	v0 =	vld [tilespmem:s17+$0x0];
	_ =	sdelay $0x4  }
0x24: {  	v1 =	vld [tilespmem:s17+$0x1400];
	_ =	sdelay $0x2  }
0x25: {  	v0 =	vld.idx.msk [tilespmem:v0+s12+$0x0], $0xffff;
	_ =	sdelay $0x2  }
0x26: {  	s15 =	sadd.s32 $0x1, s15  }
0x27: {  	p0 =	sne.s32 s15, s8  }
.Ltmp1:
0x28: {  	[tilespmem:v1+s9+$0x0] =	vst.idx.add.f32.msk $0xffff, v0;
	(pc) =	sbr.rel @p0 .LBB2_1-.Ltmp1, $4  }
0x29: {  	[hbm4b:s7+s13] =	stream.strided.scatter [tilespmem:s9], [sflag:$0x1], $0x2800, s14, s13, $0x38;
	[tilespmem:$0x7800] =	vst v63  }
0x2a: {  	_ =	swait.ge [sflag:s10], $0x2800  }
0x2b: {  	[sflag:s10] =	ssyncset.done $0x0  }
0x2c: {  	[sflag:s10] =	ssyncadd.s32 $0xFFFFD800  }
0x2d: {  	_ =	sfence.sel $0x180000  }
0x2e: {  	[bflag:$0x0] =	sbarrier.arrive $0xFFFF  }
0x2f: {  	p0 =	sne.s32 s0, $0x0;
	_ =	strace $0x9000004D  }
0x30: {  	s0 =	sadd.s32 @!p0 $0x100000, s1;
	[bflag:$0x2] =	sbarrier.arrive $0xFFFF  }
0x31: {  	[sflag:s0] =	ssyncadd.tile.s32 @!p0 $0x1;
	_ =	shalt  }
.Lfunc_end2:
_tile_overlayer_lowered:
.L_overlay_start_2:
0x32: {  	(tag) =	ssettag $0x2  }
0x33: {  	s0 =	rddreg [dreg:$0x0];
	s2 =	stileid.u32  }
0x34: {  	s1 =	rddreg [dreg:$0x1];
	p0 =	sne.s32 s2, $0x0  }
0x35: {  	s3 =	rddreg [dreg:$0x2];
	[bflag:$0x3] =	sbarrier.arrive $0xFFFF;
	s2 =	simm.s32 @!p0 $0x1C01  }
0x36: {  	[timem:s3], [sflag:s2] =	dma.local @!p0 [hbm:s0], s1  }
0x37: {  	s0 =	simm.s32 @!p0 $0x1  }
0x38: {  	_ =	swait.ge @!p0 [sflag:s0], s1  }
0x39: {  	s1 =	ssub.s32 @!p0 $0x0, s1;
	[sflag:s0] =	ssyncset.done @!p0 $0x0  }
0x3a: {  	[sflag:s0] =	ssyncadd.s32 @!p0 s1  }
0x3b: {  	[bflag:$0x3] =	sbarrier.arrive $0xFFFF  }
0x3c: {  	_ =	shalt  }

// kernel: kernel.26.cloned.1.call-start
scs
__scs_entry_jumppad:
0x0: {  	(pc) =	sbr.rel $0x88, $3  }
0x1: {  	(tag) =	ssettag $0x0;
	lr =	simm.s32 $0x1  }
0x2: {  	[smem:$0x3F98] =	sst lr;
	_ =	strace $0xD0000000  }
0x3: {  	_ = 	snop  }
0x4: {  	_ = 	snop  }
0x5: {  	_ = 	snop  }
0x6: {  	_ = 	snop  }
0x7: {  	_ = 	snop  }
__scs_overlays_trampoline_lowered:
0x8: {  	[smem:$0x3FA7] =	sst s0  }
0x9: {  	[smem:$0x3FA8] =	sst s1  }
0xa: {  	[smem:$0x3FA9] =	sst s2  }
0xb: {  	[smem:$0x3FAA] =	sst s3  }
0xc: {  	[smem:$0x3FAB] =	sst s4  }
0xd: {  	[smem:$0x3FAC] =	sst s5  }
0xe: {  	[smem:$0x3FAD] =	sst s6  }
0xf: {  	[smem:$0x3FAE] =	sst s7  }
0x10: {  	[smem:$0x3FAF] =	sst s8  }
0x11: {  	[smem:$0x3FB0] =	sst s9;
	s0 =	simm.s32 @!p0 $0x0  }
0x12: {  	s1 =	sld [smem:$0x3F96];
	s0 =	simm.s32 @p0 $0x1  }
0x13: {  	[smem:$0x3FB1] =	sst s0;
	s0 =	simm.s32 @!p1 $0x0  }
0x14: {  	s2 =	sld [smem:$0x3F95];
	s0 =	simm.s32 @p1 $0x1  }
0x15: {  	[smem:$0x3FB2] =	sst s0;
	s0 =	simm.s32 @!p2 $0x0  }
0x16: {  	s3 =	sld [smem:$0x3FDB];
	s0 =	simm.s32 @p2 $0x1  }
0x17: {  	s4 =	simm.s32 $0x1BF5;
	[smem:$0x3FB4] =	sst s0  }
0x18: {  	s0 =	sld [smem:$0x3F97];
	_ =	swait.ge [sflag:s4], $0x0  }
0x19: {  	s7 =	sld [smem:$0x3F98]  }
0x1a: {  	s8 =	sadd.s32 $0xFFFFE003, lr  }
0x1b: {  	s9 =	sadd.s32 $0xFFFFFEF7, lr;
	s5 =	simm.s32 $0xFFFFFFFF;
	p2 =	slt.u32 s8, $0xFFFFF086  }
0x1c: {  	p1 =	slt.u32 s9, $0xF7A;
	s5 =	simm.s32 @!p2 $0x0  }
0x1d: {  	s5 =	simm.s32 @p1 $0x1;
	p0 =	seq.s32 s7, s2  }
0x1e: {  	s7 =	smul.u32 @!p0 $0xF7A, s2;
	p2 =	seq.s32 @!p0 s5, $0x0  }
0x1f: {  	s9 =	smul.u32 $0xF7A, s1;
	s8 =	simm.s32 @!p0 $0x1BF5;
	p2 =	por !p2, p0  }
0x20: {  	[sflag:s8] =	ssyncset.s32 @!p0 $0xFFFFF086;
	s6 =	sadd.s32 @!p0 s3, s7;
	s7 =	simm.s32 @!p0 $0x108  }
0x21: {  	s3 =	sadd.s32 s3, s9;
	s6 =	sadd.s32 @!p0 $0x88, s6;
	s7 =	simm.s32 @p2 $0x1082  }
0x22: {  	[simem:s7], [sflag:s8] =	dma.local @!p0 [hbm:s6], $0xF7A  }
0x23: {  	s9 =	sor.u32 $0xD0000000, s2;
	s6 =	simm.s32 $0x108;
	_ =	swait.ge @!p0 [sflag:s8], $0x0  }
0x24: {  	s3 =	sadd.s32 $0x88, s3;
	s6 =	simm.s32 @!p1 $0x1082;
	[sflag:s4] =	ssyncset.s32 $0xFFFFF086  }
0x25: {  	[simem:s6], [sflag:s4] =	dma.local [hbm:s3], $0xF7A  }
0x26: {  	[smem:$0x3F98] =	sst s1;
	(tag) =	ssettag s2;
	_ =	strace s9  }
0x27: {  	s1 =	sld [smem:$0x3FA8]  }
0x28: {  	s2 =	sld [smem:$0x3FA9]  }
0x29: {  	s4 =	sld [smem:$0x3FAB]  }
0x2a: {  	p0 =	seq.s32 s5, $0x0;
	s5 =	sld [smem:$0x3FAC]  }
0x2b: {  	s6 =	sld [smem:$0x3FAD]  }
0x2c: {  	s7 =	sld [smem:$0x3FAE]  }
0x2d: {  	s3 =	simm.s32 $0x108;
	s8 =	sld [smem:$0x3FAF]  }
0x2e: {  	s3 =	simm.s32 @!p0 $0x1082;
	s9 =	sld [smem:$0x3FB0]  }
0x2f: {  	lr =	sadd.s32 s0, s3;
	s0 =	sld [smem:$0x3FA7]  }
0x30: {  	s3 =	sld [smem:$0x3FAA]  }
0x31: {  	[smem:$0x3FB3] =	sst s10  }
0x32: {  	s10 =	sld [smem:$0x3FB1];
	_ =	sdelay $0x3  }
0x33: {  	p0 =	seq.s32 s10, $0x1;
	s10 =	sld [smem:$0x3FB3];
	_ =	sdelay $0x3  }
0x34: {  	[smem:$0x3FB3] =	sst s10  }
0x35: {  	s10 =	sld [smem:$0x3FB2];
	_ =	sdelay $0x3  }
0x36: {  	p1 =	seq.s32 s10, $0x1;
	s10 =	sld [smem:$0x3FB3];
	_ =	sdelay $0x3  }
0x37: {  	[smem:$0x3FB3] =	sst s10  }
0x38: {  	s10 =	sld [smem:$0x3FB4]  }
0x39: {  	_ = 	snop;
	(pc) =	sbr.ind lr, $3  }
0x3a: {  	_ = 	snop  }
0x3b: {  	_ = 	snop  }
0x3c: {  	p2 =	seq.s32 s10, $0x1;
	s10 =	sld [smem:$0x3FB3]  }
0x3d: {  	_ =	shalt  }
0x3e: {  	_ =	shalt  }
0x3f: {  	_ =	shalt  }
0x40: {  	_ =	shalt  }
0x41: {  	_ =	shalt  }
0x42: {  	_ =	shalt  }
0x43: {  	_ =	shalt  }
0x44: {  	_ =	shalt  }
0x45: {  	_ =	shalt  }
0x46: {  	_ =	shalt  }
0x47: {  	_ =	shalt  }
0x48: {  	_ =	shalt  }
0x49: {  	_ =	shalt  }
0x4a: {  	_ =	shalt  }
0x4b: {  	_ =	shalt  }
0x4c: {  	_ =	shalt  }
0x4d: {  	_ =	shalt  }
0x4e: {  	_ =	shalt  }
0x4f: {  	_ =	shalt  }
0x50: {  	_ =	shalt  }
0x51: {  	_ =	shalt  }
0x52: {  	_ =	shalt  }
0x53: {  	_ =	shalt  }
0x54: {  	_ =	shalt  }
0x55: {  	_ =	shalt  }
0x56: {  	_ =	shalt  }
0x57: {  	_ =	shalt  }
0x58: {  	_ =	shalt  }
0x59: {  	_ =	shalt  }
0x5a: {  	_ =	shalt  }
0x5b: {  	_ =	shalt  }
0x5c: {  	_ =	shalt  }
0x5d: {  	_ =	shalt  }
0x5e: {  	_ =	shalt  }
0x5f: {  	_ =	shalt  }
0x60: {  	_ =	shalt  }
0x61: {  	_ =	shalt  }
0x62: {  	_ =	shalt  }
0x63: {  	_ =	shalt  }
0x64: {  	_ =	shalt  }
0x65: {  	_ =	shalt  }
0x66: {  	_ =	shalt  }
0x67: {  	_ =	shalt  }
0x68: {  	_ =	shalt  }
0x69: {  	_ =	shalt  }
0x6a: {  	_ =	shalt  }
0x6b: {  	_ =	shalt  }
0x6c: {  	_ =	shalt  }
0x6d: {  	_ =	shalt  }
0x6e: {  	_ =	shalt  }
0x6f: {  	_ =	shalt  }
0x70: {  	_ =	shalt  }
0x71: {  	_ =	shalt  }
0x72: {  	_ =	shalt  }
0x73: {  	_ =	shalt  }
0x74: {  	_ =	shalt  }
0x75: {  	_ =	shalt  }
0x76: {  	_ =	shalt  }
0x77: {  	_ =	shalt  }
0x78: {  	_ =	shalt  }
0x79: {  	_ =	shalt  }
0x7a: {  	_ =	shalt  }
0x7b: {  	_ =	shalt  }
0x7c: {  	_ =	shalt  }
0x7d: {  	_ =	shalt  }
0x7e: {  	_ =	shalt  }
0x7f: {  	_ =	shalt  }
0x80: {  	_ =	shalt  }
0x81: {  	_ =	shalt  }
0x82: {  	_ =	shalt  }
0x83: {  	_ =	shalt  }
0x84: {  	_ =	shalt  }
0x85: {  	_ =	shalt  }
0x86: {  	_ =	shalt  }
0x87: {  	_ =	shalt  }
.Lfunc_end0:
.L_simem_size_0:
called_computation.3_lowered:
.L_overlay_start_0:
0x88: {  	s2 =	sld [smem:$0x3FD9]  }
0x89: {  	s3 =	sld [smem:$0x3FFE];
	_ =	sdelay $0x1  }
0x8a: {  	s1 =	srdreg.scid  }
0x8b: {  	s0 =	sand.u32 $0x1, s1  }
0x8c: {  	s17 =	sshll.u32 s0, $0xA;
	s2 =	sadd.s32 s3, s2  }
0x8d: {  	s2 =	sadd.s32 s2, s17  }
0x8e: {  	[smem:$0x3FBF] =	sst s2  }
0x8f: {  	_ = 	snop  }
0x90: {  	s2 =	sld [smem:$0x3FD0];
	(tm) =	ssettm $0x1  }
0x91: {  	s18 =	sld [smem:$0x3FFB];
	_ =	sdelay $0x3  }
0x92: {  	_ =	strace s18  }
0x93: {  	s3 =	sld [smem:$0x3FFC];
	_ =	sdelay $0x3  }
0x94: {  	_ =	strace s3  }
0x95: {  	s3 =	sld [smem:$0x3FFD];
	_ =	sdelay $0x3  }
0x96: {  	_ =	strace s3  }
0x97: {  	_ =	strace $0x8FFFFFFF  }
0x98: {  	s19 =	sld [smem:$0x3FDB];
	_ =	sdelay $0x1  }
0x99: {  	s4 =	simm.s32 $_scs_section_size  }
0x9a: {  	s5 =	simm.s32 $_size__tile_overlayer_lowered;
	s6 =	simm.s32 $_tile_overlayer_lowered  }
0x9b: {  	s22 =	simm.s32 $0x1BFF;
	s21 =	sshll.u32 s6, $0x1;
	s3 =	sadd.s32 s4, s19  }
0x9c: {  	s7 =	simm.s32 $0x0;
	s20 =	sshll.u32 s5, $0x1;
	s5 =	sadd.s32 s21, s3  }
0x9d: {  	[timem:s7], [sflag:s22] =	dma.local [hbm:s5], s20  }
0x9e: {  	_ =	swait.ge [sflag:s22], s20  }
0x9f: {  	s4 =	ssub.s32 $0x0, s20;
	[sflag:s22] =	ssyncset.done $0x0  }
0xa0: {  	[sflag:s22] =	ssyncadd.s32 s4;
	_ =	sdelay $0x1  }
0xa1: {  	s23 =	simm.s32 $0x1B8B  }
0xa2: {  	_ =	swait.ge [sflag:s23], $0x1  }
0xa3: {  	[sflag:s23] =	ssyncset.done $0x0  }
0xa4: {  	s25 =	simm.s32 $0x1B8E;
	s24 =	sld [smem:$0x3FFE];
	[sflag:s23] =	ssyncadd.s32 $0xFFFFFFFF  }
0xa5: {  	s26 =	simm.s32 $execute0_lowered;
	[smem:$0x3FD2] =	sst s25  }
0xa6: {  	s5 =	sshll.u32 s26, $0x1;
	_ =	strace $0x8000004F;
	[dreg:$0x1] =	wrdreg $0xFFFFFFFF  }
0xa7: {  	s28 =	simm.s32 $_size_execute0_lowered;
	s3 =	sadd.s32 s3, s5;
	[dreg:$0x0] =	wrdreg $0x0  }
0xa8: {  	s5 =	sshll.u32 s28, $0x1;
	[dreg:$0x2] =	wrdreg s3  }
0xa9: {  	[dreg:$0x3] =	wrdreg s5  }
0xaa: {  	[dreg:$0x4] =	wrdreg $0xC0  }
0xab: {  	_ =	task [dreg:s7], $0x5FFFF  }
0xac: {  	[dreg:$0x1] =	wrdreg $0xFFFFFFFF  }
0xad: {  	[dreg:$0x0] =	wrdreg $0x60  }
0xae: {  	[dreg:$0x2] =	wrdreg s24  }
0xaf: {  	[dreg:$0x3] =	wrdreg s2  }
0xb0: {  	[dreg:$0x4] =	wrdreg $0x9  }
0xb1: {  	_ =	task.clear_ibuf [dreg:s7], $0x5FFFF;
	_ =	strace $0x9000004F  }
0xb2: {  	s29 =	simm.s32 $0x9;
	_ =	strace $0x80000051  }
0xb3: {  	_ =	swait.ge [sflag:s29], $0x1  }
0xb4: {  	[sflag:s29] =	ssyncadd.s32 $0xFFFFFFFF  }
0xb5: {  	_ =	strace $0x90000051  }
0xb6: {  	_ =	sfence  }
0xb7: {  	s30 =	sld [smem:$0x0];
	_ =	sdelay $0x2  }
0xb8: {  	s31 =	sshll.u32 s1, $0xD;
	s1 =	sshrl.u32 s1, $0x2  }
0xb9: {  	s3 =	sand.u32 $0x4000, s31;
	s1 =	sadd.s32 s1, s30  }
0xba: {  	s0 =	sor.u32 s3, s0;
	s1 =	sshll.u32 s1, $0x11  }
0xbb: {  	s0 =	sor.u32 s1, s0  }
0xbc: {  	s0 =	sadd.s32 $0x8F2B, s0  }
0xbd: {  	[sflag:s0] =	ssyncadd.remote.s32 $0x1  }
0xbe: {  	_ =	sfence.sel $0xFFFF  }
0xbf: {  	[dreg:$0x0] =	wrdreg $0xFFFFFFFF;
	(pc) =	sbr.abs _section_cstart, $3  }
0xc0: {  	[dreg:$0x1] =	wrdreg $0xFFFFFFFF  }
0xc1: {  	_ =	task.clear_ibuf [dreg:s7], $0x2FFFF;
	_ =	strace $0x9FFFFFFF  }
0xc2: {  	(tm) =	ssettm $0x7FFFFFFF  }
0xc3: {  	_ =	shalt  }
tec
execute0_lowered:
.L_overlay_start_1:
0x0: {  	(tag) =	ssettag $0x1  }
0x1: {  	s0 =	srdreg.scid;
	s4 =	rddreg [dreg:$0x0]  }
0x2: {  	s7 =	rddreg [dreg:$0x1];
	s2 =	simm.s32 $0x0;
	s11 =	simm.s32 $0x1400  }
0x3: {  	s12 =	simm.s32 $0x2800;
	s13 =	simm.s32 $0x80;
	s14 =	simm.s32 $0x400  }
0x4: {  	s15 =	simm.s32 $0x0;
	s3 =	sand.u32 $0x1, s0;
	s0 =	stileid.u32  }
0x5: {  	[smem:$0x7FF] =	sst s2;
	s1 =	sshll.u32 s3, $0x4;
	s8 =	ssub.s32 $0x2, s3  }
0x6: {  	s9 =	sshll.u32 s0, $0x7;
	s3 =	sadd.s32 $0x7E00, s4;
	s5 =	sor.u32 s0, s1  }
0x7: {  	s1 =	rddreg [dreg:$0x2];
	s6 =	smul.u32 $0x280, s5;
	s5 =	sshrl.u32 s5, $0x3  }
0x8: {  	_ =	strace $0x80000050;
	s10 =	sshrl.u32 s8, $0x1;
	s5 =	smul.u32 $0x14000, s5  }
0x9: {  	s9 =	sand.u32 $0x380, s9;
	s8 =	ssub.s32 s8, s10;
	s10 =	simm.s32 $0x1  }
0xa: {  	s8 =	smax.u32 s8, $0x1;
	s6 =	sadd.s32 s6, s4;
	s9 =	sor.u32 s9, s5  }
0xb: {  	s4 =	sadd.s32 $0x19600, s4;
	s5 =	sadd.s32 $0xA600, s6;
	s9 =	sshrl.u32 s9, $0x3  }
0xc: {  	s6 =	sadd.s32 $0xB9C00, s6;
	s7 =	sadd.s32 s7, s9;
	s9 =	simm.s32 $0x5000  }
.LBB2_1:
0xd: {  	[tilespmem:s9], [sflag:$0x1] =	stream.linear.gather [hbm4b:s4+s2], $0x2800, $0x38;
	[tilespmem:$0x7800] =	vst v63  }
0xe: {  	_ =	swait.ge [sflag:s10], $0x2800  }
0xf: {  	[sflag:s10] =	ssyncset.done $0x0  }
0x10: {  	[sflag:s10] =	ssyncadd.s32 $0xFFFFD800  }
0x11: {  	[tilespmem:s2], [sflag:$0x1] =	stream.linear.gather [hbm4b:s5+s2], $0x1400, $0x38;
	[tilespmem:$0x7800] =	vst v63  }
0x12: {  	_ =	swait.ge [sflag:s10], $0x1400  }
0x13: {  	[sflag:s10] =	ssyncset.done $0x0  }
0x14: {  	[sflag:s10] =	ssyncadd.s32 $0xFFFFEC00  }
0x15: {  	[tilespmem:s11], [sflag:$0x1] =	stream.linear.gather [hbm4b:s6+s2], $0x1400, $0x38;
	[tilespmem:$0x7800] =	vst v63  }
0x16: {  	_ =	swait.ge [sflag:s10], $0x1400  }
0x17: {  	[sflag:s10] =	ssyncset.done $0x0  }
0x18: {  	[sflag:s10] =	ssyncadd.s32 $0xFFFFEC00  }
0x19: {  	[tilespmem:s12], [sflag:$0x1] =	stream.linear.gather [hbm4b:s3+s2], $0x2800, $0x38;
	[tilespmem:$0x7800] =	vst v63  }
0x1a: {  	_ =	swait.ge [sflag:s10], $0x2800  }
0x1b: {  	[sflag:s10] =	ssyncset.done $0x0  }
0x1c: {  	s17 =	simm.s32 $0x0;
	s16 =	simm.s32 $0x40;
	[sflag:s10] =	ssyncadd.s32 $0xFFFFD800  }
.LBB2_2:
0x1d: {  	p0 =	sne.s32 s16, $0x4FC0;
	v0 =	vld [tilespmem:s17+$0x0];
	_ =	sdelay $0x5  }
0x1e: {  	v1 =	vld [tilespmem:s17+$0x1400];
	_ =	sdelay $0x1  }
0x1f: {  	v0 =	vld.idx.msk [tilespmem:v0+s12+$0x0], $0xffff;
	_ =	sdelay $0x1  }
.Ltmp0:
0x20: {  	(pc) =	sbr.rel @p0 .LBB2_2-.Ltmp0, $2  }
0x21: {  	_ =	sdelay $0x2  }
0x22: {  	s17 =	sshra.s32 s16, $0x2;
	s16 =	sadd.s32 $0x40, s16;
	[tilespmem:v1+s9+$0x0] =	vst.idx.add.f32.msk $0xffff, v0  }
0x23: {  	v0 =	vld [tilespmem:s17+$0x0];
	_ =	sdelay $0x4  }
0x24: {  	v1 =	vld [tilespmem:s17+$0x1400];
	_ =	sdelay $0x2  }
0x25: {  	v0 =	vld.idx.msk [tilespmem:v0+s12+$0x0], $0xffff;
	_ =	sdelay $0x2  }
0x26: {  	s15 =	sadd.s32 $0x1, s15  }
0x27: {  	p0 =	sne.s32 s15, s8  }
.Ltmp1:
0x28: {  	[tilespmem:v1+s9+$0x0] =	vst.idx.add.f32.msk $0xffff, v0;
	(pc) =	sbr.rel @p0 .LBB2_1-.Ltmp1, $4  }
0x29: {  	[hbm4b:s7+s13] =	stream.strided.scatter [tilespmem:s9], [sflag:$0x1], $0x2800, s14, s13, $0x38;
	[tilespmem:$0x7800] =	vst v63  }
0x2a: {  	_ =	swait.ge [sflag:s10], $0x2800  }
0x2b: {  	[sflag:s10] =	ssyncset.done $0x0  }
0x2c: {  	[sflag:s10] =	ssyncadd.s32 $0xFFFFD800  }
0x2d: {  	_ =	sfence.sel $0x180000  }
0x2e: {  	[bflag:$0x0] =	sbarrier.arrive $0xFFFF  }
0x2f: {  	p0 =	sne.s32 s0, $0x0;
	_ =	strace $0x90000050  }
0x30: {  	s0 =	sadd.s32 @!p0 $0x100000, s1;
	[bflag:$0x2] =	sbarrier.arrive $0xFFFF  }
0x31: {  	[sflag:s0] =	ssyncadd.tile.s32 @!p0 $0x1;
	_ =	shalt  }
.Lfunc_end2:
_tile_overlayer_lowered:
.L_overlay_start_2:
0x32: {  	(tag) =	ssettag $0x2  }
0x33: {  	s0 =	rddreg [dreg:$0x0];
	s2 =	stileid.u32  }
0x34: {  	s1 =	rddreg [dreg:$0x1];
	p0 =	sne.s32 s2, $0x0  }
0x35: {  	s3 =	rddreg [dreg:$0x2];
	[bflag:$0x3] =	sbarrier.arrive $0xFFFF;
	s2 =	simm.s32 @!p0 $0x1C01  }
0x36: {  	[timem:s3], [sflag:s2] =	dma.local @!p0 [hbm:s0], s1  }
0x37: {  	s0 =	simm.s32 @!p0 $0x1  }
0x38: {  	_ =	swait.ge @!p0 [sflag:s0], s1  }
0x39: {  	s1 =	ssub.s32 @!p0 $0x0, s1;
	[sflag:s0] =	ssyncset.done @!p0 $0x0  }
0x3a: {  	[sflag:s0] =	ssyncadd.s32 @!p0 s1  }
0x3b: {  	[bflag:$0x3] =	sbarrier.arrive $0xFFFF  }
0x3c: {  	_ =	shalt  }

// kernel: kernel.29.cloned.1.call-start
scs
__scs_entry_jumppad:
0x0: {  	(pc) =	sbr.rel $0x88, $3  }
0x1: {  	(tag) =	ssettag $0x0;
	lr =	simm.s32 $0x1  }
0x2: {  	[smem:$0x3F98] =	sst lr;
	_ =	strace $0xD0000000  }
0x3: {  	_ = 	snop  }
0x4: {  	_ = 	snop  }
0x5: {  	_ = 	snop  }
0x6: {  	_ = 	snop  }
0x7: {  	_ = 	snop  }
__scs_overlays_trampoline_lowered:
0x8: {  	[smem:$0x3FA7] =	sst s0  }
0x9: {  	[smem:$0x3FA8] =	sst s1  }
0xa: {  	[smem:$0x3FA9] =	sst s2  }
0xb: {  	[smem:$0x3FAA] =	sst s3  }
0xc: {  	[smem:$0x3FAB] =	sst s4  }
0xd: {  	[smem:$0x3FAC] =	sst s5  }
0xe: {  	[smem:$0x3FAD] =	sst s6  }
0xf: {  	[smem:$0x3FAE] =	sst s7  }
0x10: {  	[smem:$0x3FAF] =	sst s8  }
0x11: {  	[smem:$0x3FB0] =	sst s9;
	s0 =	simm.s32 @!p0 $0x0  }
0x12: {  	s1 =	sld [smem:$0x3F96];
	s0 =	simm.s32 @p0 $0x1  }
0x13: {  	[smem:$0x3FB1] =	sst s0;
	s0 =	simm.s32 @!p1 $0x0  }
0x14: {  	s2 =	sld [smem:$0x3F95];
	s0 =	simm.s32 @p1 $0x1  }
0x15: {  	[smem:$0x3FB2] =	sst s0;
	s0 =	simm.s32 @!p2 $0x0  }
0x16: {  	s3 =	sld [smem:$0x3FDB];
	s0 =	simm.s32 @p2 $0x1  }
0x17: {  	s4 =	simm.s32 $0x1BF5;
	[smem:$0x3FB4] =	sst s0  }
0x18: {  	s0 =	sld [smem:$0x3F97];
	_ =	swait.ge [sflag:s4], $0x0  }
0x19: {  	s7 =	sld [smem:$0x3F98]  }
0x1a: {  	s8 =	sadd.s32 $0xFFFFE003, lr  }
0x1b: {  	s9 =	sadd.s32 $0xFFFFFEF7, lr;
	s5 =	simm.s32 $0xFFFFFFFF;
	p2 =	slt.u32 s8, $0xFFFFF086  }
0x1c: {  	p1 =	slt.u32 s9, $0xF7A;
	s5 =	simm.s32 @!p2 $0x0  }
0x1d: {  	s5 =	simm.s32 @p1 $0x1;
	p0 =	seq.s32 s7, s2  }
0x1e: {  	s7 =	smul.u32 @!p0 $0xF7A, s2;
	p2 =	seq.s32 @!p0 s5, $0x0  }
0x1f: {  	s9 =	smul.u32 $0xF7A, s1;
	s8 =	simm.s32 @!p0 $0x1BF5;
	p2 =	por !p2, p0  }
0x20: {  	[sflag:s8] =	ssyncset.s32 @!p0 $0xFFFFF086;
	s6 =	sadd.s32 @!p0 s3, s7;
	s7 =	simm.s32 @!p0 $0x108  }
0x21: {  	s3 =	sadd.s32 s3, s9;
	s6 =	sadd.s32 @!p0 $0x88, s6;
	s7 =	simm.s32 @p2 $0x1082  }
0x22: {  	[simem:s7], [sflag:s8] =	dma.local @!p0 [hbm:s6], $0xF7A  }
0x23: {  	s9 =	sor.u32 $0xD0000000, s2;
	s6 =	simm.s32 $0x108;
	_ =	swait.ge @!p0 [sflag:s8], $0x0  }
0x24: {  	s3 =	sadd.s32 $0x88, s3;
	s6 =	simm.s32 @!p1 $0x1082;
	[sflag:s4] =	ssyncset.s32 $0xFFFFF086  }
0x25: {  	[simem:s6], [sflag:s4] =	dma.local [hbm:s3], $0xF7A  }
0x26: {  	[smem:$0x3F98] =	sst s1;
	(tag) =	ssettag s2;
	_ =	strace s9  }
0x27: {  	s1 =	sld [smem:$0x3FA8]  }
0x28: {  	s2 =	sld [smem:$0x3FA9]  }
0x29: {  	s4 =	sld [smem:$0x3FAB]  }
0x2a: {  	p0 =	seq.s32 s5, $0x0;
	s5 =	sld [smem:$0x3FAC]  }
0x2b: {  	s6 =	sld [smem:$0x3FAD]  }
0x2c: {  	s7 =	sld [smem:$0x3FAE]  }
0x2d: {  	s3 =	simm.s32 $0x108;
	s8 =	sld [smem:$0x3FAF]  }
0x2e: {  	s3 =	simm.s32 @!p0 $0x1082;
	s9 =	sld [smem:$0x3FB0]  }
0x2f: {  	lr =	sadd.s32 s0, s3;
	s0 =	sld [smem:$0x3FA7]  }
0x30: {  	s3 =	sld [smem:$0x3FAA]  }
0x31: {  	[smem:$0x3FB3] =	sst s10  }
0x32: {  	s10 =	sld [smem:$0x3FB1];
	_ =	sdelay $0x3  }
0x33: {  	p0 =	seq.s32 s10, $0x1;
	s10 =	sld [smem:$0x3FB3];
	_ =	sdelay $0x3  }
0x34: {  	[smem:$0x3FB3] =	sst s10  }
0x35: {  	s10 =	sld [smem:$0x3FB2];
	_ =	sdelay $0x3  }
0x36: {  	p1 =	seq.s32 s10, $0x1;
	s10 =	sld [smem:$0x3FB3];
	_ =	sdelay $0x3  }
0x37: {  	[smem:$0x3FB3] =	sst s10  }
0x38: {  	s10 =	sld [smem:$0x3FB4]  }
0x39: {  	_ = 	snop;
	(pc) =	sbr.ind lr, $3  }
0x3a: {  	_ = 	snop  }
0x3b: {  	_ = 	snop  }
0x3c: {  	p2 =	seq.s32 s10, $0x1;
	s10 =	sld [smem:$0x3FB3]  }
0x3d: {  	_ =	shalt  }
0x3e: {  	_ =	shalt  }
0x3f: {  	_ =	shalt  }
0x40: {  	_ =	shalt  }
0x41: {  	_ =	shalt  }
0x42: {  	_ =	shalt  }
0x43: {  	_ =	shalt  }
0x44: {  	_ =	shalt  }
0x45: {  	_ =	shalt  }
0x46: {  	_ =	shalt  }
0x47: {  	_ =	shalt  }
0x48: {  	_ =	shalt  }
0x49: {  	_ =	shalt  }
0x4a: {  	_ =	shalt  }
0x4b: {  	_ =	shalt  }
0x4c: {  	_ =	shalt  }
0x4d: {  	_ =	shalt  }
0x4e: {  	_ =	shalt  }
0x4f: {  	_ =	shalt  }
0x50: {  	_ =	shalt  }
0x51: {  	_ =	shalt  }
0x52: {  	_ =	shalt  }
0x53: {  	_ =	shalt  }
0x54: {  	_ =	shalt  }
0x55: {  	_ =	shalt  }
0x56: {  	_ =	shalt  }
0x57: {  	_ =	shalt  }
0x58: {  	_ =	shalt  }
0x59: {  	_ =	shalt  }
0x5a: {  	_ =	shalt  }
0x5b: {  	_ =	shalt  }
0x5c: {  	_ =	shalt  }
0x5d: {  	_ =	shalt  }
0x5e: {  	_ =	shalt  }
0x5f: {  	_ =	shalt  }
0x60: {  	_ =	shalt  }
0x61: {  	_ =	shalt  }
0x62: {  	_ =	shalt  }
0x63: {  	_ =	shalt  }
0x64: {  	_ =	shalt  }
0x65: {  	_ =	shalt  }
0x66: {  	_ =	shalt  }
0x67: {  	_ =	shalt  }
0x68: {  	_ =	shalt  }
0x69: {  	_ =	shalt  }
0x6a: {  	_ =	shalt  }
0x6b: {  	_ =	shalt  }
0x6c: {  	_ =	shalt  }
0x6d: {  	_ =	shalt  }
0x6e: {  	_ =	shalt  }
0x6f: {  	_ =	shalt  }
0x70: {  	_ =	shalt  }
0x71: {  	_ =	shalt  }
0x72: {  	_ =	shalt  }
0x73: {  	_ =	shalt  }
0x74: {  	_ =	shalt  }
0x75: {  	_ =	shalt  }
0x76: {  	_ =	shalt  }
0x77: {  	_ =	shalt  }
0x78: {  	_ =	shalt  }
0x79: {  	_ =	shalt  }
0x7a: {  	_ =	shalt  }
0x7b: {  	_ =	shalt  }
0x7c: {  	_ =	shalt  }
0x7d: {  	_ =	shalt  }
0x7e: {  	_ =	shalt  }
0x7f: {  	_ =	shalt  }
0x80: {  	_ =	shalt  }
0x81: {  	_ =	shalt  }
0x82: {  	_ =	shalt  }
0x83: {  	_ =	shalt  }
0x84: {  	_ =	shalt  }
0x85: {  	_ =	shalt  }
0x86: {  	_ =	shalt  }
0x87: {  	_ =	shalt  }
.Lfunc_end0:
.L_simem_size_0:
called_computation.4_lowered:
.L_overlay_start_0:
0x88: {  	s2 =	sld [smem:$0x3FD9]  }
0x89: {  	s3 =	sld [smem:$0x3FFE];
	_ =	sdelay $0x1  }
0x8a: {  	s1 =	srdreg.scid  }
0x8b: {  	s0 =	sand.u32 $0x1, s1  }
0x8c: {  	s16 =	sshll.u32 s0, $0xA;
	s2 =	sadd.s32 s3, s2  }
0x8d: {  	s2 =	sadd.s32 s2, s16  }
0x8e: {  	[smem:$0x3FBF] =	sst s2  }
0x8f: {  	_ = 	snop  }
0x90: {  	(tm) =	ssettm $0x1  }
0x91: {  	s17 =	sld [smem:$0x3FFB];
	_ =	sdelay $0x3  }
0x92: {  	_ =	strace s17  }
0x93: {  	s2 =	sld [smem:$0x3FFC];
	_ =	sdelay $0x3  }
0x94: {  	_ =	strace s2  }
0x95: {  	s2 =	sld [smem:$0x3FFD];
	_ =	sdelay $0x3  }
0x96: {  	_ =	strace s2  }
0x97: {  	_ =	strace $0x8FFFFFFF  }
0x98: {  	s18 =	sld [smem:$0x3FDB];
	_ =	sdelay $0x1  }
0x99: {  	s19 =	simm.s32 $_scs_section_size  }
0x9a: {  	s4 =	simm.s32 $_size__tile_overlayer_lowered;
	s5 =	simm.s32 $_tile_overlayer_lowered  }
0x9b: {  	s22 =	simm.s32 $0x1BFF;
	s21 =	sshll.u32 s5, $0x1;
	s2 =	sadd.s32 s19, s18  }
0x9c: {  	s6 =	simm.s32 $0x0;
	s20 =	sshll.u32 s4, $0x1;
	s4 =	sadd.s32 s21, s2  }
0x9d: {  	[timem:s6], [sflag:s22] =	dma.local [hbm:s4], s20  }
0x9e: {  	_ =	swait.ge [sflag:s22], s20  }
0x9f: {  	s3 =	ssub.s32 $0x0, s20;
	[sflag:s22] =	ssyncset.done $0x0  }
0xa0: {  	[sflag:s22] =	ssyncadd.s32 s3;
	_ =	sdelay $0x1  }
0xa1: {  	s23 =	simm.s32 $0x1B8B  }
0xa2: {  	_ =	swait.ge [sflag:s23], $0x1  }
0xa3: {  	[sflag:s23] =	ssyncset.done $0x0  }
0xa4: {  	s25 =	simm.s32 $0x1B8E;
	s24 =	sld [smem:$0x3FFE];
	[sflag:s23] =	ssyncadd.s32 $0xFFFFFFFF  }
0xa5: {  	s26 =	simm.s32 $execute0_lowered;
	[smem:$0x3FD2] =	sst s25  }
0xa6: {  	s4 =	sshll.u32 s26, $0x1;
	_ =	strace $0x80000052;
	[dreg:$0x1] =	wrdreg $0xFFFFFFFF  }
0xa7: {  	s28 =	simm.s32 $_size_execute0_lowered;
	s2 =	sadd.s32 s2, s4;
	[dreg:$0x0] =	wrdreg $0x0  }
0xa8: {  	s4 =	sshll.u32 s28, $0x1;
	[dreg:$0x2] =	wrdreg s2  }
0xa9: {  	[dreg:$0x3] =	wrdreg s4  }
0xaa: {  	[dreg:$0x4] =	wrdreg $0xC0  }
0xab: {  	_ =	task [dreg:s6], $0x5FFFF  }
0xac: {  	[dreg:$0x1] =	wrdreg $0xFFFFFFFF  }
0xad: {  	[dreg:$0x0] =	wrdreg $0x60  }
0xae: {  	[dreg:$0x2] =	wrdreg s24  }
0xaf: {  	[dreg:$0x3] =	wrdreg $0xA8000  }
0xb0: {  	[dreg:$0x4] =	wrdreg $0x9  }
0xb1: {  	_ =	task.clear_ibuf [dreg:s6], $0x5FFFF;
	_ =	strace $0x90000052  }
0xb2: {  	s29 =	simm.s32 $0x9;
	_ =	strace $0x80000054  }
0xb3: {  	_ =	swait.ge [sflag:s29], $0x1  }
0xb4: {  	[sflag:s29] =	ssyncadd.s32 $0xFFFFFFFF  }
0xb5: {  	_ =	strace $0x90000054  }
0xb6: {  	_ =	sfence  }
0xb7: {  	s30 =	sld [smem:$0x0];
	_ =	sdelay $0x2  }
0xb8: {  	s31 =	sshll.u32 s1, $0xD;
	s1 =	sshrl.u32 s1, $0x2  }
0xb9: {  	s3 =	sand.u32 $0x4000, s31;
	s1 =	sadd.s32 s1, s30  }
0xba: {  	s0 =	sor.u32 s3, s0;
	s1 =	sshll.u32 s1, $0x11  }
0xbb: {  	s0 =	sor.u32 s1, s0  }
0xbc: {  	s0 =	sadd.s32 $0x8F2B, s0  }
0xbd: {  	[sflag:s0] =	ssyncadd.remote.s32 $0x1  }
0xbe: {  	_ =	sfence.sel $0xFFFF  }
0xbf: {  	[dreg:$0x0] =	wrdreg $0xFFFFFFFF;
	(pc) =	sbr.abs _section_cstart, $3  }
0xc0: {  	[dreg:$0x1] =	wrdreg $0xFFFFFFFF  }
0xc1: {  	_ =	task.clear_ibuf [dreg:s6], $0x2FFFF;
	_ =	strace $0x9FFFFFFF  }
0xc2: {  	(tm) =	ssettm $0x7FFFFFFF  }
0xc3: {  	_ =	shalt  }
tec
execute0_lowered:
.L_overlay_start_1:
0x0: {  	(tag) =	ssettag $0x1  }
0x1: {  	s0 =	srdreg.scid;
	s6 =	rddreg [dreg:$0x0]  }
0x2: {  	s2 =	rddreg [dreg:$0x1];
	s3 =	simm.s32 $0x0;
	s14 =	simm.s32 $0x80  }
0x3: {  	s15 =	simm.s32 $0x2800;
	s16 =	simm.s32 $0x1;
	s17 =	simm.s32 $0x6800  }
0x4: {  	s18 =	simm.s32 $0x2;
	s19 =	simm.s32 $0x1380;
	s20 =	simm.s32 $0x2700  }
0x5: {  	s21 =	simm.s32 $0x2780;
	s5 =	sand.u32 $0x1, s0;
	s0 =	stileid.u32  }
0x6: {  	s22 =	simm.s32 $0x0;
	[smem:$0x7FF] =	sst s3;
	s7 =	smul.u32 $0x140000, s5  }
0x7: {  	s1 =	sshll.u32 s5, $0x4;
	s8 =	smul.u32 $0x14000, s0;
	s28 =	ssub.s32 $0x2, s5  }
0x8: {  	s10 =	smul.u32 $0x50000, s0;
	s5 =	sadd.s32 $0x5600, s6;
	s1 =	sor.u32 s0, s1  }
0x9: {  	s31 =	sshll.u32 s0, $0x6;
	s29 =	sshrl.u32 s28, $0x1;
	s4 =	smul.u32 $0x280, s1  }
0xa: {  	s1 =	rddreg [dreg:$0x2];
	_ =	strace $0x80000053;
	s7 =	sadd.s32 s8, s7  }
0xb: {  	s12 =	ssub.s32 s28, s29;
	s30 =	sshrl.u32 s10, $0x2;
	s10 =	simm.s32 $0x3  }
0xc: {  	s7 =	sshrl.u32 s7, $0x3;
	s13 =	sadd.s32 s30, s2;
	s9 =	sadd.s32 s4, s6  }
0xd: {  	s4 =	sadd.s32 $0x69C00, s6;
	s11 =	sadd.s32 s7, s6;
	s13 =	sshrl.u32 s13, $0x3  }
0xe: {  	s6 =	sadd.s32 $0x14600, s9;
	s7 =	sadd.s32 $0xBEC00, s9;
	s8 =	sadd.s32 $0xEBC00, s11  }
0xf: {  	s9 =	smax.u32 s12, $0x1;
	s11 =	simm.s32 $0x1400;
	s12 =	sor.u32 $0x1C03, s31  }
.LBB2_1:
0x10: {  	[tilespmem:s3], [sflag:$0x3] =	stream.linear.gather [hbm4b:s6+s3], $0x1400, $0x38;
	[tilespmem:$0x1E800] =	vst v63  }
0x11: {  	_ =	swait.ge [sflag:s10], $0x1400  }
0x12: {  	[sflag:s10] =	ssyncset.done $0x0  }
0x13: {  	[sflag:s10] =	ssyncadd.s32 $0xFFFFEC00  }
0x14: {  	[tilespmem:s11], [sflag:$0x3] =	stream.linear.gather [hbm4b:s7+s3], $0x1400, $0x38;
	[tilespmem:$0x1E800] =	vst v63  }
0x15: {  	_ =	swait.ge [sflag:s10], $0x1400  }
0x16: {  	[sflag:s10] =	ssyncset.done $0x0  }
0x17: {  	[sflag:s10] =	ssyncadd.s32 $0xFFFFEC00  }
0x18: {  	[spmem:s13], [sflag:s12] =	dma.local [hbm:s5], $0x2800  }
0x19: {  	_ =	swait.ge [sflag:s10], $0x2800  }
0x1a: {  	[sflag:s10] =	ssyncset.done $0x0  }
0x1b: {  	[sflag:s10] =	ssyncadd.s32 $0xFFFFD800  }
0x1c: {  	[tilespmem:s15], [sflag:$0x1] =	stream.indirect.gather [hbm4b:s4+s14], $0x80, s3, s14, $0xb8;
	[tilespmem:$0x1E800] =	vst v63  }
0x1d: {  	[bflag:$0x0] =	sbarrier.arrive $0xFFFF  }
0x1e: {  	_ =	swait.ge [sflag:s16], $0x4000  }
0x1f: {  	[sflag:s16] =	ssyncset.done $0x0  }
0x20: {  	s23 =	simm.s32 $0x80;
	[sflag:s16] =	ssyncadd.s32 $0xFFFFC000  }
0x21: {  	[tilespmem:s17], [sflag:$0x2] =	stream.indirect.gather [hbm4b:s4+s14], $0x80, s23, s14, $0xb8;
	[tilespmem:$0x1E800] =	vst v63  }
0x22: {  	s29 =	simm.s32 $0x1400  }
0x23: {  	[spmem:s2] =	stream.indirect.scatter.add.f32 [tilespmem:s15], [sflag:$0x3], $0x80, s29, s14, $0xb8;
	[tilespmem:$0x1E800] =	vst v63  }
0x24: {  	_ =	swait.ge [sflag:s10], $0x4000  }
0x25: {  	[sflag:s10] =	ssyncset.done $0x0  }
0x26: {  	[sflag:s10] =	ssyncadd.s32 $0xFFFFC000  }
0x27: {  	_ =	swait.ge [sflag:s18], $0x4000  }
0x28: {  	[sflag:s18] =	ssyncset.done $0x0  }
0x29: {  	s30 =	simm.s32 $0x100;
	[sflag:s18] =	ssyncadd.s32 $0xFFFFC000  }
0x2a: {  	[tilespmem:s15], [sflag:$0x1] =	stream.indirect.gather [hbm4b:s4+s14], $0x80, s30, s14, $0xb8;
	[tilespmem:$0x1E800] =	vst v63  }
0x2b: {  	s31 =	simm.s32 $0x1480  }
0x2c: {  	[spmem:s2] =	stream.indirect.scatter.add.f32 [tilespmem:s17], [sflag:$0x3], $0x80, s31, s14, $0xb8;
	[tilespmem:$0x1E800] =	vst v63  }
0x2d: {  	_ =	swait.ge [sflag:s10], $0x4000  }
0x2e: {  	s23 =	simm.s32 $0x400;
	[sflag:s10] =	ssyncset.done $0x0  }
.LBB2_2:
0x2f: {  	p0 =	sne.s32 s23, $0x4800  }
0x30: {  	[sflag:s10] =	ssyncadd.s32 $0xFFFFC000;
	s24 =	smov.u32 s23;
	s23 =	sadd.s32 $0x400, s23  }
0x31: {  	_ = 	snop  }
0x32: {  	_ =	swait.ge [sflag:s16], $0x4000  }
0x33: {  	s24 =	sshra.s32 s24, $0x2;
	[sflag:s16] =	ssyncset.done $0x0  }
0x34: {  	s25 =	sadd.s32 $0x80, s24;
	[sflag:s16] =	ssyncadd.s32 $0xFFFFC000  }
0x35: {  	[tilespmem:s17], [sflag:$0x2] =	stream.indirect.gather [hbm4b:s4+s14], $0x80, s25, s14, $0xb8;
	[tilespmem:$0x1E800] =	vst v63  }
0x36: {  	s25 =	sadd.s32 $0x1400, s24  }
0x37: {  	[spmem:s2] =	stream.indirect.scatter.add.f32 [tilespmem:s15], [sflag:$0x3], $0x80, s25, s14, $0xb8;
	[tilespmem:$0x1E800] =	vst v63  }
0x38: {  	_ =	swait.ge [sflag:s10], $0x4000  }
0x39: {  	[sflag:s10] =	ssyncset.done $0x0  }
0x3a: {  	[sflag:s10] =	ssyncadd.s32 $0xFFFFC000  }
0x3b: {  	_ =	swait.ge [sflag:s18], $0x4000  }
0x3c: {  	[sflag:s18] =	ssyncset.done $0x0  }
0x3d: {  	s25 =	sadd.s32 $0x100, s24;
	[sflag:s18] =	ssyncadd.s32 $0xFFFFC000  }
0x3e: {  	[tilespmem:s15], [sflag:$0x1] =	stream.indirect.gather [hbm4b:s4+s14], $0x80, s25, s14, $0xb8;
	[tilespmem:$0x1E800] =	vst v63  }
.Ltmp0:
0x3f: {  	_ = 	snop;
	(pc) =	sbr.rel @p0 .LBB2_2-.Ltmp0, $4  }
0x40: {  	s24 =	sadd.s32 $0x1480, s24  }
0x41: {  	[spmem:s2] =	stream.indirect.scatter.add.f32 [tilespmem:s17], [sflag:$0x3], $0x80, s24, s14, $0xb8;
	[tilespmem:$0x1E800] =	vst v63  }
0x42: {  	_ =	swait.ge [sflag:s10], $0x4000  }
0x43: {  	[sflag:s10] =	ssyncset.done $0x0  }
0x44: {  	[sflag:s10] =	ssyncadd.s32 $0xFFFFC000  }
0x45: {  	_ =	swait.ge [sflag:s16], $0x4000  }
0x46: {  	[sflag:s16] =	ssyncset.done $0x0  }
0x47: {  	[sflag:s16] =	ssyncadd.s32 $0xFFFFC000  }
0x48: {  	[tilespmem:s17], [sflag:$0x2] =	stream.indirect.gather [hbm4b:s4+s14], $0x80, s19, s14, $0xb8;
	[tilespmem:$0x1E800] =	vst v63  }
0x49: {  	_ = 	snop  }
0x4a: {  	[spmem:s2] =	stream.indirect.scatter.add.f32 [tilespmem:s15], [sflag:$0x3], $0x80, s20, s14, $0xb8;
	[tilespmem:$0x1E800] =	vst v63  }
0x4b: {  	_ =	swait.ge [sflag:s10], $0x4000  }
0x4c: {  	[sflag:s10] =	ssyncset.done $0x0  }
0x4d: {  	[sflag:s10] =	ssyncadd.s32 $0xFFFFC000  }
0x4e: {  	_ =	swait.ge [sflag:s18], $0x4000  }
0x4f: {  	[sflag:s18] =	ssyncset.done $0x0  }
0x50: {  	[sflag:s18] =	ssyncadd.s32 $0xFFFFC000  }
0x51: {  	[spmem:s2] =	stream.indirect.scatter.add.f32 [tilespmem:s17], [sflag:$0x3], $0x80, s21, s14, $0xb8;
	[tilespmem:$0x1E800] =	vst v63  }
0x52: {  	_ =	swait.ge [sflag:s10], $0x4000  }
0x53: {  	s22 =	sadd.s32 $0x1, s22;
	[sflag:s10] =	ssyncset.done $0x0  }
0x54: {  	p0 =	sne.s32 s22, s9;
	[sflag:s10] =	ssyncadd.s32 $0xFFFFC000  }
.Ltmp1:
0x55: {  	[bflag:$0x0] =	sbarrier.arrive $0xFFFF;
	(pc) =	sbr.rel @p0 .LBB2_1-.Ltmp1, $4  }
0x56: {  	[hbm:s8], [sflag:s12] =	dma.local [spmem:s13], $0x2800  }
0x57: {  	_ =	swait.ge [sflag:s10], $0x2800  }
0x58: {  	[sflag:s10] =	ssyncset.done $0x0  }
0x59: {  	[sflag:s10] =	ssyncadd.s32 $0xFFFFD800  }
0x5a: {  	_ =	sfence.sel $0x180000  }
0x5b: {  	[bflag:$0x0] =	sbarrier.arrive $0xFFFF  }
0x5c: {  	p0 =	sne.s32 s0, $0x0;
	_ =	strace $0x90000053  }
0x5d: {  	s0 =	sadd.s32 @!p0 $0x100000, s1;
	[bflag:$0x2] =	sbarrier.arrive $0xFFFF  }
0x5e: {  	[sflag:s0] =	ssyncadd.tile.s32 @!p0 $0x1;
	_ =	shalt  }
.Lfunc_end2:
_tile_overlayer_lowered:
.L_overlay_start_2:
0x5f: {  	(tag) =	ssettag $0x2  }
0x60: {  	s0 =	rddreg [dreg:$0x0];
	s2 =	stileid.u32  }
0x61: {  	s1 =	rddreg [dreg:$0x1];
	p0 =	sne.s32 s2, $0x0  }
0x62: {  	s3 =	rddreg [dreg:$0x2];
	[bflag:$0x3] =	sbarrier.arrive $0xFFFF;
	s2 =	simm.s32 @!p0 $0x1C03  }
0x63: {  	[timem:s3], [sflag:s2] =	dma.local @!p0 [hbm:s0], s1  }
0x64: {  	s0 =	simm.s32 @!p0 $0x3  }
0x65: {  	_ =	swait.ge @!p0 [sflag:s0], s1  }
0x66: {  	s1 =	ssub.s32 @!p0 $0x0, s1;
	[sflag:s0] =	ssyncset.done @!p0 $0x0  }
0x67: {  	[sflag:s0] =	ssyncadd.s32 @!p0 s1  }
0x68: {  	[bflag:$0x3] =	sbarrier.arrive $0xFFFF  }
0x69: {  	_ =	shalt  }

// kernel: kernel.32.cloned.1.call-start
scs
__scs_entry_jumppad:
0x0: {  	(pc) =	sbr.rel $0x88, $3  }
0x1: {  	(tag) =	ssettag $0x0;
	lr =	simm.s32 $0x1  }
0x2: {  	[smem:$0x3F98] =	sst lr;
	_ =	strace $0xD0000000  }
0x3: {  	_ = 	snop  }
0x4: {  	_ = 	snop  }
0x5: {  	_ = 	snop  }
0x6: {  	_ = 	snop  }
0x7: {  	_ = 	snop  }
__scs_overlays_trampoline_lowered:
0x8: {  	[smem:$0x3FA7] =	sst s0  }
0x9: {  	[smem:$0x3FA8] =	sst s1  }
0xa: {  	[smem:$0x3FA9] =	sst s2  }
0xb: {  	[smem:$0x3FAA] =	sst s3  }
0xc: {  	[smem:$0x3FAB] =	sst s4  }
0xd: {  	[smem:$0x3FAC] =	sst s5  }
0xe: {  	[smem:$0x3FAD] =	sst s6  }
0xf: {  	[smem:$0x3FAE] =	sst s7  }
0x10: {  	[smem:$0x3FAF] =	sst s8  }
0x11: {  	[smem:$0x3FB0] =	sst s9;
	s0 =	simm.s32 @!p0 $0x0  }
0x12: {  	s1 =	sld [smem:$0x3F96];
	s0 =	simm.s32 @p0 $0x1  }
0x13: {  	[smem:$0x3FB1] =	sst s0;
	s0 =	simm.s32 @!p1 $0x0  }
0x14: {  	s2 =	sld [smem:$0x3F95];
	s0 =	simm.s32 @p1 $0x1  }
0x15: {  	[smem:$0x3FB2] =	sst s0;
	s0 =	simm.s32 @!p2 $0x0  }
0x16: {  	s3 =	sld [smem:$0x3FDB];
	s0 =	simm.s32 @p2 $0x1  }
0x17: {  	s4 =	simm.s32 $0x1BF5;
	[smem:$0x3FB4] =	sst s0  }
0x18: {  	s0 =	sld [smem:$0x3F97];
	_ =	swait.ge [sflag:s4], $0x0  }
0x19: {  	s7 =	sld [smem:$0x3F98]  }
0x1a: {  	s8 =	sadd.s32 $0xFFFFE003, lr  }
0x1b: {  	s9 =	sadd.s32 $0xFFFFFEF7, lr;
	s5 =	simm.s32 $0xFFFFFFFF;
	p2 =	slt.u32 s8, $0xFFFFF086  }
0x1c: {  	p1 =	slt.u32 s9, $0xF7A;
	s5 =	simm.s32 @!p2 $0x0  }
0x1d: {  	s5 =	simm.s32 @p1 $0x1;
	p0 =	seq.s32 s7, s2  }
0x1e: {  	s7 =	smul.u32 @!p0 $0xF7A, s2;
	p2 =	seq.s32 @!p0 s5, $0x0  }
0x1f: {  	s9 =	smul.u32 $0xF7A, s1;
	s8 =	simm.s32 @!p0 $0x1BF5;
	p2 =	por !p2, p0  }
0x20: {  	[sflag:s8] =	ssyncset.s32 @!p0 $0xFFFFF086;
	s6 =	sadd.s32 @!p0 s3, s7;
	s7 =	simm.s32 @!p0 $0x108  }
0x21: {  	s3 =	sadd.s32 s3, s9;
	s6 =	sadd.s32 @!p0 $0x88, s6;
	s7 =	simm.s32 @p2 $0x1082  }
0x22: {  	[simem:s7], [sflag:s8] =	dma.local @!p0 [hbm:s6], $0xF7A  }
0x23: {  	s9 =	sor.u32 $0xD0000000, s2;
	s6 =	simm.s32 $0x108;
	_ =	swait.ge @!p0 [sflag:s8], $0x0  }
0x24: {  	s3 =	sadd.s32 $0x88, s3;
	s6 =	simm.s32 @!p1 $0x1082;
	[sflag:s4] =	ssyncset.s32 $0xFFFFF086  }
0x25: {  	[simem:s6], [sflag:s4] =	dma.local [hbm:s3], $0xF7A  }
0x26: {  	[smem:$0x3F98] =	sst s1;
	(tag) =	ssettag s2;
	_ =	strace s9  }
0x27: {  	s1 =	sld [smem:$0x3FA8]  }
0x28: {  	s2 =	sld [smem:$0x3FA9]  }
0x29: {  	s4 =	sld [smem:$0x3FAB]  }
0x2a: {  	p0 =	seq.s32 s5, $0x0;
	s5 =	sld [smem:$0x3FAC]  }
0x2b: {  	s6 =	sld [smem:$0x3FAD]  }
0x2c: {  	s7 =	sld [smem:$0x3FAE]  }
0x2d: {  	s3 =	simm.s32 $0x108;
	s8 =	sld [smem:$0x3FAF]  }
0x2e: {  	s3 =	simm.s32 @!p0 $0x1082;
	s9 =	sld [smem:$0x3FB0]  }
0x2f: {  	lr =	sadd.s32 s0, s3;
	s0 =	sld [smem:$0x3FA7]  }
0x30: {  	s3 =	sld [smem:$0x3FAA]  }
0x31: {  	[smem:$0x3FB3] =	sst s10  }
0x32: {  	s10 =	sld [smem:$0x3FB1];
	_ =	sdelay $0x3  }
0x33: {  	p0 =	seq.s32 s10, $0x1;
	s10 =	sld [smem:$0x3FB3];
	_ =	sdelay $0x3  }
0x34: {  	[smem:$0x3FB3] =	sst s10  }
0x35: {  	s10 =	sld [smem:$0x3FB2];
	_ =	sdelay $0x3  }
0x36: {  	p1 =	seq.s32 s10, $0x1;
	s10 =	sld [smem:$0x3FB3];
	_ =	sdelay $0x3  }
0x37: {  	[smem:$0x3FB3] =	sst s10  }
0x38: {  	s10 =	sld [smem:$0x3FB4]  }
0x39: {  	_ = 	snop;
	(pc) =	sbr.ind lr, $3  }
0x3a: {  	_ = 	snop  }
0x3b: {  	_ = 	snop  }
0x3c: {  	p2 =	seq.s32 s10, $0x1;
	s10 =	sld [smem:$0x3FB3]  }
0x3d: {  	_ =	shalt  }
0x3e: {  	_ =	shalt  }
0x3f: {  	_ =	shalt  }
0x40: {  	_ =	shalt  }
0x41: {  	_ =	shalt  }
0x42: {  	_ =	shalt  }
0x43: {  	_ =	shalt  }
0x44: {  	_ =	shalt  }
0x45: {  	_ =	shalt  }
0x46: {  	_ =	shalt  }
0x47: {  	_ =	shalt  }
0x48: {  	_ =	shalt  }
0x49: {  	_ =	shalt  }
0x4a: {  	_ =	shalt  }
0x4b: {  	_ =	shalt  }
0x4c: {  	_ =	shalt  }
0x4d: {  	_ =	shalt  }
0x4e: {  	_ =	shalt  }
0x4f: {  	_ =	shalt  }
0x50: {  	_ =	shalt  }
0x51: {  	_ =	shalt  }
0x52: {  	_ =	shalt  }
0x53: {  	_ =	shalt  }
0x54: {  	_ =	shalt  }
0x55: {  	_ =	shalt  }
0x56: {  	_ =	shalt  }
0x57: {  	_ =	shalt  }
0x58: {  	_ =	shalt  }
0x59: {  	_ =	shalt  }
0x5a: {  	_ =	shalt  }
0x5b: {  	_ =	shalt  }
0x5c: {  	_ =	shalt  }
0x5d: {  	_ =	shalt  }
0x5e: {  	_ =	shalt  }
0x5f: {  	_ =	shalt  }
0x60: {  	_ =	shalt  }
0x61: {  	_ =	shalt  }
0x62: {  	_ =	shalt  }
0x63: {  	_ =	shalt  }
0x64: {  	_ =	shalt  }
0x65: {  	_ =	shalt  }
0x66: {  	_ =	shalt  }
0x67: {  	_ =	shalt  }
0x68: {  	_ =	shalt  }
0x69: {  	_ =	shalt  }
0x6a: {  	_ =	shalt  }
0x6b: {  	_ =	shalt  }
0x6c: {  	_ =	shalt  }
0x6d: {  	_ =	shalt  }
0x6e: {  	_ =	shalt  }
0x6f: {  	_ =	shalt  }
0x70: {  	_ =	shalt  }
0x71: {  	_ =	shalt  }
0x72: {  	_ =	shalt  }
0x73: {  	_ =	shalt  }
0x74: {  	_ =	shalt  }
0x75: {  	_ =	shalt  }
0x76: {  	_ =	shalt  }
0x77: {  	_ =	shalt  }
0x78: {  	_ =	shalt  }
0x79: {  	_ =	shalt  }
0x7a: {  	_ =	shalt  }
0x7b: {  	_ =	shalt  }
0x7c: {  	_ =	shalt  }
0x7d: {  	_ =	shalt  }
0x7e: {  	_ =	shalt  }
0x7f: {  	_ =	shalt  }
0x80: {  	_ =	shalt  }
0x81: {  	_ =	shalt  }
0x82: {  	_ =	shalt  }
0x83: {  	_ =	shalt  }
0x84: {  	_ =	shalt  }
0x85: {  	_ =	shalt  }
0x86: {  	_ =	shalt  }
0x87: {  	_ =	shalt  }
.Lfunc_end0:
.L_simem_size_0:
called_computation.5_lowered:
.L_overlay_start_0:
0x88: {  	s2 =	sld [smem:$0x3FD9]  }
0x89: {  	s3 =	sld [smem:$0x3FFE];
	_ =	sdelay $0x1  }
0x8a: {  	s1 =	srdreg.scid  }
0x8b: {  	s0 =	sand.u32 $0x1, s1  }
0x8c: {  	s16 =	sshll.u32 s0, $0xA;
	s2 =	sadd.s32 s3, s2  }
0x8d: {  	s2 =	sadd.s32 s2, s16  }
0x8e: {  	[smem:$0x3FBF] =	sst s2  }
0x8f: {  	_ = 	snop  }
0x90: {  	(tm) =	ssettm $0x1  }
0x91: {  	s17 =	sld [smem:$0x3FFB];
	_ =	sdelay $0x3  }
0x92: {  	_ =	strace s17  }
0x93: {  	s2 =	sld [smem:$0x3FFC];
	_ =	sdelay $0x3  }
0x94: {  	_ =	strace s2  }
0x95: {  	s2 =	sld [smem:$0x3FFD];
	_ =	sdelay $0x3  }
0x96: {  	_ =	strace s2  }
0x97: {  	_ =	strace $0x8FFFFFFF  }
0x98: {  	s18 =	sld [smem:$0x3FDB];
	_ =	sdelay $0x1  }
0x99: {  	s19 =	simm.s32 $_scs_section_size  }
0x9a: {  	s4 =	simm.s32 $_size__tile_overlayer_lowered;
	s5 =	simm.s32 $_tile_overlayer_lowered  }
0x9b: {  	s22 =	simm.s32 $0x1BFF;
	s21 =	sshll.u32 s5, $0x1;
	s2 =	sadd.s32 s19, s18  }
0x9c: {  	s6 =	simm.s32 $0x0;
	s20 =	sshll.u32 s4, $0x1;
	s4 =	sadd.s32 s21, s2  }
0x9d: {  	[timem:s6], [sflag:s22] =	dma.local [hbm:s4], s20  }
0x9e: {  	_ =	swait.ge [sflag:s22], s20  }
0x9f: {  	s3 =	ssub.s32 $0x0, s20;
	[sflag:s22] =	ssyncset.done $0x0  }
0xa0: {  	[sflag:s22] =	ssyncadd.s32 s3;
	_ =	sdelay $0x1  }
0xa1: {  	s23 =	simm.s32 $0x1B8B  }
0xa2: {  	_ =	swait.ge [sflag:s23], $0x1  }
0xa3: {  	[sflag:s23] =	ssyncset.done $0x0  }
0xa4: {  	s25 =	simm.s32 $0x1B8E;
	s24 =	sld [smem:$0x3FFE];
	[sflag:s23] =	ssyncadd.s32 $0xFFFFFFFF  }
0xa5: {  	s26 =	simm.s32 $execute0_lowered;
	[smem:$0x3FD2] =	sst s25  }
0xa6: {  	s4 =	sshll.u32 s26, $0x1;
	_ =	strace $0x80000055;
	[dreg:$0x1] =	wrdreg $0xFFFFFFFF  }
0xa7: {  	s28 =	simm.s32 $_size_execute0_lowered;
	s2 =	sadd.s32 s2, s4;
	[dreg:$0x0] =	wrdreg $0x0  }
0xa8: {  	s4 =	sshll.u32 s28, $0x1;
	[dreg:$0x2] =	wrdreg s2  }
0xa9: {  	[dreg:$0x3] =	wrdreg s4  }
0xaa: {  	[dreg:$0x4] =	wrdreg $0xC0  }
0xab: {  	_ =	task [dreg:s6], $0x5FFFF  }
0xac: {  	[dreg:$0x1] =	wrdreg $0xFFFFFFFF  }
0xad: {  	[dreg:$0x0] =	wrdreg $0x60  }
0xae: {  	[dreg:$0x2] =	wrdreg s24  }
0xaf: {  	[dreg:$0x3] =	wrdreg $0xA8000  }
0xb0: {  	[dreg:$0x4] =	wrdreg $0x9  }
0xb1: {  	_ =	task.clear_ibuf [dreg:s6], $0x5FFFF;
	_ =	strace $0x90000055  }
0xb2: {  	s29 =	simm.s32 $0x9;
	_ =	strace $0x80000057  }
0xb3: {  	_ =	swait.ge [sflag:s29], $0x1  }
0xb4: {  	[sflag:s29] =	ssyncadd.s32 $0xFFFFFFFF  }
0xb5: {  	_ =	strace $0x90000057  }
0xb6: {  	_ =	sfence  }
0xb7: {  	s30 =	sld [smem:$0x0];
	_ =	sdelay $0x2  }
0xb8: {  	s31 =	sshll.u32 s1, $0xD;
	s1 =	sshrl.u32 s1, $0x2  }
0xb9: {  	s3 =	sand.u32 $0x4000, s31;
	s1 =	sadd.s32 s1, s30  }
0xba: {  	s0 =	sor.u32 s3, s0;
	s1 =	sshll.u32 s1, $0x11  }
0xbb: {  	s0 =	sor.u32 s1, s0  }
0xbc: {  	s0 =	sadd.s32 $0x8F2B, s0  }
0xbd: {  	[sflag:s0] =	ssyncadd.remote.s32 $0x1  }
0xbe: {  	_ =	sfence.sel $0xFFFF  }
0xbf: {  	[dreg:$0x0] =	wrdreg $0xFFFFFFFF;
	(pc) =	sbr.abs _section_cstart, $3  }
0xc0: {  	[dreg:$0x1] =	wrdreg $0xFFFFFFFF  }
0xc1: {  	_ =	task.clear_ibuf [dreg:s6], $0x2FFFF;
	_ =	strace $0x9FFFFFFF  }
0xc2: {  	(tm) =	ssettm $0x7FFFFFFF  }
0xc3: {  	_ =	shalt  }
tec
execute0_lowered:
.L_overlay_start_1:
0x0: {  	(tag) =	ssettag $0x1  }
0x1: {  	s0 =	srdreg.scid;
	s6 =	rddreg [dreg:$0x0]  }
0x2: {  	s2 =	rddreg [dreg:$0x1];
	s3 =	simm.s32 $0x0;
	s14 =	simm.s32 $0x80  }
0x3: {  	s15 =	simm.s32 $0x2800;
	s16 =	simm.s32 $0x1;
	s17 =	simm.s32 $0x6800  }
0x4: {  	s18 =	simm.s32 $0x2;
	s19 =	simm.s32 $0x1380;
	s20 =	simm.s32 $0x2700  }
0x5: {  	s21 =	simm.s32 $0x2780;
	s5 =	sand.u32 $0x1, s0;
	s0 =	stileid.u32  }
0x6: {  	s22 =	simm.s32 $0x0;
	[smem:$0x7FF] =	sst s3;
	s7 =	smul.u32 $0x140000, s5  }
0x7: {  	s1 =	sshll.u32 s5, $0x4;
	s8 =	smul.u32 $0x14000, s0;
	s28 =	ssub.s32 $0x2, s5  }
0x8: {  	s10 =	smul.u32 $0x50000, s0;
	s5 =	sadd.s32 $0x5600, s6;
	s1 =	sor.u32 s0, s1  }
0x9: {  	s31 =	sshll.u32 s0, $0x6;
	s29 =	sshrl.u32 s28, $0x1;
	s4 =	smul.u32 $0x280, s1  }
0xa: {  	s1 =	rddreg [dreg:$0x2];
	_ =	strace $0x80000056;
	s7 =	sadd.s32 s8, s7  }
0xb: {  	s12 =	ssub.s32 s28, s29;
	s30 =	sshrl.u32 s10, $0x2;
	s10 =	simm.s32 $0x3  }
0xc: {  	s7 =	sshrl.u32 s7, $0x3;
	s13 =	sadd.s32 s30, s2;
	s9 =	sadd.s32 s4, s6  }
0xd: {  	s4 =	sadd.s32 $0xEBC00, s6;
	s11 =	sadd.s32 s7, s6;
	s13 =	sshrl.u32 s13, $0x3  }
0xe: {  	s6 =	sadd.s32 $0x14600, s9;
	s7 =	sadd.s32 $0xBEC00, s9;
	s8 =	sadd.s32 $0x113C00, s11  }
0xf: {  	s9 =	smax.u32 s12, $0x1;
	s11 =	simm.s32 $0x1400;
	s12 =	sor.u32 $0x1C03, s31  }
.LBB2_1:
0x10: {  	[tilespmem:s3], [sflag:$0x3] =	stream.linear.gather [hbm4b:s6+s3], $0x1400, $0x38;
	[tilespmem:$0x1E800] =	vst v63  }
0x11: {  	_ =	swait.ge [sflag:s10], $0x1400  }
0x12: {  	[sflag:s10] =	ssyncset.done $0x0  }
0x13: {  	[sflag:s10] =	ssyncadd.s32 $0xFFFFEC00  }
0x14: {  	[tilespmem:s11], [sflag:$0x3] =	stream.linear.gather [hbm4b:s7+s3], $0x1400, $0x38;
	[tilespmem:$0x1E800] =	vst v63  }
0x15: {  	_ =	swait.ge [sflag:s10], $0x1400  }
0x16: {  	[sflag:s10] =	ssyncset.done $0x0  }
0x17: {  	[sflag:s10] =	ssyncadd.s32 $0xFFFFEC00  }
0x18: {  	[spmem:s13], [sflag:s12] =	dma.local [hbm:s5], $0x2800  }
0x19: {  	_ =	swait.ge [sflag:s10], $0x2800  }
0x1a: {  	[sflag:s10] =	ssyncset.done $0x0  }
0x1b: {  	[sflag:s10] =	ssyncadd.s32 $0xFFFFD800  }
0x1c: {  	[tilespmem:s15], [sflag:$0x1] =	stream.indirect.gather [hbm4b:s4+s14], $0x80, s3, s14, $0xb8;
	[tilespmem:$0x1E800] =	vst v63  }
0x1d: {  	[bflag:$0x0] =	sbarrier.arrive $0xFFFF  }
0x1e: {  	_ =	swait.ge [sflag:s16], $0x4000  }
0x1f: {  	[sflag:s16] =	ssyncset.done $0x0  }
0x20: {  	s23 =	simm.s32 $0x80;
	[sflag:s16] =	ssyncadd.s32 $0xFFFFC000  }
0x21: {  	[tilespmem:s17], [sflag:$0x2] =	stream.indirect.gather [hbm4b:s4+s14], $0x80, s23, s14, $0xb8;
	[tilespmem:$0x1E800] =	vst v63  }
0x22: {  	s29 =	simm.s32 $0x1400  }
0x23: {  	[spmem:s2] =	stream.indirect.scatter.add.f32 [tilespmem:s15], [sflag:$0x3], $0x80, s29, s14, $0xb8;
	[tilespmem:$0x1E800] =	vst v63  }
0x24: {  	_ =	swait.ge [sflag:s10], $0x4000  }
0x25: {  	[sflag:s10] =	ssyncset.done $0x0  }
0x26: {  	[sflag:s10] =	ssyncadd.s32 $0xFFFFC000  }
0x27: {  	_ =	swait.ge [sflag:s18], $0x4000  }
0x28: {  	[sflag:s18] =	ssyncset.done $0x0  }
0x29: {  	s30 =	simm.s32 $0x100;
	[sflag:s18] =	ssyncadd.s32 $0xFFFFC000  }
0x2a: {  	[tilespmem:s15], [sflag:$0x1] =	stream.indirect.gather [hbm4b:s4+s14], $0x80, s30, s14, $0xb8;
	[tilespmem:$0x1E800] =	vst v63  }
0x2b: {  	s31 =	simm.s32 $0x1480  }
0x2c: {  	[spmem:s2] =	stream.indirect.scatter.add.f32 [tilespmem:s17], [sflag:$0x3], $0x80, s31, s14, $0xb8;
	[tilespmem:$0x1E800] =	vst v63  }
0x2d: {  	_ =	swait.ge [sflag:s10], $0x4000  }
0x2e: {  	s23 =	simm.s32 $0x400;
	[sflag:s10] =	ssyncset.done $0x0  }
.LBB2_2:
0x2f: {  	p0 =	sne.s32 s23, $0x4800  }
0x30: {  	[sflag:s10] =	ssyncadd.s32 $0xFFFFC000;
	s24 =	smov.u32 s23;
	s23 =	sadd.s32 $0x400, s23  }
0x31: {  	_ = 	snop  }
0x32: {  	_ =	swait.ge [sflag:s16], $0x4000  }
0x33: {  	s24 =	sshra.s32 s24, $0x2;
	[sflag:s16] =	ssyncset.done $0x0  }
0x34: {  	s25 =	sadd.s32 $0x80, s24;
	[sflag:s16] =	ssyncadd.s32 $0xFFFFC000  }
0x35: {  	[tilespmem:s17], [sflag:$0x2] =	stream.indirect.gather [hbm4b:s4+s14], $0x80, s25, s14, $0xb8;
	[tilespmem:$0x1E800] =	vst v63  }
0x36: {  	s25 =	sadd.s32 $0x1400, s24  }
0x37: {  	[spmem:s2] =	stream.indirect.scatter.add.f32 [tilespmem:s15], [sflag:$0x3], $0x80, s25, s14, $0xb8;
	[tilespmem:$0x1E800] =	vst v63  }
0x38: {  	_ =	swait.ge [sflag:s10], $0x4000  }
0x39: {  	[sflag:s10] =	ssyncset.done $0x0  }
0x3a: {  	[sflag:s10] =	ssyncadd.s32 $0xFFFFC000  }
0x3b: {  	_ =	swait.ge [sflag:s18], $0x4000  }
0x3c: {  	[sflag:s18] =	ssyncset.done $0x0  }
0x3d: {  	s25 =	sadd.s32 $0x100, s24;
	[sflag:s18] =	ssyncadd.s32 $0xFFFFC000  }
0x3e: {  	[tilespmem:s15], [sflag:$0x1] =	stream.indirect.gather [hbm4b:s4+s14], $0x80, s25, s14, $0xb8;
	[tilespmem:$0x1E800] =	vst v63  }
.Ltmp0:
0x3f: {  	_ = 	snop;
	(pc) =	sbr.rel @p0 .LBB2_2-.Ltmp0, $4  }
0x40: {  	s24 =	sadd.s32 $0x1480, s24  }
0x41: {  	[spmem:s2] =	stream.indirect.scatter.add.f32 [tilespmem:s17], [sflag:$0x3], $0x80, s24, s14, $0xb8;
	[tilespmem:$0x1E800] =	vst v63  }
0x42: {  	_ =	swait.ge [sflag:s10], $0x4000  }
0x43: {  	[sflag:s10] =	ssyncset.done $0x0  }
0x44: {  	[sflag:s10] =	ssyncadd.s32 $0xFFFFC000  }
0x45: {  	_ =	swait.ge [sflag:s16], $0x4000  }
0x46: {  	[sflag:s16] =	ssyncset.done $0x0  }
0x47: {  	[sflag:s16] =	ssyncadd.s32 $0xFFFFC000  }
0x48: {  	[tilespmem:s17], [sflag:$0x2] =	stream.indirect.gather [hbm4b:s4+s14], $0x80, s19, s14, $0xb8;
	[tilespmem:$0x1E800] =	vst v63  }
0x49: {  	_ = 	snop  }
0x4a: {  	[spmem:s2] =	stream.indirect.scatter.add.f32 [tilespmem:s15], [sflag:$0x3], $0x80, s20, s14, $0xb8;
	[tilespmem:$0x1E800] =	vst v63  }
0x4b: {  	_ =	swait.ge [sflag:s10], $0x4000  }
0x4c: {  	[sflag:s10] =	ssyncset.done $0x0  }
0x4d: {  	[sflag:s10] =	ssyncadd.s32 $0xFFFFC000  }
0x4e: {  	_ =	swait.ge [sflag:s18], $0x4000  }
0x4f: {  	[sflag:s18] =	ssyncset.done $0x0  }
0x50: {  	[sflag:s18] =	ssyncadd.s32 $0xFFFFC000  }
0x51: {  	[spmem:s2] =	stream.indirect.scatter.add.f32 [tilespmem:s17], [sflag:$0x3], $0x80, s21, s14, $0xb8;
	[tilespmem:$0x1E800] =	vst v63  }
0x52: {  	_ =	swait.ge [sflag:s10], $0x4000  }
0x53: {  	s22 =	sadd.s32 $0x1, s22;
	[sflag:s10] =	ssyncset.done $0x0  }
0x54: {  	p0 =	sne.s32 s22, s9;
	[sflag:s10] =	ssyncadd.s32 $0xFFFFC000  }
.Ltmp1:
0x55: {  	[bflag:$0x0] =	sbarrier.arrive $0xFFFF;
	(pc) =	sbr.rel @p0 .LBB2_1-.Ltmp1, $4  }
0x56: {  	[hbm:s8], [sflag:s12] =	dma.local [spmem:s13], $0x2800  }
0x57: {  	_ =	swait.ge [sflag:s10], $0x2800  }
0x58: {  	[sflag:s10] =	ssyncset.done $0x0  }
0x59: {  	[sflag:s10] =	ssyncadd.s32 $0xFFFFD800  }
0x5a: {  	_ =	sfence.sel $0x180000  }
0x5b: {  	[bflag:$0x0] =	sbarrier.arrive $0xFFFF  }
0x5c: {  	p0 =	sne.s32 s0, $0x0;
	_ =	strace $0x90000056  }
0x5d: {  	s0 =	sadd.s32 @!p0 $0x100000, s1;
	[bflag:$0x2] =	sbarrier.arrive $0xFFFF  }
0x5e: {  	[sflag:s0] =	ssyncadd.tile.s32 @!p0 $0x1;
	_ =	shalt  }
.Lfunc_end2:
_tile_overlayer_lowered:
.L_overlay_start_2:
0x5f: {  	(tag) =	ssettag $0x2  }
0x60: {  	s0 =	rddreg [dreg:$0x0];
	s2 =	stileid.u32  }
0x61: {  	s1 =	rddreg [dreg:$0x1];
	p0 =	sne.s32 s2, $0x0  }
0x62: {  	s3 =	rddreg [dreg:$0x2];
	[bflag:$0x3] =	sbarrier.arrive $0xFFFF;
	s2 =	simm.s32 @!p0 $0x1C03  }
0x63: {  	[timem:s3], [sflag:s2] =	dma.local @!p0 [hbm:s0], s1  }
0x64: {  	s0 =	simm.s32 @!p0 $0x3  }
0x65: {  	_ =	swait.ge @!p0 [sflag:s0], s1  }
0x66: {  	s1 =	ssub.s32 @!p0 $0x0, s1;
	[sflag:s0] =	ssyncset.done @!p0 $0x0  }
0x67: {  	[sflag:s0] =	ssyncadd.s32 @!p0 s1  }
0x68: {  	[bflag:$0x3] =	sbarrier.arrive $0xFFFF  }
0x69: {  	_ =	shalt  }

// kernel: kernel.35.cloned.1.call-start
scs
__scs_entry_jumppad:
0x0: {  	(pc) =	sbr.rel $0x88, $3  }
0x1: {  	(tag) =	ssettag $0x0;
	lr =	simm.s32 $0x1  }
0x2: {  	[smem:$0x3F98] =	sst lr;
	_ =	strace $0xD0000000  }
0x3: {  	_ = 	snop  }
0x4: {  	_ = 	snop  }
0x5: {  	_ = 	snop  }
0x6: {  	_ = 	snop  }
0x7: {  	_ = 	snop  }
__scs_overlays_trampoline_lowered:
0x8: {  	[smem:$0x3FA7] =	sst s0  }
0x9: {  	[smem:$0x3FA8] =	sst s1  }
0xa: {  	[smem:$0x3FA9] =	sst s2  }
0xb: {  	[smem:$0x3FAA] =	sst s3  }
0xc: {  	[smem:$0x3FAB] =	sst s4  }
0xd: {  	[smem:$0x3FAC] =	sst s5  }
0xe: {  	[smem:$0x3FAD] =	sst s6  }
0xf: {  	[smem:$0x3FAE] =	sst s7  }
0x10: {  	[smem:$0x3FAF] =	sst s8  }
0x11: {  	[smem:$0x3FB0] =	sst s9;
	s0 =	simm.s32 @!p0 $0x0  }
0x12: {  	s1 =	sld [smem:$0x3F96];
	s0 =	simm.s32 @p0 $0x1  }
0x13: {  	[smem:$0x3FB1] =	sst s0;
	s0 =	simm.s32 @!p1 $0x0  }
0x14: {  	s2 =	sld [smem:$0x3F95];
	s0 =	simm.s32 @p1 $0x1  }
0x15: {  	[smem:$0x3FB2] =	sst s0;
	s0 =	simm.s32 @!p2 $0x0  }
0x16: {  	s3 =	sld [smem:$0x3FDB];
	s0 =	simm.s32 @p2 $0x1  }
0x17: {  	s4 =	simm.s32 $0x1BF5;
	[smem:$0x3FB4] =	sst s0  }
0x18: {  	s0 =	sld [smem:$0x3F97];
	_ =	swait.ge [sflag:s4], $0x0  }
0x19: {  	s7 =	sld [smem:$0x3F98]  }
0x1a: {  	s8 =	sadd.s32 $0xFFFFE003, lr  }
0x1b: {  	s9 =	sadd.s32 $0xFFFFFEF7, lr;
	s5 =	simm.s32 $0xFFFFFFFF;
	p2 =	slt.u32 s8, $0xFFFFF086  }
0x1c: {  	p1 =	slt.u32 s9, $0xF7A;
	s5 =	simm.s32 @!p2 $0x0  }
0x1d: {  	s5 =	simm.s32 @p1 $0x1;
	p0 =	seq.s32 s7, s2  }
0x1e: {  	s7 =	smul.u32 @!p0 $0xF7A, s2;
	p2 =	seq.s32 @!p0 s5, $0x0  }
0x1f: {  	s9 =	smul.u32 $0xF7A, s1;
	s8 =	simm.s32 @!p0 $0x1BF5;
	p2 =	por !p2, p0  }
0x20: {  	[sflag:s8] =	ssyncset.s32 @!p0 $0xFFFFF086;
	s6 =	sadd.s32 @!p0 s3, s7;
	s7 =	simm.s32 @!p0 $0x108  }
0x21: {  	s3 =	sadd.s32 s3, s9;
	s6 =	sadd.s32 @!p0 $0x88, s6;
	s7 =	simm.s32 @p2 $0x1082  }
0x22: {  	[simem:s7], [sflag:s8] =	dma.local @!p0 [hbm:s6], $0xF7A  }
0x23: {  	s9 =	sor.u32 $0xD0000000, s2;
	s6 =	simm.s32 $0x108;
	_ =	swait.ge @!p0 [sflag:s8], $0x0  }
0x24: {  	s3 =	sadd.s32 $0x88, s3;
	s6 =	simm.s32 @!p1 $0x1082;
	[sflag:s4] =	ssyncset.s32 $0xFFFFF086  }
0x25: {  	[simem:s6], [sflag:s4] =	dma.local [hbm:s3], $0xF7A  }
0x26: {  	[smem:$0x3F98] =	sst s1;
	(tag) =	ssettag s2;
	_ =	strace s9  }
0x27: {  	s1 =	sld [smem:$0x3FA8]  }
0x28: {  	s2 =	sld [smem:$0x3FA9]  }
0x29: {  	s4 =	sld [smem:$0x3FAB]  }
0x2a: {  	p0 =	seq.s32 s5, $0x0;
	s5 =	sld [smem:$0x3FAC]  }
0x2b: {  	s6 =	sld [smem:$0x3FAD]  }
0x2c: {  	s7 =	sld [smem:$0x3FAE]  }
0x2d: {  	s3 =	simm.s32 $0x108;
	s8 =	sld [smem:$0x3FAF]  }
0x2e: {  	s3 =	simm.s32 @!p0 $0x1082;
	s9 =	sld [smem:$0x3FB0]  }
0x2f: {  	lr =	sadd.s32 s0, s3;
	s0 =	sld [smem:$0x3FA7]  }
0x30: {  	s3 =	sld [smem:$0x3FAA]  }
0x31: {  	[smem:$0x3FB3] =	sst s10  }
0x32: {  	s10 =	sld [smem:$0x3FB1];
	_ =	sdelay $0x3  }
0x33: {  	p0 =	seq.s32 s10, $0x1;
	s10 =	sld [smem:$0x3FB3];
	_ =	sdelay $0x3  }
0x34: {  	[smem:$0x3FB3] =	sst s10  }
0x35: {  	s10 =	sld [smem:$0x3FB2];
	_ =	sdelay $0x3  }
0x36: {  	p1 =	seq.s32 s10, $0x1;
	s10 =	sld [smem:$0x3FB3];
	_ =	sdelay $0x3  }
0x37: {  	[smem:$0x3FB3] =	sst s10  }
0x38: {  	s10 =	sld [smem:$0x3FB4]  }
0x39: {  	_ = 	snop;
	(pc) =	sbr.ind lr, $3  }
0x3a: {  	_ = 	snop  }
0x3b: {  	_ = 	snop  }
0x3c: {  	p2 =	seq.s32 s10, $0x1;
	s10 =	sld [smem:$0x3FB3]  }
0x3d: {  	_ =	shalt  }
0x3e: {  	_ =	shalt  }
0x3f: {  	_ =	shalt  }
0x40: {  	_ =	shalt  }
0x41: {  	_ =	shalt  }
0x42: {  	_ =	shalt  }
0x43: {  	_ =	shalt  }
0x44: {  	_ =	shalt  }
0x45: {  	_ =	shalt  }
0x46: {  	_ =	shalt  }
0x47: {  	_ =	shalt  }
0x48: {  	_ =	shalt  }
0x49: {  	_ =	shalt  }
0x4a: {  	_ =	shalt  }
0x4b: {  	_ =	shalt  }
0x4c: {  	_ =	shalt  }
0x4d: {  	_ =	shalt  }
0x4e: {  	_ =	shalt  }
0x4f: {  	_ =	shalt  }
0x50: {  	_ =	shalt  }
0x51: {  	_ =	shalt  }
0x52: {  	_ =	shalt  }
0x53: {  	_ =	shalt  }
0x54: {  	_ =	shalt  }
0x55: {  	_ =	shalt  }
0x56: {  	_ =	shalt  }
0x57: {  	_ =	shalt  }
0x58: {  	_ =	shalt  }
0x59: {  	_ =	shalt  }
0x5a: {  	_ =	shalt  }
0x5b: {  	_ =	shalt  }
0x5c: {  	_ =	shalt  }
0x5d: {  	_ =	shalt  }
0x5e: {  	_ =	shalt  }
0x5f: {  	_ =	shalt  }
0x60: {  	_ =	shalt  }
0x61: {  	_ =	shalt  }
0x62: {  	_ =	shalt  }
0x63: {  	_ =	shalt  }
0x64: {  	_ =	shalt  }
0x65: {  	_ =	shalt  }
0x66: {  	_ =	shalt  }
0x67: {  	_ =	shalt  }
0x68: {  	_ =	shalt  }
0x69: {  	_ =	shalt  }
0x6a: {  	_ =	shalt  }
0x6b: {  	_ =	shalt  }
0x6c: {  	_ =	shalt  }
0x6d: {  	_ =	shalt  }
0x6e: {  	_ =	shalt  }
0x6f: {  	_ =	shalt  }
0x70: {  	_ =	shalt  }
0x71: {  	_ =	shalt  }
0x72: {  	_ =	shalt  }
0x73: {  	_ =	shalt  }
0x74: {  	_ =	shalt  }
0x75: {  	_ =	shalt  }
0x76: {  	_ =	shalt  }
0x77: {  	_ =	shalt  }
0x78: {  	_ =	shalt  }
0x79: {  	_ =	shalt  }
0x7a: {  	_ =	shalt  }
0x7b: {  	_ =	shalt  }
0x7c: {  	_ =	shalt  }
0x7d: {  	_ =	shalt  }
0x7e: {  	_ =	shalt  }
0x7f: {  	_ =	shalt  }
0x80: {  	_ =	shalt  }
0x81: {  	_ =	shalt  }
0x82: {  	_ =	shalt  }
0x83: {  	_ =	shalt  }
0x84: {  	_ =	shalt  }
0x85: {  	_ =	shalt  }
0x86: {  	_ =	shalt  }
0x87: {  	_ =	shalt  }
.Lfunc_end0:
.L_simem_size_0:
called_computation.6_lowered:
.L_overlay_start_0:
0x88: {  	s2 =	sld [smem:$0x3FD9]  }
0x89: {  	s3 =	sld [smem:$0x3FFE];
	_ =	sdelay $0x1  }
0x8a: {  	s1 =	srdreg.scid  }
0x8b: {  	s0 =	sand.u32 $0x1, s1  }
0x8c: {  	s16 =	sshll.u32 s0, $0xA;
	s2 =	sadd.s32 s3, s2  }
0x8d: {  	s2 =	sadd.s32 s2, s16  }
0x8e: {  	[smem:$0x3FBF] =	sst s2  }
0x8f: {  	_ = 	snop  }
0x90: {  	(tm) =	ssettm $0x1  }
0x91: {  	s17 =	sld [smem:$0x3FFB];
	_ =	sdelay $0x3  }
0x92: {  	_ =	strace s17  }
0x93: {  	s2 =	sld [smem:$0x3FFC];
	_ =	sdelay $0x3  }
0x94: {  	_ =	strace s2  }
0x95: {  	s2 =	sld [smem:$0x3FFD];
	_ =	sdelay $0x3  }
0x96: {  	_ =	strace s2  }
0x97: {  	_ =	strace $0x8FFFFFFF  }
0x98: {  	s18 =	sld [smem:$0x3FDB];
	_ =	sdelay $0x1  }
0x99: {  	s19 =	simm.s32 $_scs_section_size  }
0x9a: {  	s4 =	simm.s32 $_size__tile_overlayer_lowered;
	s5 =	simm.s32 $_tile_overlayer_lowered  }
0x9b: {  	s22 =	simm.s32 $0x1BFF;
	s21 =	sshll.u32 s5, $0x1;
	s2 =	sadd.s32 s19, s18  }
0x9c: {  	s6 =	simm.s32 $0x0;
	s20 =	sshll.u32 s4, $0x1;
	s4 =	sadd.s32 s21, s2  }
0x9d: {  	[timem:s6], [sflag:s22] =	dma.local [hbm:s4], s20  }
0x9e: {  	_ =	swait.ge [sflag:s22], s20  }
0x9f: {  	s3 =	ssub.s32 $0x0, s20;
	[sflag:s22] =	ssyncset.done $0x0  }
0xa0: {  	[sflag:s22] =	ssyncadd.s32 s3;
	_ =	sdelay $0x1  }
0xa1: {  	s23 =	simm.s32 $0x1B8B  }
0xa2: {  	_ =	swait.ge [sflag:s23], $0x1  }
0xa3: {  	[sflag:s23] =	ssyncset.done $0x0  }
0xa4: {  	s25 =	simm.s32 $0x1B8E;
	s24 =	sld [smem:$0x3FFE];
	[sflag:s23] =	ssyncadd.s32 $0xFFFFFFFF  }
0xa5: {  	s26 =	simm.s32 $execute0_lowered;
	[smem:$0x3FD2] =	sst s25  }
0xa6: {  	s4 =	sshll.u32 s26, $0x1;
	_ =	strace $0x80000058;
	[dreg:$0x1] =	wrdreg $0xFFFFFFFF  }
0xa7: {  	s28 =	simm.s32 $_size_execute0_lowered;
	s2 =	sadd.s32 s2, s4;
	[dreg:$0x0] =	wrdreg $0x0  }
0xa8: {  	s4 =	sshll.u32 s28, $0x1;
	[dreg:$0x2] =	wrdreg s2  }
0xa9: {  	[dreg:$0x3] =	wrdreg s4  }
0xaa: {  	[dreg:$0x4] =	wrdreg $0xC0  }
0xab: {  	_ =	task [dreg:s6], $0x5FFFF  }
0xac: {  	[dreg:$0x1] =	wrdreg $0xFFFFFFFF  }
0xad: {  	[dreg:$0x0] =	wrdreg $0x60  }
0xae: {  	[dreg:$0x2] =	wrdreg s24  }
0xaf: {  	[dreg:$0x3] =	wrdreg $0xA8000  }
0xb0: {  	[dreg:$0x4] =	wrdreg $0x9  }
0xb1: {  	_ =	task.clear_ibuf [dreg:s6], $0x5FFFF;
	_ =	strace $0x90000058  }
0xb2: {  	s29 =	simm.s32 $0x9;
	_ =	strace $0x8000005A  }
0xb3: {  	_ =	swait.ge [sflag:s29], $0x1  }
0xb4: {  	[sflag:s29] =	ssyncadd.s32 $0xFFFFFFFF  }
0xb5: {  	_ =	strace $0x9000005A  }
0xb6: {  	_ =	sfence  }
0xb7: {  	s30 =	sld [smem:$0x0];
	_ =	sdelay $0x2  }
0xb8: {  	s31 =	sshll.u32 s1, $0xD;
	s1 =	sshrl.u32 s1, $0x2  }
0xb9: {  	s3 =	sand.u32 $0x4000, s31;
	s1 =	sadd.s32 s1, s30  }
0xba: {  	s0 =	sor.u32 s3, s0;
	s1 =	sshll.u32 s1, $0x11  }
0xbb: {  	s0 =	sor.u32 s1, s0  }
0xbc: {  	s0 =	sadd.s32 $0x8F2B, s0  }
0xbd: {  	[sflag:s0] =	ssyncadd.remote.s32 $0x1  }
0xbe: {  	_ =	sfence.sel $0xFFFF  }
0xbf: {  	[dreg:$0x0] =	wrdreg $0xFFFFFFFF;
	(pc) =	sbr.abs _section_cstart, $3  }
0xc0: {  	[dreg:$0x1] =	wrdreg $0xFFFFFFFF  }
0xc1: {  	_ =	task.clear_ibuf [dreg:s6], $0x2FFFF;
	_ =	strace $0x9FFFFFFF  }
0xc2: {  	(tm) =	ssettm $0x7FFFFFFF  }
0xc3: {  	_ =	shalt  }
tec
execute0_lowered:
.L_overlay_start_1:
0x0: {  	(tag) =	ssettag $0x1  }
0x1: {  	s0 =	srdreg.scid;
	s6 =	rddreg [dreg:$0x0]  }
0x2: {  	s2 =	rddreg [dreg:$0x1];
	s3 =	simm.s32 $0x0;
	s14 =	simm.s32 $0x80  }
0x3: {  	s15 =	simm.s32 $0x2800;
	s16 =	simm.s32 $0x1;
	s17 =	simm.s32 $0x6800  }
0x4: {  	s18 =	simm.s32 $0x2;
	s19 =	simm.s32 $0x1380;
	s20 =	simm.s32 $0x2700  }
0x5: {  	s21 =	simm.s32 $0x2780;
	s5 =	sand.u32 $0x1, s0;
	s0 =	stileid.u32  }
0x6: {  	s22 =	simm.s32 $0x0;
	[smem:$0x7FF] =	sst s3;
	s7 =	smul.u32 $0x140000, s5  }
0x7: {  	s1 =	sshll.u32 s5, $0x4;
	s8 =	smul.u32 $0x14000, s0;
	s28 =	ssub.s32 $0x2, s5  }
0x8: {  	s10 =	smul.u32 $0x50000, s0;
	s5 =	sadd.s32 $0x5600, s6;
	s1 =	sor.u32 s0, s1  }
0x9: {  	s31 =	sshll.u32 s0, $0x6;
	s29 =	sshrl.u32 s28, $0x1;
	s4 =	smul.u32 $0x280, s1  }
0xa: {  	s1 =	rddreg [dreg:$0x2];
	_ =	strace $0x80000059;
	s7 =	sadd.s32 s8, s7  }
0xb: {  	s12 =	ssub.s32 s28, s29;
	s30 =	sshrl.u32 s10, $0x2;
	s10 =	simm.s32 $0x3  }
0xc: {  	s7 =	sshrl.u32 s7, $0x3;
	s13 =	sadd.s32 s30, s2;
	s9 =	sadd.s32 s4, s6  }
0xd: {  	s4 =	sadd.s32 $0x19600, s6;
	s11 =	sadd.s32 s7, s6;
	s13 =	sshrl.u32 s13, $0x3  }
0xe: {  	s6 =	sadd.s32 $0x14600, s9;
	s7 =	sadd.s32 $0xF600, s9;
	s8 =	sadd.s32 $0x69C00, s11  }
0xf: {  	s9 =	smax.u32 s12, $0x1;
	s11 =	simm.s32 $0x1400;
	s12 =	sor.u32 $0x1C03, s31  }
.LBB2_1:
0x10: {  	[tilespmem:s3], [sflag:$0x3] =	stream.linear.gather [hbm4b:s6+s3], $0x1400, $0x38;
	[tilespmem:$0x1E800] =	vst v63  }
0x11: {  	_ =	swait.ge [sflag:s10], $0x1400  }
0x12: {  	[sflag:s10] =	ssyncset.done $0x0  }
0x13: {  	[sflag:s10] =	ssyncadd.s32 $0xFFFFEC00  }
0x14: {  	[tilespmem:s11], [sflag:$0x3] =	stream.linear.gather [hbm4b:s7+s3], $0x1400, $0x38;
	[tilespmem:$0x1E800] =	vst v63  }
0x15: {  	_ =	swait.ge [sflag:s10], $0x1400  }
0x16: {  	[sflag:s10] =	ssyncset.done $0x0  }
0x17: {  	[sflag:s10] =	ssyncadd.s32 $0xFFFFEC00  }
0x18: {  	[spmem:s13], [sflag:s12] =	dma.local [hbm:s5], $0x2800  }
0x19: {  	_ =	swait.ge [sflag:s10], $0x2800  }
0x1a: {  	[sflag:s10] =	ssyncset.done $0x0  }
0x1b: {  	[sflag:s10] =	ssyncadd.s32 $0xFFFFD800  }
0x1c: {  	[tilespmem:s15], [sflag:$0x1] =	stream.indirect.gather [hbm4b:s4+s14], $0x80, s3, s14, $0xb8;
	[tilespmem:$0x1E800] =	vst v63  }
0x1d: {  	[bflag:$0x0] =	sbarrier.arrive $0xFFFF  }
0x1e: {  	_ =	swait.ge [sflag:s16], $0x4000  }
0x1f: {  	[sflag:s16] =	ssyncset.done $0x0  }
0x20: {  	s23 =	simm.s32 $0x80;
	[sflag:s16] =	ssyncadd.s32 $0xFFFFC000  }
0x21: {  	[tilespmem:s17], [sflag:$0x2] =	stream.indirect.gather [hbm4b:s4+s14], $0x80, s23, s14, $0xb8;
	[tilespmem:$0x1E800] =	vst v63  }
0x22: {  	s29 =	simm.s32 $0x1400  }
0x23: {  	[spmem:s2] =	stream.indirect.scatter.add.f32 [tilespmem:s15], [sflag:$0x3], $0x80, s29, s14, $0xb8;
	[tilespmem:$0x1E800] =	vst v63  }
0x24: {  	_ =	swait.ge [sflag:s10], $0x4000  }
0x25: {  	[sflag:s10] =	ssyncset.done $0x0  }
0x26: {  	[sflag:s10] =	ssyncadd.s32 $0xFFFFC000  }
0x27: {  	_ =	swait.ge [sflag:s18], $0x4000  }
0x28: {  	[sflag:s18] =	ssyncset.done $0x0  }
0x29: {  	s30 =	simm.s32 $0x100;
	[sflag:s18] =	ssyncadd.s32 $0xFFFFC000  }
0x2a: {  	[tilespmem:s15], [sflag:$0x1] =	stream.indirect.gather [hbm4b:s4+s14], $0x80, s30, s14, $0xb8;
	[tilespmem:$0x1E800] =	vst v63  }
0x2b: {  	s31 =	simm.s32 $0x1480  }
0x2c: {  	[spmem:s2] =	stream.indirect.scatter.add.f32 [tilespmem:s17], [sflag:$0x3], $0x80, s31, s14, $0xb8;
	[tilespmem:$0x1E800] =	vst v63  }
0x2d: {  	_ =	swait.ge [sflag:s10], $0x4000  }
0x2e: {  	s23 =	simm.s32 $0x400;
	[sflag:s10] =	ssyncset.done $0x0  }
.LBB2_2:
0x2f: {  	p0 =	sne.s32 s23, $0x4800  }
0x30: {  	[sflag:s10] =	ssyncadd.s32 $0xFFFFC000;
	s24 =	smov.u32 s23;
	s23 =	sadd.s32 $0x400, s23  }
0x31: {  	_ = 	snop  }
0x32: {  	_ =	swait.ge [sflag:s16], $0x4000  }
0x33: {  	s24 =	sshra.s32 s24, $0x2;
	[sflag:s16] =	ssyncset.done $0x0  }
0x34: {  	s25 =	sadd.s32 $0x80, s24;
	[sflag:s16] =	ssyncadd.s32 $0xFFFFC000  }
0x35: {  	[tilespmem:s17], [sflag:$0x2] =	stream.indirect.gather [hbm4b:s4+s14], $0x80, s25, s14, $0xb8;
	[tilespmem:$0x1E800] =	vst v63  }
0x36: {  	s25 =	sadd.s32 $0x1400, s24  }
0x37: {  	[spmem:s2] =	stream.indirect.scatter.add.f32 [tilespmem:s15], [sflag:$0x3], $0x80, s25, s14, $0xb8;
	[tilespmem:$0x1E800] =	vst v63  }
0x38: {  	_ =	swait.ge [sflag:s10], $0x4000  }
0x39: {  	[sflag:s10] =	ssyncset.done $0x0  }
0x3a: {  	[sflag:s10] =	ssyncadd.s32 $0xFFFFC000  }
0x3b: {  	_ =	swait.ge [sflag:s18], $0x4000  }
0x3c: {  	[sflag:s18] =	ssyncset.done $0x0  }
0x3d: {  	s25 =	sadd.s32 $0x100, s24;
	[sflag:s18] =	ssyncadd.s32 $0xFFFFC000  }
0x3e: {  	[tilespmem:s15], [sflag:$0x1] =	stream.indirect.gather [hbm4b:s4+s14], $0x80, s25, s14, $0xb8;
	[tilespmem:$0x1E800] =	vst v63  }
.Ltmp0:
0x3f: {  	_ = 	snop;
	(pc) =	sbr.rel @p0 .LBB2_2-.Ltmp0, $4  }
0x40: {  	s24 =	sadd.s32 $0x1480, s24  }
0x41: {  	[spmem:s2] =	stream.indirect.scatter.add.f32 [tilespmem:s17], [sflag:$0x3], $0x80, s24, s14, $0xb8;
	[tilespmem:$0x1E800] =	vst v63  }
0x42: {  	_ =	swait.ge [sflag:s10], $0x4000  }
0x43: {  	[sflag:s10] =	ssyncset.done $0x0  }
0x44: {  	[sflag:s10] =	ssyncadd.s32 $0xFFFFC000  }
0x45: {  	_ =	swait.ge [sflag:s16], $0x4000  }
0x46: {  	[sflag:s16] =	ssyncset.done $0x0  }
0x47: {  	[sflag:s16] =	ssyncadd.s32 $0xFFFFC000  }
0x48: {  	[tilespmem:s17], [sflag:$0x2] =	stream.indirect.gather [hbm4b:s4+s14], $0x80, s19, s14, $0xb8;
	[tilespmem:$0x1E800] =	vst v63  }
0x49: {  	_ = 	snop  }
0x4a: {  	[spmem:s2] =	stream.indirect.scatter.add.f32 [tilespmem:s15], [sflag:$0x3], $0x80, s20, s14, $0xb8;
	[tilespmem:$0x1E800] =	vst v63  }
0x4b: {  	_ =	swait.ge [sflag:s10], $0x4000  }
0x4c: {  	[sflag:s10] =	ssyncset.done $0x0  }
0x4d: {  	[sflag:s10] =	ssyncadd.s32 $0xFFFFC000  }
0x4e: {  	_ =	swait.ge [sflag:s18], $0x4000  }
0x4f: {  	[sflag:s18] =	ssyncset.done $0x0  }
0x50: {  	[sflag:s18] =	ssyncadd.s32 $0xFFFFC000  }
0x51: {  	[spmem:s2] =	stream.indirect.scatter.add.f32 [tilespmem:s17], [sflag:$0x3], $0x80, s21, s14, $0xb8;
	[tilespmem:$0x1E800] =	vst v63  }
0x52: {  	_ =	swait.ge [sflag:s10], $0x4000  }
0x53: {  	s22 =	sadd.s32 $0x1, s22;
	[sflag:s10] =	ssyncset.done $0x0  }
0x54: {  	p0 =	sne.s32 s22, s9;
	[sflag:s10] =	ssyncadd.s32 $0xFFFFC000  }
.Ltmp1:
0x55: {  	[bflag:$0x0] =	sbarrier.arrive $0xFFFF;
	(pc) =	sbr.rel @p0 .LBB2_1-.Ltmp1, $4  }
0x56: {  	[hbm:s8], [sflag:s12] =	dma.local [spmem:s13], $0x2800  }
0x57: {  	_ =	swait.ge [sflag:s10], $0x2800  }
0x58: {  	[sflag:s10] =	ssyncset.done $0x0  }
0x59: {  	[sflag:s10] =	ssyncadd.s32 $0xFFFFD800  }
0x5a: {  	_ =	sfence.sel $0x180000  }
0x5b: {  	[bflag:$0x0] =	sbarrier.arrive $0xFFFF  }
0x5c: {  	p0 =	sne.s32 s0, $0x0;
	_ =	strace $0x90000059  }
0x5d: {  	s0 =	sadd.s32 @!p0 $0x100000, s1;
	[bflag:$0x2] =	sbarrier.arrive $0xFFFF  }
0x5e: {  	[sflag:s0] =	ssyncadd.tile.s32 @!p0 $0x1;
	_ =	shalt  }
.Lfunc_end2:
_tile_overlayer_lowered:
.L_overlay_start_2:
0x5f: {  	(tag) =	ssettag $0x2  }
0x60: {  	s0 =	rddreg [dreg:$0x0];
	s2 =	stileid.u32  }
0x61: {  	s1 =	rddreg [dreg:$0x1];
	p0 =	sne.s32 s2, $0x0  }
0x62: {  	s3 =	rddreg [dreg:$0x2];
	[bflag:$0x3] =	sbarrier.arrive $0xFFFF;
	s2 =	simm.s32 @!p0 $0x1C03  }
0x63: {  	[timem:s3], [sflag:s2] =	dma.local @!p0 [hbm:s0], s1  }
0x64: {  	s0 =	simm.s32 @!p0 $0x3  }
0x65: {  	_ =	swait.ge @!p0 [sflag:s0], s1  }
0x66: {  	s1 =	ssub.s32 @!p0 $0x0, s1;
	[sflag:s0] =	ssyncset.done @!p0 $0x0  }
0x67: {  	[sflag:s0] =	ssyncadd.s32 @!p0 s1  }
0x68: {  	[bflag:$0x3] =	sbarrier.arrive $0xFFFF  }
0x69: {  	_ =	shalt  }

</sc_bundles>
